<compile_context>
chip_gen: v7x
topology: tpu7x:2x2x1
jax: 0.10.2.dev20260603
libtpu: 0.0.44.dev20260713+nightly
codegen_flags: <defaults>
</compile_context>

<pallas_src>
import functools

import jax
import jax.numpy as jnp
from jax import lax
from jax.experimental import pallas as pl
from jax.experimental.pallas import tpu as pltpu
from jax.experimental.pallas import tpu_sc as plsc

LEVELS = 256
OFF = 5
B, H, W = 16, 512, 512
PAIRS_PER_ROW = W - OFF
NPAIRS = H * PAIRS_PER_ROW
NC, NS, L = 2, 16, 16
NW = NC * NS
ROWS_PER_WORKER = H // 2
CHUNK_ROWS = 64
NCHUNK = ROWS_PER_WORKER // CHUNK_ROWS
VECS_PER_ROW = W // L
MAGIC = 12582912.0
_PERM_DN = lax.GatherDimensionNumbers(
    offset_dims=(), collapsed_slice_dims=(0,), start_index_map=(0,))


def _lane_perm(vec, idx):
    return lax.gather(vec, idx[:, None], _PERM_DN, slice_sizes=(1,),
                      mode=lax.GatherScatterMode.PROMISE_IN_BOUNDS)


def _glcm_body(x_hbm, out_hbm, buf0, buf1, stage, smin, smax, res,
               sem0, sem1):
    c = lax.axis_index("c")
    s = lax.axis_index("s")
    img = c * (B // NC) + s // 2
    half = s % 2
    row0 = img * H + half * ROWS_PER_WORKER

    def fetch(ch, buf, sem):
        return pltpu.async_copy(
            x_hbm.at[pl.ds(row0 + ch * CHUNK_ROWS, CHUNK_ROWS), :], buf, sem)

    def wait_fetch(ch, buf, sem):
        pltpu.make_async_copy(
            x_hbm.at[pl.ds(row0 + ch * CHUNK_ROWS, CHUNK_ROWS), :], buf,
            sem).wait()

    iota = lax.iota(jnp.int32, L)
    idx5 = (iota + OFF) & (L - 1)
    ge5 = iota >= OFF
    tail_mask = iota < (PAIRS_PER_ROW - (VECS_PER_ROW - 1) * L)

    NPAIR = NCHUNK // 2

    def run_pass(process, carry):
        def pair_body(p, carry):
            ch = 2 * p
            fetch(ch + 1, buf1, sem1)
            wait_fetch(ch, buf0, sem0)
            carry = plsc.parallel_loop(0, CHUNK_ROWS,
                                       carry=carry)(process(buf0))
            fetch((ch + 2) % NCHUNK, buf0, sem0)
            wait_fetch(ch + 1, buf1, sem1)
            carry = plsc.parallel_loop(0, CHUNK_ROWS,
                                       carry=carry)(process(buf1))
            return carry

        return lax.fori_loop(0, NPAIR, pair_body, carry)

    fetch(0, buf0, sem0)
    big = jnp.full((L,), jnp.inf, jnp.float32)

    def mbody(_buf):
        def body(r, carry):
            mn, mx = carry
            mn, mx = list(mn), list(mx)
            for j in range(VECS_PER_ROW):
                v = _buf[r, pl.ds(j * L, L)]
                k = j % 4
                mn[k] = jnp.minimum(mn[k], v)
                mx[k] = jnp.maximum(mx[k], v)
            return tuple(mn), tuple(mx)
        return body

    mns, mxs = run_pass(mbody, ((big,) * 4, (-big,) * 4))
    mn = jnp.minimum(jnp.minimum(mns[0], mns[1]), jnp.minimum(mns[2], mns[3]))
    mx = jnp.maximum(jnp.maximum(mxs[0], mxs[1]), jnp.maximum(mxs[2], mxs[3]))

    stage[...] = mn
    pltpu.sync_copy(stage, smin.at[s])
    stage[...] = mx
    pltpu.sync_copy(stage, smax.at[s])
    plsc.subcore_barrier()
    pltpu.sync_copy(smin.at[s ^ 1], stage)
    mn = jnp.minimum(mn, stage[...])
    pltpu.sync_copy(smax.at[s ^ 1], stage)
    mx = jnp.maximum(mx, stage[...])

    def _xor_allreduce(vec, op):
        for sh in (1, 2, 4, 8):
            vec = op(vec, _lane_perm(vec, iota ^ sh))
        return vec

    mn = _xor_allreduce(mn, jnp.minimum)
    mx = _xor_allreduce(mx, jnp.maximum)
    scale = (LEVELS - 1.0) / (mx - mn)
    shiftm = MAGIC - mn * scale

    def rbody(_buf):
        def body(r, accs):
            a0, a1 = accs
            q_prev = _buf[r, pl.ds(0, L)] * scale + shiftm
            for j in range(1, VECS_PER_ROW):
                q = _buf[r, pl.ds(j * L, L)] * scale + shiftm
                u = jnp.where(ge5, q_prev, q)
                d = q_prev - _lane_perm(u, idx5)
                if j % 2:
                    a0 = a0 + d * d
                else:
                    a1 = a1 + d * d
                q_prev = q
            d = q_prev - _lane_perm(q_prev, idx5)
            a1 = a1 + jnp.where(tail_mask, d * d, 0.0)
            return a0, a1
        return body

    zero = jnp.zeros((L,), jnp.float32)
    accs = run_pass(rbody, (zero, zero))
    wait_fetch(0, buf0, sem0)

    wid = c * NS + s
    res[...] = accs[0] + accs[1]
    pltpu.sync_copy(res, out_hbm.at[pl.ds(wid * L, L)])


_glcm_call = functools.partial(
    pl.kernel,
    out_type=jax.ShapeDtypeStruct((NW * L,), jnp.float32),
    mesh=plsc.VectorSubcoreMesh(core_axis_name="c", subcore_axis_name="s",
                                num_cores=NC, num_subcores=NS),
    compiler_params=pltpu.CompilerParams(needs_layout_passes=False,
                                         use_tc_tiling_on_sc=True),
    scratch_types=[
        pltpu.VMEM((CHUNK_ROWS, W), jnp.float32),
        pltpu.VMEM((CHUNK_ROWS, W), jnp.float32),
        pltpu.VMEM((L,), jnp.float32),
        pltpu.VMEM_SHARED((NS, L), jnp.float32),
        pltpu.VMEM_SHARED((NS, L), jnp.float32),
        pltpu.VMEM((L,), jnp.float32),
        pltpu.SemaphoreType.DMA,
        pltpu.SemaphoreType.DMA,
    ],
)(_glcm_body)


def kernel(x):
    x2 = x.reshape(B * H, W)
    lane_partials = _glcm_call(x2)
    total = lane_partials.reshape(B, 2 * L).sum(axis=1)
    contrast = total / jnp.float32(NPAIRS)
    return contrast.reshape(B, 1, 1, 1).astype(jnp.float32)

# --- scband reference (transcript-rebuilt; emitter-appended) ---
"""Pipeline reference for scband-texture-extractor-32504312496377 (READ-ONLY COPY).

The authoritative reference and input builder live on the scoring server;
editing this copy changes nothing except your own understanding.
"""

import jax, jax.numpy as jnp
import numpy as np
import math

LEVELS = 256
SPATIAL = [5]
ANGULAR = [0]


def _glcm_contrast(img, d, theta_deg):
    levels = LEVELS
    imn = img.min()
    imx = img.max()
    q = jnp.round((levels - 1) * (img - imn) / (imx - imn)).astype(jnp.int32)
    q = jax.lax.stop_gradient(q)
    rad = theta_deg * math.pi / 180.0
    orow = int(round(math.sin(rad) * d))
    ocol = int(round(math.cos(rad) * d))
    rows, cols = img.shape[-2], img.shape[-1]
    sr = 0 if orow > 0 else -orow
    er = rows - orow if orow > 0 else rows
    sc = 0 if ocol > 0 else -ocol
    ec = cols - ocol if ocol > 0 else cols
    a = q[..., sr:er, sc:ec].reshape(-1)
    b = q[..., sr + orow:er + orow, sc + ocol:ec + ocol].reshape(-1)
    flat = a * levels + b
    counts = jnp.zeros((levels * levels,), jnp.float32).at[flat].add(1.0)
    glcm = counts.reshape(levels, levels)
    glcm = glcm + glcm.T
    s = glcm.sum()
    s = jnp.where(s == 0, 1.0, s)
    p = glcm / s
    ii, jj = jnp.meshgrid(jnp.arange(levels, dtype=jnp.float32), jnp.arange(levels, dtype=jnp.float32), indexing='ij')
    return (((ii - jj) ** 2) * p).sum()


def setup_inputs(seed: int = 0) -> dict:
    key = jax.random.key(seed)
    x = jax.random.uniform(key, (16, 1, 512, 512), dtype=jnp.float32)
    return {"x": x}


def reference(x):
    B = x.shape[0]
    feats = []
    for i in range(B):
        vals = [_glcm_contrast(x[i], d, th) for d in SPATIAL for th in ANGULAR]
        feats.append(jnp.stack(vals).reshape(1, len(SPATIAL), len(ANGULAR)))
    return jnp.stack(feats, axis=0)

if __name__ == "__main__":
    import jax
    _d = setup_inputs()
    print(jax.jit(kernel)(*tuple(_d.values())))

</pallas_src>

<mosaic_0001>
#map = affine_map<(d0, d1) -> (0, 0)>
#map1 = affine_map<(d0, d1) -> (0)>
module attributes {stable_mosaic.version = 14 : i64} {
  func.func @_glcm_body(%arg0: i32, %arg1: i32, %arg2: memref<8192x512xf32, #tpu.memory_space<hbm>>, %arg3: memref<512xf32, #tpu.memory_space<hbm>>, %arg4: memref<64x512xf32, #tpu.memory_space<vmem>>, %arg5: memref<64x512xf32, #tpu.memory_space<vmem>>, %arg6: memref<16xf32, #tpu.memory_space<vmem>>, %arg7: memref<16x16xf32, #tpu.memory_space<vmem_shared>>, %arg8: memref<16x16xf32, #tpu.memory_space<vmem_shared>>, %arg9: memref<16xf32, #tpu.memory_space<vmem>>, %arg10: memref<!tpu.dma_semaphore, #tpu.memory_space<semaphore_mem>>, %arg11: memref<!tpu.dma_semaphore, #tpu.memory_space<semaphore_mem>>) attributes {dimension_semantics = [#tpu.dimension_semantics<core_parallel>, #tpu.dimension_semantics<subcore_parallel>], iteration_bounds = array<i64: 2, 16>, scalar_prefetch = 0 : i64, scratch_operands = 8 : i64, tpu.core_type = #tpu.core_type<sc_vector_subcore>, window_params = [{transform_indices = #map}, {transform_indices = #map1}]} {
    %mul3A = arith.constant 8 : i32
    %mul3A_0 = arith.muli %arg0, %mul3A : i32
    %jit3A = arith.constant 2 : i32
    %div3A = arith.divsi %arg1, %jit3A : i32
    %sign3A = arith.constant 0 : i32
    %sign3A_1 = arith.cmpi sgt, %arg1, %sign3A : i32
    %sign3A_2 = arith.extui %sign3A_1 : i1 to i32
    %sign3A_3 = arith.constant 0 : i32
    %sign3A_4 = arith.cmpi slt, %arg1, %sign3A_3 : i32
    %sign3A_5 = arith.extui %sign3A_4 : i1 to i32
    %sign3A_6 = arith.subi %sign3A_2, %sign3A_5 : i32
    %sign3A_7 = arith.constant 0 : i32
    %sign3A_8 = arith.cmpi sgt, %jit3A, %sign3A_7 : i32
    %sign3A_9 = arith.extui %sign3A_8 : i1 to i32
    %sign3A_10 = arith.constant 0 : i32
    %sign3A_11 = arith.cmpi slt, %jit3A, %sign3A_10 : i32
    %sign3A_12 = arith.extui %sign3A_11 : i1 to i32
    %sign3A_13 = arith.subi %sign3A_9, %sign3A_12 : i32
    %ne3A = arith.cmpi ne, %sign3A_6, %sign3A_13 : i32
    %rem3A = arith.remsi %arg1, %jit3A : i32
    %ne3A_14 = arith.constant 0 : i32
    %ne3A_15 = arith.cmpi ne, %rem3A, %ne3A_14 : i32
    %and3A = arith.andi %ne3A, %ne3A_15 : i1
    %sub3A = arith.constant 1 : i32
    %sub3A_16 = arith.subi %div3A, %sub3A : i32
    %select_n3A = arith.select %and3A, %sub3A_16, %div3A : i32
    %add3A = arith.addi %mul3A_0, %select_n3A : i32
    %jit3A_17 = arith.constant 2 : i32
    %eq3A = arith.constant 0 : i32
    %eq3A_18 = arith.cmpi eq, %jit3A_17, %eq3A : i32
    %jit3A_19 = arith.constant 1 : i32
    %select_n3A_20 = arith.select %eq3A_18, %jit3A_19, %jit3A_17 : i32
    %rem3A_21 = arith.remsi %arg1, %select_n3A_20 : i32
    %ne3A_22 = arith.constant 0 : i32
    %ne3A_23 = arith.cmpi ne, %rem3A_21, %ne3A_22 : i32
    %lt3A = arith.constant 0 : i32
    %lt3A_24 = arith.cmpi slt, %rem3A_21, %lt3A : i32
    %lt3A_25 = arith.constant 0 : i32
    %lt3A_26 = arith.cmpi slt, %select_n3A_20, %lt3A_25 : i32
    %ne3A_27 = arith.xori %lt3A_24, %lt3A_26 : i1
    %and3A_28 = arith.andi %ne3A_27, %ne3A_23 : i1
    %add3A_29 = arith.addi %rem3A_21, %select_n3A_20 : i32
    %select_n3A_30 = arith.select %and3A_28, %add3A_29, %rem3A_21 : i32
    %mul3A_31 = arith.constant 512 : i32
    %mul3A_32 = arith.muli %add3A, %mul3A_31 : i32
    %mul3A_33 = arith.constant 256 : i32
    %mul3A_34 = arith.muli %select_n3A_30, %mul3A_33 : i32
    %add3A_35 = arith.addi %mul3A_32, %mul3A_34 : i32
    %iota3A = tpu.iota {dimensions = array<i32: 0>} : vector<16xi32>
    %add3A_36 = arith.constant 5 : i32
    %add3A_37 = vector.broadcast %add3A_36 : i32 to vector<16xi32>
    %add3A_38 = arith.addi %iota3A, %add3A_37 : vector<16xi32>
    %and3A_39 = arith.constant 15 : i32
    %and3A_40 = vector.broadcast %and3A_39 : i32 to vector<16xi32>
    %and3A_41 = arith.andi %add3A_38, %and3A_40 : vector<16xi32>
    %ge3A = arith.constant 5 : i32
    %ge3A_42 = vector.broadcast %ge3A : i32 to vector<16xi32>
    %ge3A_43 = arith.cmpi sge, %iota3A, %ge3A_42 : vector<16xi32>
    %lt3A_44 = arith.constant 11 : i32
    %lt3A_45 = vector.broadcast %lt3A_44 : i32 to vector<16xi32>
    %lt3A_46 = arith.cmpi slt, %iota3A, %lt3A_45 : vector<16xi32>
    %add3A_47 = arith.constant 0 : i32
    %add3A_48 = arith.addi %add3A_35, %add3A_47 : i32
    %dma_start3A = arith.constant 0 : i32
    %dma_start3A_49 = tpu.memref_slice %arg2[%add3A_48, %dma_start3A] : memref<8192x512xf32, #tpu.memory_space<hbm>> -> memref<64x512xf32, #tpu.memory_space<hbm>>
    %dma_start3A_50 = arith.constant 0 : i32
    %dma_start3A_51 = tpu.memref_slice %arg2[%add3A_48, %dma_start3A_50] : memref<8192x512xf32, #tpu.memory_space<hbm>> -> memref<64x512xf32, #tpu.memory_space<hbm>>
    tpu.enqueue_dma source(%dma_start3A_51 : memref<64x512xf32, #tpu.memory_space<hbm>>) target(%arg4 : memref<64x512xf32, #tpu.memory_space<vmem>>) target_semaphore(%arg10 : memref<!tpu.dma_semaphore, #tpu.memory_space<semaphore_mem>>)
    %broadcast_in_dim3A = arith.constant 0x7F800000 : f32
    %broadcast_in_dim3A_52 = vector.broadcast %broadcast_in_dim3A : f32 to vector<16xf32>
    %neg3A = arith.constant 0.000000e+00 : f32
    %neg3A_53 = vector.broadcast %neg3A : f32 to vector<16xf32>
    %neg3A_54 = arith.subf %neg3A_53, %broadcast_in_dim3A_52 : vector<16xf32>
    %scan3A = arith.constant 0 : i32
    %scan3A_55 = arith.constant 2 : i32
    %scan3A_56 = arith.addi %scan3A, %scan3A_55 : i32
    %scan3A_57 = arith.constant 1 : i32
    %scan3A_58:8 = scf.for %scan3A_159 = %scan3A to %scan3A_56 step %scan3A_57 iter_args(%scan3A_160 = %broadcast_in_dim3A_52, %scan3A_161 = %broadcast_in_dim3A_52, %scan3A_162 = %broadcast_in_dim3A_52, %scan3A_163 = %broadcast_in_dim3A_52, %scan3A_164 = %neg3A_54, %scan3A_165 = %neg3A_54, %scan3A_166 = %neg3A_54, %scan3A_167 = %neg3A_54) -> (vector<16xf32>, vector<16xf32>, vector<16xf32>, vector<16xf32>, vector<16xf32>, vector<16xf32>, vector<16xf32>, vector<16xf32>)  : i32 {
      %mul3A_168 = arith.constant 2 : i32
      %mul3A_169 = arith.muli %mul3A_168, %scan3A_159 : i32
      %add3A_170 = arith.constant 1 : i32
      %add3A_171 = arith.addi %mul3A_169, %add3A_170 : i32
      %mul3A_172 = arith.constant 64 : i32
      %mul3A_173 = arith.muli %add3A_171, %mul3A_172 : i32
      %add3A_174 = arith.addi %add3A_35, %mul3A_173 : i32
      %dma_start3A_175 = arith.constant 0 : i32
      %dma_start3A_176 = tpu.memref_slice %arg2[%add3A_174, %dma_start3A_175] : memref<8192x512xf32, #tpu.memory_space<hbm>> -> memref<64x512xf32, #tpu.memory_space<hbm>>
      %dma_start3A_177 = arith.constant 0 : i32
      %dma_start3A_178 = tpu.memref_slice %arg2[%add3A_174, %dma_start3A_177] : memref<8192x512xf32, #tpu.memory_space<hbm>> -> memref<64x512xf32, #tpu.memory_space<hbm>>
      tpu.enqueue_dma source(%dma_start3A_178 : memref<64x512xf32, #tpu.memory_space<hbm>>) target(%arg5 : memref<64x512xf32, #tpu.memory_space<vmem>>) target_semaphore(%arg11 : memref<!tpu.dma_semaphore, #tpu.memory_space<semaphore_mem>>)
      %mul3A_179 = arith.constant 64 : i32
      %mul3A_180 = arith.muli %mul3A_169, %mul3A_179 : i32
      %add3A_181 = arith.addi %add3A_35, %mul3A_180 : i32
      %dma_wait3A_182 = arith.constant 0 : i32
      %dma_wait3A_183 = tpu.memref_slice %arg2[%add3A_181, %dma_wait3A_182] : memref<8192x512xf32, #tpu.memory_space<hbm>> -> memref<64x512xf32, #tpu.memory_space<hbm>>
      %dma_wait3A_184 = arith.constant 0 : i32
      %dma_wait3A_185 = tpu.memref_slice %arg2[%add3A_181, %dma_wait3A_184] : memref<8192x512xf32, #tpu.memory_space<hbm>> -> memref<64x512xf32, #tpu.memory_space<hbm>>
      tpu.wait_dma2 semaphore(%arg10 : memref<!tpu.dma_semaphore, #tpu.memory_space<semaphore_mem>>) src(%dma_wait3A_185 : memref<64x512xf32, #tpu.memory_space<hbm>>) dst(%arg4 : memref<64x512xf32, #tpu.memory_space<vmem>>)
      %parallel_loop3A = arith.constant 0 : i32
      %parallel_loop3A_186 = arith.constant 64 : i32
      %parallel_loop3A_187 = arith.constant 1 : i32
      %parallel_loop3A_188:8 = scf.for %parallel_loop3A_227 = %parallel_loop3A to %parallel_loop3A_186 step %parallel_loop3A_187 iter_args(%parallel_loop3A_228 = %scan3A_160, %parallel_loop3A_229 = %scan3A_161, %parallel_loop3A_230 = %scan3A_162, %parallel_loop3A_231 = %scan3A_163, %parallel_loop3A_232 = %scan3A_164, %parallel_loop3A_233 = %scan3A_165, %parallel_loop3A_234 = %scan3A_166, %parallel_loop3A_235 = %scan3A_167) -> (vector<16xf32>, vector<16xf32>, vector<16xf32>, vector<16xf32>, vector<16xf32>, vector<16xf32>, vector<16xf32>, vector<16xf32>)  : i32 {
        %parallel_loop3A_236 = arith.index_cast %parallel_loop3A_227 : i32 to index
        %parallel_loop3A_237 = arith.constant 0 : index
        %parallel_loop3A_238 = tpu.vector_load %arg4[%parallel_loop3A_236, %parallel_loop3A_237] {strides = array<i32>} : memref<64x512xf32, #tpu.memory_space<vmem>>, vector<16xf32>,
        %parallel_loop3A_239 = arith.minimumf %parallel_loop3A_228, %parallel_loop3A_238 : vector<16xf32>
        %parallel_loop3A_240 = arith.maximumf %parallel_loop3A_232, %parallel_loop3A_238 : vector<16xf32>
        %parallel_loop3A_241 = arith.index_cast %parallel_loop3A_227 : i32 to index
        %parallel_loop3A_242 = arith.constant 16 : index
        %parallel_loop3A_243 = tpu.vector_load %arg4[%parallel_loop3A_241, %parallel_loop3A_242] {strides = array<i32>} : memref<64x512xf32, #tpu.memory_space<vmem>>, vector<16xf32>,
        %parallel_loop3A_244 = arith.minimumf %parallel_loop3A_229, %parallel_loop3A_243 : vector<16xf32>
        %parallel_loop3A_245 = arith.maximumf %parallel_loop3A_233, %parallel_loop3A_243 : vector<16xf32>
        %parallel_loop3A_246 = arith.index_cast %parallel_loop3A_227 : i32 to index
        %parallel_loop3A_247 = arith.constant 32 : index
        %parallel_loop3A_248 = tpu.vector_load %arg4[%parallel_loop3A_246, %parallel_loop3A_247] {strides = array<i32>} : memref<64x512xf32, #tpu.memory_space<vmem>>, vector<16xf32>,
        %parallel_loop3A_249 = arith.minimumf %parallel_loop3A_230, %parallel_loop3A_248 : vector<16xf32>
        %parallel_loop3A_250 = arith.maximumf %parallel_loop3A_234, %parallel_loop3A_248 : vector<16xf32>
        %parallel_loop3A_251 = arith.index_cast %parallel_loop3A_227 : i32 to index
        %parallel_loop3A_252 = arith.constant 48 : index
        %parallel_loop3A_253 = tpu.vector_load %arg4[%parallel_loop3A_251, %parallel_loop3A_252] {strides = array<i32>} : memref<64x512xf32, #tpu.memory_space<vmem>>, vector<16xf32>,
        %parallel_loop3A_254 = arith.minimumf %parallel_loop3A_231, %parallel_loop3A_253 : vector<16xf32>
        %parallel_loop3A_255 = arith.maximumf %parallel_loop3A_235, %parallel_loop3A_253 : vector<16xf32>
        %parallel_loop3A_256 = arith.index_cast %parallel_loop3A_227 : i32 to index
        %parallel_loop3A_257 = arith.constant 64 : index
        %parallel_loop3A_258 = tpu.vector_load %arg4[%parallel_loop3A_256, %parallel_loop3A_257] {strides = array<i32>} : memref<64x512xf32, #tpu.memory_space<vmem>>, vector<16xf32>,
        %parallel_loop3A_259 = arith.minimumf %parallel_loop3A_239, %parallel_loop3A_258 : vector<16xf32>
        %parallel_loop3A_260 = arith.maximumf %parallel_loop3A_240, %parallel_loop3A_258 : vector<16xf32>
        %parallel_loop3A_261 = arith.index_cast %parallel_loop3A_227 : i32 to index
        %parallel_loop3A_262 = arith.constant 80 : index
        %parallel_loop3A_263 = tpu.vector_load %arg4[%parallel_loop3A_261, %parallel_loop3A_262] {strides = array<i32>} : memref<64x512xf32, #tpu.memory_space<vmem>>, vector<16xf32>,
        %parallel_loop3A_264 = arith.minimumf %parallel_loop3A_244, %parallel_loop3A_263 : vector<16xf32>
        %parallel_loop3A_265 = arith.maximumf %parallel_loop3A_245, %parallel_loop3A_263 : vector<16xf32>
        %parallel_loop3A_266 = arith.index_cast %parallel_loop3A_227 : i32 to index
        %parallel_loop3A_267 = arith.constant 96 : index
        %parallel_loop3A_268 = tpu.vector_load %arg4[%parallel_loop3A_266, %parallel_loop3A_267] {strides = array<i32>} : memref<64x512xf32, #tpu.memory_space<vmem>>, vector<16xf32>,
        %parallel_loop3A_269 = arith.minimumf %parallel_loop3A_249, %parallel_loop3A_268 : vector<16xf32>
        %parallel_loop3A_270 = arith.maximumf %parallel_loop3A_250, %parallel_loop3A_268 : vector<16xf32>
        %parallel_loop3A_271 = arith.index_cast %parallel_loop3A_227 : i32 to index
        %parallel_loop3A_272 = arith.constant 112 : index
        %parallel_loop3A_273 = tpu.vector_load %arg4[%parallel_loop3A_271, %parallel_loop3A_272] {strides = array<i32>} : memref<64x512xf32, #tpu.memory_space<vmem>>, vector<16xf32>,
        %parallel_loop3A_274 = arith.minimumf %parallel_loop3A_254, %parallel_loop3A_273 : vector<16xf32>
        %parallel_loop3A_275 = arith.maximumf %parallel_loop3A_255, %parallel_loop3A_273 : vector<16xf32>
        %parallel_loop3A_276 = arith.index_cast %parallel_loop3A_227 : i32 to index
        %parallel_loop3A_277 = arith.constant 128 : index
        %parallel_loop3A_278 = tpu.vector_load %arg4[%parallel_loop3A_276, %parallel_loop3A_277] {strides = array<i32>} : memref<64x512xf32, #tpu.memory_space<vmem>>, vector<16xf32>,
        %parallel_loop3A_279 = arith.minimumf %parallel_loop3A_259, %parallel_loop3A_278 : vector<16xf32>
        %parallel_loop3A_280 = arith.maximumf %parallel_loop3A_260, %parallel_loop3A_278 : vector<16xf32>
        %parallel_loop3A_281 = arith.index_cast %parallel_loop3A_227 : i32 to index
        %parallel_loop3A_282 = arith.constant 144 : index
        %parallel_loop3A_283 = tpu.vector_load %arg4[%parallel_loop3A_281, %parallel_loop3A_282] {strides = array<i32>} : memref<64x512xf32, #tpu.memory_space<vmem>>, vector<16xf32>,
        %parallel_loop3A_284 = arith.minimumf %parallel_loop3A_264, %parallel_loop3A_283 : vector<16xf32>
        %parallel_loop3A_285 = arith.maximumf %parallel_loop3A_265, %parallel_loop3A_283 : vector<16xf32>
        %parallel_loop3A_286 = arith.index_cast %parallel_loop3A_227 : i32 to index
        %parallel_loop3A_287 = arith.constant 160 : index
        %parallel_loop3A_288 = tpu.vector_load %arg4[%parallel_loop3A_286, %parallel_loop3A_287] {strides = array<i32>} : memref<64x512xf32, #tpu.memory_space<vmem>>, vector<16xf32>,
        %parallel_loop3A_289 = arith.minimumf %parallel_loop3A_269, %parallel_loop3A_288 : vector<16xf32>
        %parallel_loop3A_290 = arith.maximumf %parallel_loop3A_270, %parallel_loop3A_288 : vector<16xf32>
        %parallel_loop3A_291 = arith.index_cast %parallel_loop3A_227 : i32 to index
        %parallel_loop3A_292 = arith.constant 176 : index
        %parallel_loop3A_293 = tpu.vector_load %arg4[%parallel_loop3A_291, %parallel_loop3A_292] {strides = array<i32>} : memref<64x512xf32, #tpu.memory_space<vmem>>, vector<16xf32>,
        %parallel_loop3A_294 = arith.minimumf %parallel_loop3A_274, %parallel_loop3A_293 : vector<16xf32>
        %parallel_loop3A_295 = arith.maximumf %parallel_loop3A_275, %parallel_loop3A_293 : vector<16xf32>
        %parallel_loop3A_296 = arith.index_cast %parallel_loop3A_227 : i32 to index
        %parallel_loop3A_297 = arith.constant 192 : index
        %parallel_loop3A_298 = tpu.vector_load %arg4[%parallel_loop3A_296, %parallel_loop3A_297] {strides = array<i32>} : memref<64x512xf32, #tpu.memory_space<vmem>>, vector<16xf32>,
        %parallel_loop3A_299 = arith.minimumf %parallel_loop3A_279, %parallel_loop3A_298 : vector<16xf32>
        %parallel_loop3A_300 = arith.maximumf %parallel_loop3A_280, %parallel_loop3A_298 : vector<16xf32>
        %parallel_loop3A_301 = arith.index_cast %parallel_loop3A_227 : i32 to index
        %parallel_loop3A_302 = arith.constant 208 : index
        %parallel_loop3A_303 = tpu.vector_load %arg4[%parallel_loop3A_301, %parallel_loop3A_302] {strides = array<i32>} : memref<64x512xf32, #tpu.memory_space<vmem>>, vector<16xf32>,
        %parallel_loop3A_304 = arith.minimumf %parallel_loop3A_284, %parallel_loop3A_303 : vector<16xf32>
        %parallel_loop3A_305 = arith.maximumf %parallel_loop3A_285, %parallel_loop3A_303 : vector<16xf32>
        %parallel_loop3A_306 = arith.index_cast %parallel_loop3A_227 : i32 to index
        %parallel_loop3A_307 = arith.constant 224 : index
        %parallel_loop3A_308 = tpu.vector_load %arg4[%parallel_loop3A_306, %parallel_loop3A_307] {strides = array<i32>} : memref<64x512xf32, #tpu.memory_space<vmem>>, vector<16xf32>,
        %parallel_loop3A_309 = arith.minimumf %parallel_loop3A_289, %parallel_loop3A_308 : vector<16xf32>
        %parallel_loop3A_310 = arith.maximumf %parallel_loop3A_290, %parallel_loop3A_308 : vector<16xf32>
        %parallel_loop3A_311 = arith.index_cast %parallel_loop3A_227 : i32 to index
        %parallel_loop3A_312 = arith.constant 240 : index
        %parallel_loop3A_313 = tpu.vector_load %arg4[%parallel_loop3A_311, %parallel_loop3A_312] {strides = array<i32>} : memref<64x512xf32, #tpu.memory_space<vmem>>, vector<16xf32>,
        %parallel_loop3A_314 = arith.minimumf %parallel_loop3A_294, %parallel_loop3A_313 : vector<16xf32>
        %parallel_loop3A_315 = arith.maximumf %parallel_loop3A_295, %parallel_loop3A_313 : vector<16xf32>
        %parallel_loop3A_316 = arith.index_cast %parallel_loop3A_227 : i32 to index
        %parallel_loop3A_317 = arith.constant 256 : index
        %parallel_loop3A_318 = tpu.vector_load %arg4[%parallel_loop3A_316, %parallel_loop3A_317] {strides = array<i32>} : memref<64x512xf32, #tpu.memory_space<vmem>>, vector<16xf32>,
        %parallel_loop3A_319 = arith.minimumf %parallel_loop3A_299, %parallel_loop3A_318 : vector<16xf32>
        %parallel_loop3A_320 = arith.maximumf %parallel_loop3A_300, %parallel_loop3A_318 : vector<16xf32>
        %parallel_loop3A_321 = arith.index_cast %parallel_loop3A_227 : i32 to index
        %parallel_loop3A_322 = arith.constant 272 : index
        %parallel_loop3A_323 = tpu.vector_load %arg4[%parallel_loop3A_321, %parallel_loop3A_322] {strides = array<i32>} : memref<64x512xf32, #tpu.memory_space<vmem>>, vector<16xf32>,
        %parallel_loop3A_324 = arith.minimumf %parallel_loop3A_304, %parallel_loop3A_323 : vector<16xf32>
        %parallel_loop3A_325 = arith.maximumf %parallel_loop3A_305, %parallel_loop3A_323 : vector<16xf32>
        %parallel_loop3A_326 = arith.index_cast %parallel_loop3A_227 : i32 to index
        %parallel_loop3A_327 = arith.constant 288 : index
        %parallel_loop3A_328 = tpu.vector_load %arg4[%parallel_loop3A_326, %parallel_loop3A_327] {strides = array<i32>} : memref<64x512xf32, #tpu.memory_space<vmem>>, vector<16xf32>,
        %parallel_loop3A_329 = arith.minimumf %parallel_loop3A_309, %parallel_loop3A_328 : vector<16xf32>
        %parallel_loop3A_330 = arith.maximumf %parallel_loop3A_310, %parallel_loop3A_328 : vector<16xf32>
        %parallel_loop3A_331 = arith.index_cast %parallel_loop3A_227 : i32 to index
        %parallel_loop3A_332 = arith.constant 304 : index
        %parallel_loop3A_333 = tpu.vector_load %arg4[%parallel_loop3A_331, %parallel_loop3A_332] {strides = array<i32>} : memref<64x512xf32, #tpu.memory_space<vmem>>, vector<16xf32>,
        %parallel_loop3A_334 = arith.minimumf %parallel_loop3A_314, %parallel_loop3A_333 : vector<16xf32>
        %parallel_loop3A_335 = arith.maximumf %parallel_loop3A_315, %parallel_loop3A_333 : vector<16xf32>
        %parallel_loop3A_336 = arith.index_cast %parallel_loop3A_227 : i32 to index
        %parallel_loop3A_337 = arith.constant 320 : index
        %parallel_loop3A_338 = tpu.vector_load %arg4[%parallel_loop3A_336, %parallel_loop3A_337] {strides = array<i32>} : memref<64x512xf32, #tpu.memory_space<vmem>>, vector<16xf32>,
        %parallel_loop3A_339 = arith.minimumf %parallel_loop3A_319, %parallel_loop3A_338 : vector<16xf32>
        %parallel_loop3A_340 = arith.maximumf %parallel_loop3A_320, %parallel_loop3A_338 : vector<16xf32>
        %parallel_loop3A_341 = arith.index_cast %parallel_loop3A_227 : i32 to index
        %parallel_loop3A_342 = arith.constant 336 : index
        %parallel_loop3A_343 = tpu.vector_load %arg4[%parallel_loop3A_341, %parallel_loop3A_342] {strides = array<i32>} : memref<64x512xf32, #tpu.memory_space<vmem>>, vector<16xf32>,
        %parallel_loop3A_344 = arith.minimumf %parallel_loop3A_324, %parallel_loop3A_343 : vector<16xf32>
        %parallel_loop3A_345 = arith.maximumf %parallel_loop3A_325, %parallel_loop3A_343 : vector<16xf32>
        %parallel_loop3A_346 = arith.index_cast %parallel_loop3A_227 : i32 to index
        %parallel_loop3A_347 = arith.constant 352 : index
        %parallel_loop3A_348 = tpu.vector_load %arg4[%parallel_loop3A_346, %parallel_loop3A_347] {strides = array<i32>} : memref<64x512xf32, #tpu.memory_space<vmem>>, vector<16xf32>,
        %parallel_loop3A_349 = arith.minimumf %parallel_loop3A_329, %parallel_loop3A_348 : vector<16xf32>
        %parallel_loop3A_350 = arith.maximumf %parallel_loop3A_330, %parallel_loop3A_348 : vector<16xf32>
        %parallel_loop3A_351 = arith.index_cast %parallel_loop3A_227 : i32 to index
        %parallel_loop3A_352 = arith.constant 368 : index
        %parallel_loop3A_353 = tpu.vector_load %arg4[%parallel_loop3A_351, %parallel_loop3A_352] {strides = array<i32>} : memref<64x512xf32, #tpu.memory_space<vmem>>, vector<16xf32>,
        %parallel_loop3A_354 = arith.minimumf %parallel_loop3A_334, %parallel_loop3A_353 : vector<16xf32>
        %parallel_loop3A_355 = arith.maximumf %parallel_loop3A_335, %parallel_loop3A_353 : vector<16xf32>
        %parallel_loop3A_356 = arith.index_cast %parallel_loop3A_227 : i32 to index
        %parallel_loop3A_357 = arith.constant 384 : index
        %parallel_loop3A_358 = tpu.vector_load %arg4[%parallel_loop3A_356, %parallel_loop3A_357] {strides = array<i32>} : memref<64x512xf32, #tpu.memory_space<vmem>>, vector<16xf32>,
        %parallel_loop3A_359 = arith.minimumf %parallel_loop3A_339, %parallel_loop3A_358 : vector<16xf32>
        %parallel_loop3A_360 = arith.maximumf %parallel_loop3A_340, %parallel_loop3A_358 : vector<16xf32>
        %parallel_loop3A_361 = arith.index_cast %parallel_loop3A_227 : i32 to index
        %parallel_loop3A_362 = arith.constant 400 : index
        %parallel_loop3A_363 = tpu.vector_load %arg4[%parallel_loop3A_361, %parallel_loop3A_362] {strides = array<i32>} : memref<64x512xf32, #tpu.memory_space<vmem>>, vector<16xf32>,
        %parallel_loop3A_364 = arith.minimumf %parallel_loop3A_344, %parallel_loop3A_363 : vector<16xf32>
        %parallel_loop3A_365 = arith.maximumf %parallel_loop3A_345, %parallel_loop3A_363 : vector<16xf32>
        %parallel_loop3A_366 = arith.index_cast %parallel_loop3A_227 : i32 to index
        %parallel_loop3A_367 = arith.constant 416 : index
        %parallel_loop3A_368 = tpu.vector_load %arg4[%parallel_loop3A_366, %parallel_loop3A_367] {strides = array<i32>} : memref<64x512xf32, #tpu.memory_space<vmem>>, vector<16xf32>,
        %parallel_loop3A_369 = arith.minimumf %parallel_loop3A_349, %parallel_loop3A_368 : vector<16xf32>
        %parallel_loop3A_370 = arith.maximumf %parallel_loop3A_350, %parallel_loop3A_368 : vector<16xf32>
        %parallel_loop3A_371 = arith.index_cast %parallel_loop3A_227 : i32 to index
        %parallel_loop3A_372 = arith.constant 432 : index
        %parallel_loop3A_373 = tpu.vector_load %arg4[%parallel_loop3A_371, %parallel_loop3A_372] {strides = array<i32>} : memref<64x512xf32, #tpu.memory_space<vmem>>, vector<16xf32>,
        %parallel_loop3A_374 = arith.minimumf %parallel_loop3A_354, %parallel_loop3A_373 : vector<16xf32>
        %parallel_loop3A_375 = arith.maximumf %parallel_loop3A_355, %parallel_loop3A_373 : vector<16xf32>
        %parallel_loop3A_376 = arith.index_cast %parallel_loop3A_227 : i32 to index
        %parallel_loop3A_377 = arith.constant 448 : index
        %parallel_loop3A_378 = tpu.vector_load %arg4[%parallel_loop3A_376, %parallel_loop3A_377] {strides = array<i32>} : memref<64x512xf32, #tpu.memory_space<vmem>>, vector<16xf32>,
        %parallel_loop3A_379 = arith.minimumf %parallel_loop3A_359, %parallel_loop3A_378 : vector<16xf32>
        %parallel_loop3A_380 = arith.maximumf %parallel_loop3A_360, %parallel_loop3A_378 : vector<16xf32>
        %parallel_loop3A_381 = arith.index_cast %parallel_loop3A_227 : i32 to index
        %parallel_loop3A_382 = arith.constant 464 : index
        %parallel_loop3A_383 = tpu.vector_load %arg4[%parallel_loop3A_381, %parallel_loop3A_382] {strides = array<i32>} : memref<64x512xf32, #tpu.memory_space<vmem>>, vector<16xf32>,
        %parallel_loop3A_384 = arith.minimumf %parallel_loop3A_364, %parallel_loop3A_383 : vector<16xf32>
        %parallel_loop3A_385 = arith.maximumf %parallel_loop3A_365, %parallel_loop3A_383 : vector<16xf32>
        %parallel_loop3A_386 = arith.index_cast %parallel_loop3A_227 : i32 to index
        %parallel_loop3A_387 = arith.constant 480 : index
        %parallel_loop3A_388 = tpu.vector_load %arg4[%parallel_loop3A_386, %parallel_loop3A_387] {strides = array<i32>} : memref<64x512xf32, #tpu.memory_space<vmem>>, vector<16xf32>,
        %parallel_loop3A_389 = arith.minimumf %parallel_loop3A_369, %parallel_loop3A_388 : vector<16xf32>
        %parallel_loop3A_390 = arith.maximumf %parallel_loop3A_370, %parallel_loop3A_388 : vector<16xf32>
        %parallel_loop3A_391 = arith.index_cast %parallel_loop3A_227 : i32 to index
        %parallel_loop3A_392 = arith.constant 496 : index
        %parallel_loop3A_393 = tpu.vector_load %arg4[%parallel_loop3A_391, %parallel_loop3A_392] {strides = array<i32>} : memref<64x512xf32, #tpu.memory_space<vmem>>, vector<16xf32>,
        %parallel_loop3A_394 = arith.minimumf %parallel_loop3A_374, %parallel_loop3A_393 : vector<16xf32>
        %parallel_loop3A_395 = arith.maximumf %parallel_loop3A_375, %parallel_loop3A_393 : vector<16xf32>
        scf.yield %parallel_loop3A_379, %parallel_loop3A_384, %parallel_loop3A_389, %parallel_loop3A_394, %parallel_loop3A_380, %parallel_loop3A_385, %parallel_loop3A_390, %parallel_loop3A_395 : vector<16xf32>, vector<16xf32>, vector<16xf32>, vector<16xf32>, vector<16xf32>, vector<16xf32>, vector<16xf32>, vector<16xf32>
      } {sc.loop_unroll_factor = 1 : i64, sc.parallel_access}
      %add3A_189 = arith.constant 2 : i32
      %add3A_190 = arith.addi %mul3A_169, %add3A_189 : i32
      %jit3A_191 = arith.constant 4 : i32
      %eq3A_192 = arith.constant 0 : i32
      %eq3A_193 = arith.cmpi eq, %jit3A_191, %eq3A_192 : i32
      %jit3A_194 = arith.constant 1 : i32
      %select_n3A_195 = arith.select %eq3A_193, %jit3A_194, %jit3A_191 : i32
      %rem3A_196 = arith.remsi %add3A_190, %select_n3A_195 : i32
      %ne3A_197 = arith.constant 0 : i32
      %ne3A_198 = arith.cmpi ne, %rem3A_196, %ne3A_197 : i32
      %lt3A_199 = arith.constant 0 : i32
      %lt3A_200 = arith.cmpi slt, %rem3A_196, %lt3A_199 : i32
      %lt3A_201 = arith.constant 0 : i32
      %lt3A_202 = arith.cmpi slt, %select_n3A_195, %lt3A_201 : i32
      %ne3A_203 = arith.xori %lt3A_200, %lt3A_202 : i1
      %and3A_204 = arith.andi %ne3A_203, %ne3A_198 : i1
      %add3A_205 = arith.addi %rem3A_196, %select_n3A_195 : i32
      %select_n3A_206 = arith.select %and3A_204, %add3A_205, %rem3A_196 : i32
      %mul3A_207 = arith.constant 64 : i32
      %mul3A_208 = arith.muli %select_n3A_206, %mul3A_207 : i32
      %add3A_209 = arith.addi %add3A_35, %mul3A_208 : i32
      %dma_start3A_210 = arith.constant 0 : i32
      %dma_start3A_211 = tpu.memref_slice %arg2[%add3A_209, %dma_start3A_210] : memref<8192x512xf32, #tpu.memory_space<hbm>> -> memref<64x512xf32, #tpu.memory_space<hbm>>
      %dma_start3A_212 = arith.constant 0 : i32
      %dma_start3A_213 = tpu.memref_slice %arg2[%add3A_209, %dma_start3A_212] : memref<8192x512xf32, #tpu.memory_space<hbm>> -> memref<64x512xf32, #tpu.memory_space<hbm>>
      tpu.enqueue_dma source(%dma_start3A_213 : memref<64x512xf32, #tpu.memory_space<hbm>>) target(%arg4 : memref<64x512xf32, #tpu.memory_space<vmem>>) target_semaphore(%arg10 : memref<!tpu.dma_semaphore, #tpu.memory_space<semaphore_mem>>)
      %add3A_214 = arith.constant 1 : i32
      %add3A_215 = arith.addi %mul3A_169, %add3A_214 : i32
      %mul3A_216 = arith.constant 64 : i32
      %mul3A_217 = arith.muli %add3A_215, %mul3A_216 : i32
      %add3A_218 = arith.addi %add3A_35, %mul3A_217 : i32
      %dma_wait3A_219 = arith.constant 0 : i32
      %dma_wait3A_220 = tpu.memref_slice %arg2[%add3A_218, %dma_wait3A_219] : memref<8192x512xf32, #tpu.memory_space<hbm>> -> memref<64x512xf32, #tpu.memory_space<hbm>>
      %dma_wait3A_221 = arith.constant 0 : i32
      %dma_wait3A_222 = tpu.memref_slice %arg2[%add3A_218, %dma_wait3A_221] : memref<8192x512xf32, #tpu.memory_space<hbm>> -> memref<64x512xf32, #tpu.memory_space<hbm>>
      tpu.wait_dma2 semaphore(%arg11 : memref<!tpu.dma_semaphore, #tpu.memory_space<semaphore_mem>>) src(%dma_wait3A_222 : memref<64x512xf32, #tpu.memory_space<hbm>>) dst(%arg5 : memref<64x512xf32, #tpu.memory_space<vmem>>)
      %parallel_loop3A_223 = arith.constant 0 : i32
      %parallel_loop3A_224 = arith.constant 64 : i32
      %parallel_loop3A_225 = arith.constant 1 : i32
      %parallel_loop3A_226:8 = scf.for %parallel_loop3A_227 = %parallel_loop3A_223 to %parallel_loop3A_224 step %parallel_loop3A_225 iter_args(%parallel_loop3A_228 = %parallel_loop3A_188#0, %parallel_loop3A_229 = %parallel_loop3A_188#1, %parallel_loop3A_230 = %parallel_loop3A_188#2, %parallel_loop3A_231 = %parallel_loop3A_188#3, %parallel_loop3A_232 = %parallel_loop3A_188#4, %parallel_loop3A_233 = %parallel_loop3A_188#5, %parallel_loop3A_234 = %parallel_loop3A_188#6, %parallel_loop3A_235 = %parallel_loop3A_188#7) -> (vector<16xf32>, vector<16xf32>, vector<16xf32>, vector<16xf32>, vector<16xf32>, vector<16xf32>, vector<16xf32>, vector<16xf32>)  : i32 {
        %parallel_loop3A_236 = arith.index_cast %parallel_loop3A_227 : i32 to index
        %parallel_loop3A_237 = arith.constant 0 : index
        %parallel_loop3A_238 = tpu.vector_load %arg5[%parallel_loop3A_236, %parallel_loop3A_237] {strides = array<i32>} : memref<64x512xf32, #tpu.memory_space<vmem>>, vector<16xf32>,
        %parallel_loop3A_239 = arith.minimumf %parallel_loop3A_228, %parallel_loop3A_238 : vector<16xf32>
        %parallel_loop3A_240 = arith.maximumf %parallel_loop3A_232, %parallel_loop3A_238 : vector<16xf32>
        %parallel_loop3A_241 = arith.index_cast %parallel_loop3A_227 : i32 to index
        %parallel_loop3A_242 = arith.constant 16 : index
        %parallel_loop3A_243 = tpu.vector_load %arg5[%parallel_loop3A_241, %parallel_loop3A_242] {strides = array<i32>} : memref<64x512xf32, #tpu.memory_space<vmem>>, vector<16xf32>,
        %parallel_loop3A_244 = arith.minimumf %parallel_loop3A_229, %parallel_loop3A_243 : vector<16xf32>
        %parallel_loop3A_245 = arith.maximumf %parallel_loop3A_233, %parallel_loop3A_243 : vector<16xf32>
        %parallel_loop3A_246 = arith.index_cast %parallel_loop3A_227 : i32 to index
        %parallel_loop3A_247 = arith.constant 32 : index
        %parallel_loop3A_248 = tpu.vector_load %arg5[%parallel_loop3A_246, %parallel_loop3A_247] {strides = array<i32>} : memref<64x512xf32, #tpu.memory_space<vmem>>, vector<16xf32>,
        %parallel_loop3A_249 = arith.minimumf %parallel_loop3A_230, %parallel_loop3A_248 : vector<16xf32>
        %parallel_loop3A_250 = arith.maximumf %parallel_loop3A_234, %parallel_loop3A_248 : vector<16xf32>
        %parallel_loop3A_251 = arith.index_cast %parallel_loop3A_227 : i32 to index
        %parallel_loop3A_252 = arith.constant 48 : index
        %parallel_loop3A_253 = tpu.vector_load %arg5[%parallel_loop3A_251, %parallel_loop3A_252] {strides = array<i32>} : memref<64x512xf32, #tpu.memory_space<vmem>>, vector<16xf32>,
        %parallel_loop3A_254 = arith.minimumf %parallel_loop3A_231, %parallel_loop3A_253 : vector<16xf32>
        %parallel_loop3A_255 = arith.maximumf %parallel_loop3A_235, %parallel_loop3A_253 : vector<16xf32>
        %parallel_loop3A_256 = arith.index_cast %parallel_loop3A_227 : i32 to index
        %parallel_loop3A_257 = arith.constant 64 : index
        %parallel_loop3A_258 = tpu.vector_load %arg5[%parallel_loop3A_256, %parallel_loop3A_257] {strides = array<i32>} : memref<64x512xf32, #tpu.memory_space<vmem>>, vector<16xf32>,
        %parallel_loop3A_259 = arith.minimumf %parallel_loop3A_239, %parallel_loop3A_258 : vector<16xf32>
        %parallel_loop3A_260 = arith.maximumf %parallel_loop3A_240, %parallel_loop3A_258 : vector<16xf32>
        %parallel_loop3A_261 = arith.index_cast %parallel_loop3A_227 : i32 to index
        %parallel_loop3A_262 = arith.constant 80 : index
        %parallel_loop3A_263 = tpu.vector_load %arg5[%parallel_loop3A_261, %parallel_loop3A_262] {strides = array<i32>} : memref<64x512xf32, #tpu.memory_space<vmem>>, vector<16xf32>,
        %parallel_loop3A_264 = arith.minimumf %parallel_loop3A_244, %parallel_loop3A_263 : vector<16xf32>
        %parallel_loop3A_265 = arith.maximumf %parallel_loop3A_245, %parallel_loop3A_263 : vector<16xf32>
        %parallel_loop3A_266 = arith.index_cast %parallel_loop3A_227 : i32 to index
        %parallel_loop3A_267 = arith.constant 96 : index
        %parallel_loop3A_268 = tpu.vector_load %arg5[%parallel_loop3A_266, %parallel_loop3A_267] {strides = array<i32>} : memref<64x512xf32, #tpu.memory_space<vmem>>, vector<16xf32>,
        %parallel_loop3A_269 = arith.minimumf %parallel_loop3A_249, %parallel_loop3A_268 : vector<16xf32>
        %parallel_loop3A_270 = arith.maximumf %parallel_loop3A_250, %parallel_loop3A_268 : vector<16xf32>
        %parallel_loop3A_271 = arith.index_cast %parallel_loop3A_227 : i32 to index
        %parallel_loop3A_272 = arith.constant 112 : index
        %parallel_loop3A_273 = tpu.vector_load %arg5[%parallel_loop3A_271, %parallel_loop3A_272] {strides = array<i32>} : memref<64x512xf32, #tpu.memory_space<vmem>>, vector<16xf32>,
        %parallel_loop3A_274 = arith.minimumf %parallel_loop3A_254, %parallel_loop3A_273 : vector<16xf32>
        %parallel_loop3A_275 = arith.maximumf %parallel_loop3A_255, %parallel_loop3A_273 : vector<16xf32>
        %parallel_loop3A_276 = arith.index_cast %parallel_loop3A_227 : i32 to index
        %parallel_loop3A_277 = arith.constant 128 : index
        %parallel_loop3A_278 = tpu.vector_load %arg5[%parallel_loop3A_276, %parallel_loop3A_277] {strides = array<i32>} : memref<64x512xf32, #tpu.memory_space<vmem>>, vector<16xf32>,
        %parallel_loop3A_279 = arith.minimumf %parallel_loop3A_259, %parallel_loop3A_278 : vector<16xf32>
        %parallel_loop3A_280 = arith.maximumf %parallel_loop3A_260, %parallel_loop3A_278 : vector<16xf32>
        %parallel_loop3A_281 = arith.index_cast %parallel_loop3A_227 : i32 to index
        %parallel_loop3A_282 = arith.constant 144 : index
        %parallel_loop3A_283 = tpu.vector_load %arg5[%parallel_loop3A_281, %parallel_loop3A_282] {strides = array<i32>} : memref<64x512xf32, #tpu.memory_space<vmem>>, vector<16xf32>,
        %parallel_loop3A_284 = arith.minimumf %parallel_loop3A_264, %parallel_loop3A_283 : vector<16xf32>
        %parallel_loop3A_285 = arith.maximumf %parallel_loop3A_265, %parallel_loop3A_283 : vector<16xf32>
        %parallel_loop3A_286 = arith.index_cast %parallel_loop3A_227 : i32 to index
        %parallel_loop3A_287 = arith.constant 160 : index
        %parallel_loop3A_288 = tpu.vector_load %arg5[%parallel_loop3A_286, %parallel_loop3A_287] {strides = array<i32>} : memref<64x512xf32, #tpu.memory_space<vmem>>, vector<16xf32>,
        %parallel_loop3A_289 = arith.minimumf %parallel_loop3A_269, %parallel_loop3A_288 : vector<16xf32>
        %parallel_loop3A_290 = arith.maximumf %parallel_loop3A_270, %parallel_loop3A_288 : vector<16xf32>
        %parallel_loop3A_291 = arith.index_cast %parallel_loop3A_227 : i32 to index
        %parallel_loop3A_292 = arith.constant 176 : index
        %parallel_loop3A_293 = tpu.vector_load %arg5[%parallel_loop3A_291, %parallel_loop3A_292] {strides = array<i32>} : memref<64x512xf32, #tpu.memory_space<vmem>>, vector<16xf32>,
        %parallel_loop3A_294 = arith.minimumf %parallel_loop3A_274, %parallel_loop3A_293 : vector<16xf32>
        %parallel_loop3A_295 = arith.maximumf %parallel_loop3A_275, %parallel_loop3A_293 : vector<16xf32>
        %parallel_loop3A_296 = arith.index_cast %parallel_loop3A_227 : i32 to index
        %parallel_loop3A_297 = arith.constant 192 : index
        %parallel_loop3A_298 = tpu.vector_load %arg5[%parallel_loop3A_296, %parallel_loop3A_297] {strides = array<i32>} : memref<64x512xf32, #tpu.memory_space<vmem>>, vector<16xf32>,
        %parallel_loop3A_299 = arith.minimumf %parallel_loop3A_279, %parallel_loop3A_298 : vector<16xf32>
        %parallel_loop3A_300 = arith.maximumf %parallel_loop3A_280, %parallel_loop3A_298 : vector<16xf32>
        %parallel_loop3A_301 = arith.index_cast %parallel_loop3A_227 : i32 to index
        %parallel_loop3A_302 = arith.constant 208 : index
        %parallel_loop3A_303 = tpu.vector_load %arg5[%parallel_loop3A_301, %parallel_loop3A_302] {strides = array<i32>} : memref<64x512xf32, #tpu.memory_space<vmem>>, vector<16xf32>,
        %parallel_loop3A_304 = arith.minimumf %parallel_loop3A_284, %parallel_loop3A_303 : vector<16xf32>
        %parallel_loop3A_305 = arith.maximumf %parallel_loop3A_285, %parallel_loop3A_303 : vector<16xf32>
        %parallel_loop3A_306 = arith.index_cast %parallel_loop3A_227 : i32 to index
        %parallel_loop3A_307 = arith.constant 224 : index
        %parallel_loop3A_308 = tpu.vector_load %arg5[%parallel_loop3A_306, %parallel_loop3A_307] {strides = array<i32>} : memref<64x512xf32, #tpu.memory_space<vmem>>, vector<16xf32>,
        %parallel_loop3A_309 = arith.minimumf %parallel_loop3A_289, %parallel_loop3A_308 : vector<16xf32>
        %parallel_loop3A_310 = arith.maximumf %parallel_loop3A_290, %parallel_loop3A_308 : vector<16xf32>
        %parallel_loop3A_311 = arith.index_cast %parallel_loop3A_227 : i32 to index
        %parallel_loop3A_312 = arith.constant 240 : index
        %parallel_loop3A_313 = tpu.vector_load %arg5[%parallel_loop3A_311, %parallel_loop3A_312] {strides = array<i32>} : memref<64x512xf32, #tpu.memory_space<vmem>>, vector<16xf32>,
        %parallel_loop3A_314 = arith.minimumf %parallel_loop3A_294, %parallel_loop3A_313 : vector<16xf32>
        %parallel_loop3A_315 = arith.maximumf %parallel_loop3A_295, %parallel_loop3A_313 : vector<16xf32>
        %parallel_loop3A_316 = arith.index_cast %parallel_loop3A_227 : i32 to index
        %parallel_loop3A_317 = arith.constant 256 : index
        %parallel_loop3A_318 = tpu.vector_load %arg5[%parallel_loop3A_316, %parallel_loop3A_317] {strides = array<i32>} : memref<64x512xf32, #tpu.memory_space<vmem>>, vector<16xf32>,
        %parallel_loop3A_319 = arith.minimumf %parallel_loop3A_299, %parallel_loop3A_318 : vector<16xf32>
        %parallel_loop3A_320 = arith.maximumf %parallel_loop3A_300, %parallel_loop3A_318 : vector<16xf32>
        %parallel_loop3A_321 = arith.index_cast %parallel_loop3A_227 : i32 to index
        %parallel_loop3A_322 = arith.constant 272 : index
        %parallel_loop3A_323 = tpu.vector_load %arg5[%parallel_loop3A_321, %parallel_loop3A_322] {strides = array<i32>} : memref<64x512xf32, #tpu.memory_space<vmem>>, vector<16xf32>,
        %parallel_loop3A_324 = arith.minimumf %parallel_loop3A_304, %parallel_loop3A_323 : vector<16xf32>
        %parallel_loop3A_325 = arith.maximumf %parallel_loop3A_305, %parallel_loop3A_323 : vector<16xf32>
        %parallel_loop3A_326 = arith.index_cast %parallel_loop3A_227 : i32 to index
        %parallel_loop3A_327 = arith.constant 288 : index
        %parallel_loop3A_328 = tpu.vector_load %arg5[%parallel_loop3A_326, %parallel_loop3A_327] {strides = array<i32>} : memref<64x512xf32, #tpu.memory_space<vmem>>, vector<16xf32>,
        %parallel_loop3A_329 = arith.minimumf %parallel_loop3A_309, %parallel_loop3A_328 : vector<16xf32>
        %parallel_loop3A_330 = arith.maximumf %parallel_loop3A_310, %parallel_loop3A_328 : vector<16xf32>
        %parallel_loop3A_331 = arith.index_cast %parallel_loop3A_227 : i32 to index
        %parallel_loop3A_332 = arith.constant 304 : index
        %parallel_loop3A_333 = tpu.vector_load %arg5[%parallel_loop3A_331, %parallel_loop3A_332] {strides = array<i32>} : memref<64x512xf32, #tpu.memory_space<vmem>>, vector<16xf32>,
        %parallel_loop3A_334 = arith.minimumf %parallel_loop3A_314, %parallel_loop3A_333 : vector<16xf32>
        %parallel_loop3A_335 = arith.maximumf %parallel_loop3A_315, %parallel_loop3A_333 : vector<16xf32>
        %parallel_loop3A_336 = arith.index_cast %parallel_loop3A_227 : i32 to index
        %parallel_loop3A_337 = arith.constant 320 : index
        %parallel_loop3A_338 = tpu.vector_load %arg5[%parallel_loop3A_336, %parallel_loop3A_337] {strides = array<i32>} : memref<64x512xf32, #tpu.memory_space<vmem>>, vector<16xf32>,
        %parallel_loop3A_339 = arith.minimumf %parallel_loop3A_319, %parallel_loop3A_338 : vector<16xf32>
        %parallel_loop3A_340 = arith.maximumf %parallel_loop3A_320, %parallel_loop3A_338 : vector<16xf32>
        %parallel_loop3A_341 = arith.index_cast %parallel_loop3A_227 : i32 to index
        %parallel_loop3A_342 = arith.constant 336 : index
        %parallel_loop3A_343 = tpu.vector_load %arg5[%parallel_loop3A_341, %parallel_loop3A_342] {strides = array<i32>} : memref<64x512xf32, #tpu.memory_space<vmem>>, vector<16xf32>,
        %parallel_loop3A_344 = arith.minimumf %parallel_loop3A_324, %parallel_loop3A_343 : vector<16xf32>
        %parallel_loop3A_345 = arith.maximumf %parallel_loop3A_325, %parallel_loop3A_343 : vector<16xf32>
        %parallel_loop3A_346 = arith.index_cast %parallel_loop3A_227 : i32 to index
        %parallel_loop3A_347 = arith.constant 352 : index
        %parallel_loop3A_348 = tpu.vector_load %arg5[%parallel_loop3A_346, %parallel_loop3A_347] {strides = array<i32>} : memref<64x512xf32, #tpu.memory_space<vmem>>, vector<16xf32>,
        %parallel_loop3A_349 = arith.minimumf %parallel_loop3A_329, %parallel_loop3A_348 : vector<16xf32>
        %parallel_loop3A_350 = arith.maximumf %parallel_loop3A_330, %parallel_loop3A_348 : vector<16xf32>
        %parallel_loop3A_351 = arith.index_cast %parallel_loop3A_227 : i32 to index
        %parallel_loop3A_352 = arith.constant 368 : index
        %parallel_loop3A_353 = tpu.vector_load %arg5[%parallel_loop3A_351, %parallel_loop3A_352] {strides = array<i32>} : memref<64x512xf32, #tpu.memory_space<vmem>>, vector<16xf32>,
        %parallel_loop3A_354 = arith.minimumf %parallel_loop3A_334, %parallel_loop3A_353 : vector<16xf32>
        %parallel_loop3A_355 = arith.maximumf %parallel_loop3A_335, %parallel_loop3A_353 : vector<16xf32>
        %parallel_loop3A_356 = arith.index_cast %parallel_loop3A_227 : i32 to index
        %parallel_loop3A_357 = arith.constant 384 : index
        %parallel_loop3A_358 = tpu.vector_load %arg5[%parallel_loop3A_356, %parallel_loop3A_357] {strides = array<i32>} : memref<64x512xf32, #tpu.memory_space<vmem>>, vector<16xf32>,
        %parallel_loop3A_359 = arith.minimumf %parallel_loop3A_339, %parallel_loop3A_358 : vector<16xf32>
        %parallel_loop3A_360 = arith.maximumf %parallel_loop3A_340, %parallel_loop3A_358 : vector<16xf32>
        %parallel_loop3A_361 = arith.index_cast %parallel_loop3A_227 : i32 to index
        %parallel_loop3A_362 = arith.constant 400 : index
        %parallel_loop3A_363 = tpu.vector_load %arg5[%parallel_loop3A_361, %parallel_loop3A_362] {strides = array<i32>} : memref<64x512xf32, #tpu.memory_space<vmem>>, vector<16xf32>,
        %parallel_loop3A_364 = arith.minimumf %parallel_loop3A_344, %parallel_loop3A_363 : vector<16xf32>
        %parallel_loop3A_365 = arith.maximumf %parallel_loop3A_345, %parallel_loop3A_363 : vector<16xf32>
        %parallel_loop3A_366 = arith.index_cast %parallel_loop3A_227 : i32 to index
        %parallel_loop3A_367 = arith.constant 416 : index
        %parallel_loop3A_368 = tpu.vector_load %arg5[%parallel_loop3A_366, %parallel_loop3A_367] {strides = array<i32>} : memref<64x512xf32, #tpu.memory_space<vmem>>, vector<16xf32>,
        %parallel_loop3A_369 = arith.minimumf %parallel_loop3A_349, %parallel_loop3A_368 : vector<16xf32>
        %parallel_loop3A_370 = arith.maximumf %parallel_loop3A_350, %parallel_loop3A_368 : vector<16xf32>
        %parallel_loop3A_371 = arith.index_cast %parallel_loop3A_227 : i32 to index
        %parallel_loop3A_372 = arith.constant 432 : index
        %parallel_loop3A_373 = tpu.vector_load %arg5[%parallel_loop3A_371, %parallel_loop3A_372] {strides = array<i32>} : memref<64x512xf32, #tpu.memory_space<vmem>>, vector<16xf32>,
        %parallel_loop3A_374 = arith.minimumf %parallel_loop3A_354, %parallel_loop3A_373 : vector<16xf32>
        %parallel_loop3A_375 = arith.maximumf %parallel_loop3A_355, %parallel_loop3A_373 : vector<16xf32>
        %parallel_loop3A_376 = arith.index_cast %parallel_loop3A_227 : i32 to index
        %parallel_loop3A_377 = arith.constant 448 : index
        %parallel_loop3A_378 = tpu.vector_load %arg5[%parallel_loop3A_376, %parallel_loop3A_377] {strides = array<i32>} : memref<64x512xf32, #tpu.memory_space<vmem>>, vector<16xf32>,
        %parallel_loop3A_379 = arith.minimumf %parallel_loop3A_359, %parallel_loop3A_378 : vector<16xf32>
        %parallel_loop3A_380 = arith.maximumf %parallel_loop3A_360, %parallel_loop3A_378 : vector<16xf32>
        %parallel_loop3A_381 = arith.index_cast %parallel_loop3A_227 : i32 to index
        %parallel_loop3A_382 = arith.constant 464 : index
        %parallel_loop3A_383 = tpu.vector_load %arg5[%parallel_loop3A_381, %parallel_loop3A_382] {strides = array<i32>} : memref<64x512xf32, #tpu.memory_space<vmem>>, vector<16xf32>,
        %parallel_loop3A_384 = arith.minimumf %parallel_loop3A_364, %parallel_loop3A_383 : vector<16xf32>
        %parallel_loop3A_385 = arith.maximumf %parallel_loop3A_365, %parallel_loop3A_383 : vector<16xf32>
        %parallel_loop3A_386 = arith.index_cast %parallel_loop3A_227 : i32 to index
        %parallel_loop3A_387 = arith.constant 480 : index
        %parallel_loop3A_388 = tpu.vector_load %arg5[%parallel_loop3A_386, %parallel_loop3A_387] {strides = array<i32>} : memref<64x512xf32, #tpu.memory_space<vmem>>, vector<16xf32>,
        %parallel_loop3A_389 = arith.minimumf %parallel_loop3A_369, %parallel_loop3A_388 : vector<16xf32>
        %parallel_loop3A_390 = arith.maximumf %parallel_loop3A_370, %parallel_loop3A_388 : vector<16xf32>
        %parallel_loop3A_391 = arith.index_cast %parallel_loop3A_227 : i32 to index
        %parallel_loop3A_392 = arith.constant 496 : index
        %parallel_loop3A_393 = tpu.vector_load %arg5[%parallel_loop3A_391, %parallel_loop3A_392] {strides = array<i32>} : memref<64x512xf32, #tpu.memory_space<vmem>>, vector<16xf32>,
        %parallel_loop3A_394 = arith.minimumf %parallel_loop3A_374, %parallel_loop3A_393 : vector<16xf32>
        %parallel_loop3A_395 = arith.maximumf %parallel_loop3A_375, %parallel_loop3A_393 : vector<16xf32>
        scf.yield %parallel_loop3A_379, %parallel_loop3A_384, %parallel_loop3A_389, %parallel_loop3A_394, %parallel_loop3A_380, %parallel_loop3A_385, %parallel_loop3A_390, %parallel_loop3A_395 : vector<16xf32>, vector<16xf32>, vector<16xf32>, vector<16xf32>, vector<16xf32>, vector<16xf32>, vector<16xf32>, vector<16xf32>
      } {sc.loop_unroll_factor = 1 : i64, sc.parallel_access}
      scf.yield %parallel_loop3A_226#0, %parallel_loop3A_226#1, %parallel_loop3A_226#2, %parallel_loop3A_226#3, %parallel_loop3A_226#4, %parallel_loop3A_226#5, %parallel_loop3A_226#6, %parallel_loop3A_226#7 : vector<16xf32>, vector<16xf32>, vector<16xf32>, vector<16xf32>, vector<16xf32>, vector<16xf32>, vector<16xf32>, vector<16xf32>
    }
    %scan3A_59 = arith.constant 2 : i32
    %min3A = arith.minimumf %scan3A_58#0, %scan3A_58#1 : vector<16xf32>
    %min3A_60 = arith.minimumf %scan3A_58#2, %scan3A_58#3 : vector<16xf32>
    %min3A_61 = arith.minimumf %min3A, %min3A_60 : vector<16xf32>
    %max3A = arith.maximumf %scan3A_58#4, %scan3A_58#5 : vector<16xf32>
    %max3A_62 = arith.maximumf %scan3A_58#6, %scan3A_58#7 : vector<16xf32>
    %max3A_63 = arith.maximumf %max3A, %max3A_62 : vector<16xf32>
    %swap3A = arith.constant 0 : index
    %swap3A_64 = tpu.vector_load %arg6[%swap3A] {strides = array<i32>} : memref<16xf32, #tpu.memory_space<vmem>>, vector<16xf32>,
    tpu.vector_store %arg6[%swap3A], %min3A_61 {strides = array<i32>} : memref<16xf32, #tpu.memory_space<vmem>>, vector<16xf32>,
    "tpu.region"() ({
      %run_scoped3A = tpu.sem_alloc : memref<!tpu.dma_semaphore, #tpu.memory_space<semaphore_mem>>
      %dma_start3A_159 = arith.constant 0 : i32
      %dma_start3A_160 = tpu.memref_slice %arg7[%arg1, %dma_start3A_159] : memref<16x16xf32, #tpu.memory_space<vmem_shared>> -> memref<1x16xf32, #tpu.memory_space<vmem_shared>>
      %dma_start3A_161 = tpu.memref_squeeze %dma_start3A_160 : memref<1x16xf32, #tpu.memory_space<vmem_shared>> -> memref<16xf32, #tpu.memory_space<vmem_shared>>
      %dma_start3A_162 = arith.constant 0 : i32
      %dma_start3A_163 = tpu.memref_slice %arg7[%arg1, %dma_start3A_162] : memref<16x16xf32, #tpu.memory_space<vmem_shared>> -> memref<1x16xf32, #tpu.memory_space<vmem_shared>>
      %dma_start3A_164 = tpu.memref_squeeze %dma_start3A_163 : memref<1x16xf32, #tpu.memory_space<vmem_shared>> -> memref<16xf32, #tpu.memory_space<vmem_shared>>
      tpu.enqueue_dma source(%arg6 : memref<16xf32, #tpu.memory_space<vmem>>) target(%dma_start3A_164 : memref<16xf32, #tpu.memory_space<vmem_shared>>) target_semaphore(%run_scoped3A : memref<!tpu.dma_semaphore, #tpu.memory_space<semaphore_mem>>)
      %dma_wait3A_165 = arith.constant 0 : i32
      %dma_wait3A_166 = tpu.memref_slice %arg7[%arg1, %dma_wait3A_165] : memref<16x16xf32, #tpu.memory_space<vmem_shared>> -> memref<1x16xf32, #tpu.memory_space<vmem_shared>>
      %dma_wait3A_167 = tpu.memref_squeeze %dma_wait3A_166 : memref<1x16xf32, #tpu.memory_space<vmem_shared>> -> memref<16xf32, #tpu.memory_space<vmem_shared>>
      %dma_wait3A_168 = arith.constant 0 : i32
      %dma_wait3A_169 = tpu.memref_slice %arg7[%arg1, %dma_wait3A_168] : memref<16x16xf32, #tpu.memory_space<vmem_shared>> -> memref<1x16xf32, #tpu.memory_space<vmem_shared>>
      %dma_wait3A_170 = tpu.memref_squeeze %dma_wait3A_169 : memref<1x16xf32, #tpu.memory_space<vmem_shared>> -> memref<16xf32, #tpu.memory_space<vmem_shared>>
      tpu.wait_dma2 semaphore(%run_scoped3A : memref<!tpu.dma_semaphore, #tpu.memory_space<semaphore_mem>>) src(%arg6 : memref<16xf32, #tpu.memory_space<vmem>>) dst(%dma_wait3A_170 : memref<16xf32, #tpu.memory_space<vmem_shared>>)
      tpu.yield
    }) : () -> ()
    %swap3A_65 = arith.constant 0 : index
    %swap3A_66 = tpu.vector_load %arg6[%swap3A_65] {strides = array<i32>} : memref<16xf32, #tpu.memory_space<vmem>>, vector<16xf32>,
    tpu.vector_store %arg6[%swap3A_65], %max3A_63 {strides = array<i32>} : memref<16xf32, #tpu.memory_space<vmem>>, vector<16xf32>,
    "tpu.region"() ({
      %run_scoped3A = tpu.sem_alloc : memref<!tpu.dma_semaphore, #tpu.memory_space<semaphore_mem>>
      %dma_start3A_159 = arith.constant 0 : i32
      %dma_start3A_160 = tpu.memref_slice %arg8[%arg1, %dma_start3A_159] : memref<16x16xf32, #tpu.memory_space<vmem_shared>> -> memref<1x16xf32, #tpu.memory_space<vmem_shared>>
      %dma_start3A_161 = tpu.memref_squeeze %dma_start3A_160 : memref<1x16xf32, #tpu.memory_space<vmem_shared>> -> memref<16xf32, #tpu.memory_space<vmem_shared>>
      %dma_start3A_162 = arith.constant 0 : i32
      %dma_start3A_163 = tpu.memref_slice %arg8[%arg1, %dma_start3A_162] : memref<16x16xf32, #tpu.memory_space<vmem_shared>> -> memref<1x16xf32, #tpu.memory_space<vmem_shared>>
      %dma_start3A_164 = tpu.memref_squeeze %dma_start3A_163 : memref<1x16xf32, #tpu.memory_space<vmem_shared>> -> memref<16xf32, #tpu.memory_space<vmem_shared>>
      tpu.enqueue_dma source(%arg6 : memref<16xf32, #tpu.memory_space<vmem>>) target(%dma_start3A_164 : memref<16xf32, #tpu.memory_space<vmem_shared>>) target_semaphore(%run_scoped3A : memref<!tpu.dma_semaphore, #tpu.memory_space<semaphore_mem>>)
      %dma_wait3A_165 = arith.constant 0 : i32
      %dma_wait3A_166 = tpu.memref_slice %arg8[%arg1, %dma_wait3A_165] : memref<16x16xf32, #tpu.memory_space<vmem_shared>> -> memref<1x16xf32, #tpu.memory_space<vmem_shared>>
      %dma_wait3A_167 = tpu.memref_squeeze %dma_wait3A_166 : memref<1x16xf32, #tpu.memory_space<vmem_shared>> -> memref<16xf32, #tpu.memory_space<vmem_shared>>
      %dma_wait3A_168 = arith.constant 0 : i32
      %dma_wait3A_169 = tpu.memref_slice %arg8[%arg1, %dma_wait3A_168] : memref<16x16xf32, #tpu.memory_space<vmem_shared>> -> memref<1x16xf32, #tpu.memory_space<vmem_shared>>
      %dma_wait3A_170 = tpu.memref_squeeze %dma_wait3A_169 : memref<1x16xf32, #tpu.memory_space<vmem_shared>> -> memref<16xf32, #tpu.memory_space<vmem_shared>>
      tpu.wait_dma2 semaphore(%run_scoped3A : memref<!tpu.dma_semaphore, #tpu.memory_space<semaphore_mem>>) src(%arg6 : memref<16xf32, #tpu.memory_space<vmem>>) dst(%dma_wait3A_170 : memref<16xf32, #tpu.memory_space<vmem_shared>>)
      tpu.yield
    }) : () -> ()
    %barrier3A = arith.constant 0 : index
    tpu.barrier barrier_id(%barrier3A)
    %xor3A = arith.constant 1 : i32
    %xor3A_67 = arith.xori %arg1, %xor3A : i32
    "tpu.region"() ({
      %run_scoped3A = tpu.sem_alloc : memref<!tpu.dma_semaphore, #tpu.memory_space<semaphore_mem>>
      %dma_start3A_159 = arith.constant 0 : i32
      %dma_start3A_160 = tpu.memref_slice %arg7[%xor3A_67, %dma_start3A_159] : memref<16x16xf32, #tpu.memory_space<vmem_shared>> -> memref<1x16xf32, #tpu.memory_space<vmem_shared>>
      %dma_start3A_161 = tpu.memref_squeeze %dma_start3A_160 : memref<1x16xf32, #tpu.memory_space<vmem_shared>> -> memref<16xf32, #tpu.memory_space<vmem_shared>>
      %dma_start3A_162 = arith.constant 0 : i32
      %dma_start3A_163 = tpu.memref_slice %arg7[%xor3A_67, %dma_start3A_162] : memref<16x16xf32, #tpu.memory_space<vmem_shared>> -> memref<1x16xf32, #tpu.memory_space<vmem_shared>>
      %dma_start3A_164 = tpu.memref_squeeze %dma_start3A_163 : memref<1x16xf32, #tpu.memory_space<vmem_shared>> -> memref<16xf32, #tpu.memory_space<vmem_shared>>
      tpu.enqueue_dma source(%dma_start3A_164 : memref<16xf32, #tpu.memory_space<vmem_shared>>) target(%arg6 : memref<16xf32, #tpu.memory_space<vmem>>) target_semaphore(%run_scoped3A : memref<!tpu.dma_semaphore, #tpu.memory_space<semaphore_mem>>)
      %dma_wait3A_165 = arith.constant 0 : i32
      %dma_wait3A_166 = tpu.memref_slice %arg7[%xor3A_67, %dma_wait3A_165] : memref<16x16xf32, #tpu.memory_space<vmem_shared>> -> memref<1x16xf32, #tpu.memory_space<vmem_shared>>
      %dma_wait3A_167 = tpu.memref_squeeze %dma_wait3A_166 : memref<1x16xf32, #tpu.memory_space<vmem_shared>> -> memref<16xf32, #tpu.memory_space<vmem_shared>>
      %dma_wait3A_168 = arith.constant 0 : i32
      %dma_wait3A_169 = tpu.memref_slice %arg7[%xor3A_67, %dma_wait3A_168] : memref<16x16xf32, #tpu.memory_space<vmem_shared>> -> memref<1x16xf32, #tpu.memory_space<vmem_shared>>
      %dma_wait3A_170 = tpu.memref_squeeze %dma_wait3A_169 : memref<1x16xf32, #tpu.memory_space<vmem_shared>> -> memref<16xf32, #tpu.memory_space<vmem_shared>>
      tpu.wait_dma2 semaphore(%run_scoped3A : memref<!tpu.dma_semaphore, #tpu.memory_space<semaphore_mem>>) src(%dma_wait3A_170 : memref<16xf32, #tpu.memory_space<vmem_shared>>) dst(%arg6 : memref<16xf32, #tpu.memory_space<vmem>>)
      tpu.yield
    }) : () -> ()
    %get3A = arith.constant 0 : index
    %get3A_68 = tpu.vector_load %arg6[%get3A] {strides = array<i32>} : memref<16xf32, #tpu.memory_space<vmem>>, vector<16xf32>,
    %min3A_69 = arith.minimumf %min3A_61, %get3A_68 : vector<16xf32>
    %xor3A_70 = arith.constant 1 : i32
    %xor3A_71 = arith.xori %arg1, %xor3A_70 : i32
    "tpu.region"() ({
      %run_scoped3A = tpu.sem_alloc : memref<!tpu.dma_semaphore, #tpu.memory_space<semaphore_mem>>
      %dma_start3A_159 = arith.constant 0 : i32
      %dma_start3A_160 = tpu.memref_slice %arg8[%xor3A_71, %dma_start3A_159] : memref<16x16xf32, #tpu.memory_space<vmem_shared>> -> memref<1x16xf32, #tpu.memory_space<vmem_shared>>
      %dma_start3A_161 = tpu.memref_squeeze %dma_start3A_160 : memref<1x16xf32, #tpu.memory_space<vmem_shared>> -> memref<16xf32, #tpu.memory_space<vmem_shared>>
      %dma_start3A_162 = arith.constant 0 : i32
      %dma_start3A_163 = tpu.memref_slice %arg8[%xor3A_71, %dma_start3A_162] : memref<16x16xf32, #tpu.memory_space<vmem_shared>> -> memref<1x16xf32, #tpu.memory_space<vmem_shared>>
      %dma_start3A_164 = tpu.memref_squeeze %dma_start3A_163 : memref<1x16xf32, #tpu.memory_space<vmem_shared>> -> memref<16xf32, #tpu.memory_space<vmem_shared>>
      tpu.enqueue_dma source(%dma_start3A_164 : memref<16xf32, #tpu.memory_space<vmem_shared>>) target(%arg6 : memref<16xf32, #tpu.memory_space<vmem>>) target_semaphore(%run_scoped3A : memref<!tpu.dma_semaphore, #tpu.memory_space<semaphore_mem>>)
      %dma_wait3A_165 = arith.constant 0 : i32
      %dma_wait3A_166 = tpu.memref_slice %arg8[%xor3A_71, %dma_wait3A_165] : memref<16x16xf32, #tpu.memory_space<vmem_shared>> -> memref<1x16xf32, #tpu.memory_space<vmem_shared>>
      %dma_wait3A_167 = tpu.memref_squeeze %dma_wait3A_166 : memref<1x16xf32, #tpu.memory_space<vmem_shared>> -> memref<16xf32, #tpu.memory_space<vmem_shared>>
      %dma_wait3A_168 = arith.constant 0 : i32
      %dma_wait3A_169 = tpu.memref_slice %arg8[%xor3A_71, %dma_wait3A_168] : memref<16x16xf32, #tpu.memory_space<vmem_shared>> -> memref<1x16xf32, #tpu.memory_space<vmem_shared>>
      %dma_wait3A_170 = tpu.memref_squeeze %dma_wait3A_169 : memref<1x16xf32, #tpu.memory_space<vmem_shared>> -> memref<16xf32, #tpu.memory_space<vmem_shared>>
      tpu.wait_dma2 semaphore(%run_scoped3A : memref<!tpu.dma_semaphore, #tpu.memory_space<semaphore_mem>>) src(%dma_wait3A_170 : memref<16xf32, #tpu.memory_space<vmem_shared>>) dst(%arg6 : memref<16xf32, #tpu.memory_space<vmem>>)
      tpu.yield
    }) : () -> ()
    %get3A_72 = arith.constant 0 : index
    %get3A_73 = tpu.vector_load %arg6[%get3A_72] {strides = array<i32>} : memref<16xf32, #tpu.memory_space<vmem>>, vector<16xf32>,
    %max3A_74 = arith.maximumf %max3A_63, %get3A_73 : vector<16xf32>
    %xor3A_75 = arith.constant 1 : i32
    %xor3A_76 = vector.broadcast %xor3A_75 : i32 to vector<16xi32>
    %xor3A_77 = arith.xori %iota3A, %xor3A_76 : vector<16xi32>
    %broadcast_in_dim3A_78 = vector.shape_cast %xor3A_77 : vector<16xi32> to vector<16x1xi32>
    %gather3A = vector.shape_cast %broadcast_in_dim3A_78 : vector<16x1xi32> to vector<16xi32>
    %gather3A_79 = tpu.dynamic_gather %min3A_69[%gather3A] in [0] : vector<16xf32>, vector<16xi32> -> vector<16xf32>
    %min3A_80 = arith.minimumf %min3A_69, %gather3A_79 : vector<16xf32>
    %xor3A_81 = arith.constant 2 : i32
    %xor3A_82 = vector.broadcast %xor3A_81 : i32 to vector<16xi32>
    %xor3A_83 = arith.xori %iota3A, %xor3A_82 : vector<16xi32>
    %broadcast_in_dim3A_84 = vector.shape_cast %xor3A_83 : vector<16xi32> to vector<16x1xi32>
    %gather3A_85 = vector.shape_cast %broadcast_in_dim3A_84 : vector<16x1xi32> to vector<16xi32>
    %gather3A_86 = tpu.dynamic_gather %min3A_80[%gather3A_85] in [0] : vector<16xf32>, vector<16xi32> -> vector<16xf32>
    %min3A_87 = arith.minimumf %min3A_80, %gather3A_86 : vector<16xf32>
    %xor3A_88 = arith.constant 4 : i32
    %xor3A_89 = vector.broadcast %xor3A_88 : i32 to vector<16xi32>
    %xor3A_90 = arith.xori %iota3A, %xor3A_89 : vector<16xi32>
    %broadcast_in_dim3A_91 = vector.shape_cast %xor3A_90 : vector<16xi32> to vector<16x1xi32>
    %gather3A_92 = vector.shape_cast %broadcast_in_dim3A_91 : vector<16x1xi32> to vector<16xi32>
    %gather3A_93 = tpu.dynamic_gather %min3A_87[%gather3A_92] in [0] : vector<16xf32>, vector<16xi32> -> vector<16xf32>
    %min3A_94 = arith.minimumf %min3A_87, %gather3A_93 : vector<16xf32>
    %xor3A_95 = arith.constant 8 : i32
    %xor3A_96 = vector.broadcast %xor3A_95 : i32 to vector<16xi32>
    %xor3A_97 = arith.xori %iota3A, %xor3A_96 : vector<16xi32>
    %broadcast_in_dim3A_98 = vector.shape_cast %xor3A_97 : vector<16xi32> to vector<16x1xi32>
    %gather3A_99 = vector.shape_cast %broadcast_in_dim3A_98 : vector<16x1xi32> to vector<16xi32>
    %gather3A_100 = tpu.dynamic_gather %min3A_94[%gather3A_99] in [0] : vector<16xf32>, vector<16xi32> -> vector<16xf32>
    %min3A_101 = arith.minimumf %min3A_94, %gather3A_100 : vector<16xf32>
    %xor3A_102 = arith.constant 1 : i32
    %xor3A_103 = vector.broadcast %xor3A_102 : i32 to vector<16xi32>
    %xor3A_104 = arith.xori %iota3A, %xor3A_103 : vector<16xi32>
    %broadcast_in_dim3A_105 = vector.shape_cast %xor3A_104 : vector<16xi32> to vector<16x1xi32>
    %gather3A_106 = vector.shape_cast %broadcast_in_dim3A_105 : vector<16x1xi32> to vector<16xi32>
    %gather3A_107 = tpu.dynamic_gather %max3A_74[%gather3A_106] in [0] : vector<16xf32>, vector<16xi32> -> vector<16xf32>
    %max3A_108 = arith.maximumf %max3A_74, %gather3A_107 : vector<16xf32>
    %xor3A_109 = arith.constant 2 : i32
    %xor3A_110 = vector.broadcast %xor3A_109 : i32 to vector<16xi32>
    %xor3A_111 = arith.xori %iota3A, %xor3A_110 : vector<16xi32>
    %broadcast_in_dim3A_112 = vector.shape_cast %xor3A_111 : vector<16xi32> to vector<16x1xi32>
    %gather3A_113 = vector.shape_cast %broadcast_in_dim3A_112 : vector<16x1xi32> to vector<16xi32>
    %gather3A_114 = tpu.dynamic_gather %max3A_108[%gather3A_113] in [0] : vector<16xf32>, vector<16xi32> -> vector<16xf32>
    %max3A_115 = arith.maximumf %max3A_108, %gather3A_114 : vector<16xf32>
    %xor3A_116 = arith.constant 4 : i32
    %xor3A_117 = vector.broadcast %xor3A_116 : i32 to vector<16xi32>
    %xor3A_118 = arith.xori %iota3A, %xor3A_117 : vector<16xi32>
    %broadcast_in_dim3A_119 = vector.shape_cast %xor3A_118 : vector<16xi32> to vector<16x1xi32>
    %gather3A_120 = vector.shape_cast %broadcast_in_dim3A_119 : vector<16x1xi32> to vector<16xi32>
    %gather3A_121 = tpu.dynamic_gather %max3A_115[%gather3A_120] in [0] : vector<16xf32>, vector<16xi32> -> vector<16xf32>
    %max3A_122 = arith.maximumf %max3A_115, %gather3A_121 : vector<16xf32>
    %xor3A_123 = arith.constant 8 : i32
    %xor3A_124 = vector.broadcast %xor3A_123 : i32 to vector<16xi32>
    %xor3A_125 = arith.xori %iota3A, %xor3A_124 : vector<16xi32>
    %broadcast_in_dim3A_126 = vector.shape_cast %xor3A_125 : vector<16xi32> to vector<16x1xi32>
    %gather3A_127 = vector.shape_cast %broadcast_in_dim3A_126 : vector<16x1xi32> to vector<16xi32>
    %gather3A_128 = tpu.dynamic_gather %max3A_122[%gather3A_127] in [0] : vector<16xf32>, vector<16xi32> -> vector<16xf32>
    %max3A_129 = arith.maximumf %max3A_122, %gather3A_128 : vector<16xf32>
    %sub3A_130 = arith.subf %max3A_129, %min3A_101 : vector<16xf32>
    %div3A_131 = arith.constant 2.550000e+02 : f32
    %div3A_132 = vector.broadcast %div3A_131 : f32 to vector<16xf32>
    %div3A_133 = arith.divf %div3A_132, %sub3A_130 : vector<16xf32>
    %mul3A_134 = arith.mulf %min3A_101, %div3A_133 : vector<16xf32>
    %sub3A_135 = arith.constant 0x4B400000 : f32
    %sub3A_136 = vector.broadcast %sub3A_135 : f32 to vector<16xf32>
    %sub3A_137 = arith.subf %sub3A_136, %mul3A_134 : vector<16xf32>
    %broadcast_in_dim3A_138 = arith.constant 0.000000e+00 : f32
    %broadcast_in_dim3A_139 = vector.broadcast %broadcast_in_dim3A_138 : f32 to vector<16xf32>
    %scan3A_140 = arith.constant 0 : i32
    %scan3A_141 = arith.constant 2 : i32
    %scan3A_142 = arith.addi %scan3A_140, %scan3A_141 : i32
    %scan3A_143 = arith.constant 1 : i32
    %scan3A_144:2 = scf.for %scan3A_159 = %scan3A_140 to %scan3A_142 step %scan3A_143 iter_args(%scan3A_160 = %broadcast_in_dim3A_139, %scan3A_161 = %broadcast_in_dim3A_139) -> (vector<16xf32>, vector<16xf32>)  : i32 {
      %mul3A_162 = arith.constant 2 : i32
      %mul3A_163 = arith.muli %mul3A_162, %scan3A_159 : i32
      %add3A_164 = arith.constant 1 : i32
      %add3A_165 = arith.addi %mul3A_163, %add3A_164 : i32
      %mul3A_166 = arith.constant 64 : i32
      %mul3A_167 = arith.muli %add3A_165, %mul3A_166 : i32
      %add3A_168 = arith.addi %add3A_35, %mul3A_167 : i32
      %dma_start3A_169 = arith.constant 0 : i32
      %dma_start3A_170 = tpu.memref_slice %arg2[%add3A_168, %dma_start3A_169] : memref<8192x512xf32, #tpu.memory_space<hbm>> -> memref<64x512xf32, #tpu.memory_space<hbm>>
      %dma_start3A_171 = arith.constant 0 : i32
      %dma_start3A_172 = tpu.memref_slice %arg2[%add3A_168, %dma_start3A_171] : memref<8192x512xf32, #tpu.memory_space<hbm>> -> memref<64x512xf32, #tpu.memory_space<hbm>>
      tpu.enqueue_dma source(%dma_start3A_172 : memref<64x512xf32, #tpu.memory_space<hbm>>) target(%arg5 : memref<64x512xf32, #tpu.memory_space<vmem>>) target_semaphore(%arg11 : memref<!tpu.dma_semaphore, #tpu.memory_space<semaphore_mem>>)
      %mul3A_173 = arith.constant 64 : i32
      %mul3A_174 = arith.muli %mul3A_163, %mul3A_173 : i32
      %add3A_175 = arith.addi %add3A_35, %mul3A_174 : i32
      %dma_wait3A_176 = arith.constant 0 : i32
      %dma_wait3A_177 = tpu.memref_slice %arg2[%add3A_175, %dma_wait3A_176] : memref<8192x512xf32, #tpu.memory_space<hbm>> -> memref<64x512xf32, #tpu.memory_space<hbm>>
      %dma_wait3A_178 = arith.constant 0 : i32
      %dma_wait3A_179 = tpu.memref_slice %arg2[%add3A_175, %dma_wait3A_178] : memref<8192x512xf32, #tpu.memory_space<hbm>> -> memref<64x512xf32, #tpu.memory_space<hbm>>
      tpu.wait_dma2 semaphore(%arg10 : memref<!tpu.dma_semaphore, #tpu.memory_space<semaphore_mem>>) src(%dma_wait3A_179 : memref<64x512xf32, #tpu.memory_space<hbm>>) dst(%arg4 : memref<64x512xf32, #tpu.memory_space<vmem>>)
      %parallel_loop3A = arith.constant 0 : i32
      %parallel_loop3A_180 = arith.constant 64 : i32
      %parallel_loop3A_181 = arith.constant 1 : i32
      %parallel_loop3A_182:2 = scf.for %parallel_loop3A_221 = %parallel_loop3A to %parallel_loop3A_180 step %parallel_loop3A_181 iter_args(%parallel_loop3A_222 = %scan3A_160, %parallel_loop3A_223 = %scan3A_161) -> (vector<16xf32>, vector<16xf32>)  : i32 {
        %parallel_loop3A_224 = arith.index_cast %parallel_loop3A_221 : i32 to index
        %parallel_loop3A_225 = arith.constant 0 : index
        %parallel_loop3A_226 = tpu.vector_load %arg4[%parallel_loop3A_224, %parallel_loop3A_225] {strides = array<i32>} : memref<64x512xf32, #tpu.memory_space<vmem>>, vector<16xf32>,
        %parallel_loop3A_227 = arith.mulf %parallel_loop3A_226, %div3A_133 : vector<16xf32>
        %parallel_loop3A_228 = arith.addf %parallel_loop3A_227, %sub3A_137 : vector<16xf32>
        %parallel_loop3A_229 = arith.index_cast %parallel_loop3A_221 : i32 to index
        %parallel_loop3A_230 = arith.constant 16 : index
        %parallel_loop3A_231 = tpu.vector_load %arg4[%parallel_loop3A_229, %parallel_loop3A_230] {strides = array<i32>} : memref<64x512xf32, #tpu.memory_space<vmem>>, vector<16xf32>,
        %parallel_loop3A_232 = arith.mulf %parallel_loop3A_231, %div3A_133 : vector<16xf32>
        %parallel_loop3A_233 = arith.addf %parallel_loop3A_232, %sub3A_137 : vector<16xf32>
        %parallel_loop3A_234 = arith.select %ge3A_43, %parallel_loop3A_228, %parallel_loop3A_233 : vector<16xi1>, vector<16xf32>
        %parallel_loop3A_235 = vector.shape_cast %and3A_41 : vector<16xi32> to vector<16x1xi32>
        %parallel_loop3A_236 = vector.shape_cast %parallel_loop3A_235 : vector<16x1xi32> to vector<16xi32>
        %parallel_loop3A_237 = tpu.dynamic_gather %parallel_loop3A_234[%parallel_loop3A_236] in [0] : vector<16xf32>, vector<16xi32> -> vector<16xf32>
        %parallel_loop3A_238 = arith.subf %parallel_loop3A_228, %parallel_loop3A_237 : vector<16xf32>
        %parallel_loop3A_239 = arith.mulf %parallel_loop3A_238, %parallel_loop3A_238 : vector<16xf32>
        %parallel_loop3A_240 = arith.addf %parallel_loop3A_222, %parallel_loop3A_239 : vector<16xf32>
        %parallel_loop3A_241 = arith.index_cast %parallel_loop3A_221 : i32 to index
        %parallel_loop3A_242 = arith.constant 32 : index
        %parallel_loop3A_243 = tpu.vector_load %arg4[%parallel_loop3A_241, %parallel_loop3A_242] {strides = array<i32>} : memref<64x512xf32, #tpu.memory_space<vmem>>, vector<16xf32>,
        %parallel_loop3A_244 = arith.mulf %parallel_loop3A_243, %div3A_133 : vector<16xf32>
        %parallel_loop3A_245 = arith.addf %parallel_loop3A_244, %sub3A_137 : vector<16xf32>
        %parallel_loop3A_246 = arith.select %ge3A_43, %parallel_loop3A_233, %parallel_loop3A_245 : vector<16xi1>, vector<16xf32>
        %parallel_loop3A_247 = vector.shape_cast %and3A_41 : vector<16xi32> to vector<16x1xi32>
        %parallel_loop3A_248 = vector.shape_cast %parallel_loop3A_247 : vector<16x1xi32> to vector<16xi32>
        %parallel_loop3A_249 = tpu.dynamic_gather %parallel_loop3A_246[%parallel_loop3A_248] in [0] : vector<16xf32>, vector<16xi32> -> vector<16xf32>
        %parallel_loop3A_250 = arith.subf %parallel_loop3A_233, %parallel_loop3A_249 : vector<16xf32>
        %parallel_loop3A_251 = arith.mulf %parallel_loop3A_250, %parallel_loop3A_250 : vector<16xf32>
        %parallel_loop3A_252 = arith.addf %parallel_loop3A_223, %parallel_loop3A_251 : vector<16xf32>
        %parallel_loop3A_253 = arith.index_cast %parallel_loop3A_221 : i32 to index
        %parallel_loop3A_254 = arith.constant 48 : index
        %parallel_loop3A_255 = tpu.vector_load %arg4[%parallel_loop3A_253, %parallel_loop3A_254] {strides = array<i32>} : memref<64x512xf32, #tpu.memory_space<vmem>>, vector<16xf32>,
        %parallel_loop3A_256 = arith.mulf %parallel_loop3A_255, %div3A_133 : vector<16xf32>
        %parallel_loop3A_257 = arith.addf %parallel_loop3A_256, %sub3A_137 : vector<16xf32>
        %parallel_loop3A_258 = arith.select %ge3A_43, %parallel_loop3A_245, %parallel_loop3A_257 : vector<16xi1>, vector<16xf32>
        %parallel_loop3A_259 = vector.shape_cast %and3A_41 : vector<16xi32> to vector<16x1xi32>
        %parallel_loop3A_260 = vector.shape_cast %parallel_loop3A_259 : vector<16x1xi32> to vector<16xi32>
        %parallel_loop3A_261 = tpu.dynamic_gather %parallel_loop3A_258[%parallel_loop3A_260] in [0] : vector<16xf32>, vector<16xi32> -> vector<16xf32>
        %parallel_loop3A_262 = arith.subf %parallel_loop3A_245, %parallel_loop3A_261 : vector<16xf32>
        %parallel_loop3A_263 = arith.mulf %parallel_loop3A_262, %parallel_loop3A_262 : vector<16xf32>
        %parallel_loop3A_264 = arith.addf %parallel_loop3A_240, %parallel_loop3A_263 : vector<16xf32>
        %parallel_loop3A_265 = arith.index_cast %parallel_loop3A_221 : i32 to index
        %parallel_loop3A_266 = arith.constant 64 : index
        %parallel_loop3A_267 = tpu.vector_load %arg4[%parallel_loop3A_265, %parallel_loop3A_266] {strides = array<i32>} : memref<64x512xf32, #tpu.memory_space<vmem>>, vector<16xf32>,
        %parallel_loop3A_268 = arith.mulf %parallel_loop3A_267, %div3A_133 : vector<16xf32>
        %parallel_loop3A_269 = arith.addf %parallel_loop3A_268, %sub3A_137 : vector<16xf32>
        %parallel_loop3A_270 = arith.select %ge3A_43, %parallel_loop3A_257, %parallel_loop3A_269 : vector<16xi1>, vector<16xf32>
        %parallel_loop3A_271 = vector.shape_cast %and3A_41 : vector<16xi32> to vector<16x1xi32>
        %parallel_loop3A_272 = vector.shape_cast %parallel_loop3A_271 : vector<16x1xi32> to vector<16xi32>
        %parallel_loop3A_273 = tpu.dynamic_gather %parallel_loop3A_270[%parallel_loop3A_272] in [0] : vector<16xf32>, vector<16xi32> -> vector<16xf32>
        %parallel_loop3A_274 = arith.subf %parallel_loop3A_257, %parallel_loop3A_273 : vector<16xf32>
        %parallel_loop3A_275 = arith.mulf %parallel_loop3A_274, %parallel_loop3A_274 : vector<16xf32>
        %parallel_loop3A_276 = arith.addf %parallel_loop3A_252, %parallel_loop3A_275 : vector<16xf32>
        %parallel_loop3A_277 = arith.index_cast %parallel_loop3A_221 : i32 to index
        %parallel_loop3A_278 = arith.constant 80 : index
        %parallel_loop3A_279 = tpu.vector_load %arg4[%parallel_loop3A_277, %parallel_loop3A_278] {strides = array<i32>} : memref<64x512xf32, #tpu.memory_space<vmem>>, vector<16xf32>,
        %parallel_loop3A_280 = arith.mulf %parallel_loop3A_279, %div3A_133 : vector<16xf32>
        %parallel_loop3A_281 = arith.addf %parallel_loop3A_280, %sub3A_137 : vector<16xf32>
        %parallel_loop3A_282 = arith.select %ge3A_43, %parallel_loop3A_269, %parallel_loop3A_281 : vector<16xi1>, vector<16xf32>
        %parallel_loop3A_283 = vector.shape_cast %and3A_41 : vector<16xi32> to vector<16x1xi32>
        %parallel_loop3A_284 = vector.shape_cast %parallel_loop3A_283 : vector<16x1xi32> to vector<16xi32>
        %parallel_loop3A_285 = tpu.dynamic_gather %parallel_loop3A_282[%parallel_loop3A_284] in [0] : vector<16xf32>, vector<16xi32> -> vector<16xf32>
        %parallel_loop3A_286 = arith.subf %parallel_loop3A_269, %parallel_loop3A_285 : vector<16xf32>
        %parallel_loop3A_287 = arith.mulf %parallel_loop3A_286, %parallel_loop3A_286 : vector<16xf32>
        %parallel_loop3A_288 = arith.addf %parallel_loop3A_264, %parallel_loop3A_287 : vector<16xf32>
        %parallel_loop3A_289 = arith.index_cast %parallel_loop3A_221 : i32 to index
        %parallel_loop3A_290 = arith.constant 96 : index
        %parallel_loop3A_291 = tpu.vector_load %arg4[%parallel_loop3A_289, %parallel_loop3A_290] {strides = array<i32>} : memref<64x512xf32, #tpu.memory_space<vmem>>, vector<16xf32>,
        %parallel_loop3A_292 = arith.mulf %parallel_loop3A_291, %div3A_133 : vector<16xf32>
        %parallel_loop3A_293 = arith.addf %parallel_loop3A_292, %sub3A_137 : vector<16xf32>
        %parallel_loop3A_294 = arith.select %ge3A_43, %parallel_loop3A_281, %parallel_loop3A_293 : vector<16xi1>, vector<16xf32>
        %parallel_loop3A_295 = vector.shape_cast %and3A_41 : vector<16xi32> to vector<16x1xi32>
        %parallel_loop3A_296 = vector.shape_cast %parallel_loop3A_295 : vector<16x1xi32> to vector<16xi32>
        %parallel_loop3A_297 = tpu.dynamic_gather %parallel_loop3A_294[%parallel_loop3A_296] in [0] : vector<16xf32>, vector<16xi32> -> vector<16xf32>
        %parallel_loop3A_298 = arith.subf %parallel_loop3A_281, %parallel_loop3A_297 : vector<16xf32>
        %parallel_loop3A_299 = arith.mulf %parallel_loop3A_298, %parallel_loop3A_298 : vector<16xf32>
        %parallel_loop3A_300 = arith.addf %parallel_loop3A_276, %parallel_loop3A_299 : vector<16xf32>
        %parallel_loop3A_301 = arith.index_cast %parallel_loop3A_221 : i32 to index
        %parallel_loop3A_302 = arith.constant 112 : index
        %parallel_loop3A_303 = tpu.vector_load %arg4[%parallel_loop3A_301, %parallel_loop3A_302] {strides = array<i32>} : memref<64x512xf32, #tpu.memory_space<vmem>>, vector<16xf32>,
        %parallel_loop3A_304 = arith.mulf %parallel_loop3A_303, %div3A_133 : vector<16xf32>
        %parallel_loop3A_305 = arith.addf %parallel_loop3A_304, %sub3A_137 : vector<16xf32>
        %parallel_loop3A_306 = arith.select %ge3A_43, %parallel_loop3A_293, %parallel_loop3A_305 : vector<16xi1>, vector<16xf32>
        %parallel_loop3A_307 = vector.shape_cast %and3A_41 : vector<16xi32> to vector<16x1xi32>
        %parallel_loop3A_308 = vector.shape_cast %parallel_loop3A_307 : vector<16x1xi32> to vector<16xi32>
        %parallel_loop3A_309 = tpu.dynamic_gather %parallel_loop3A_306[%parallel_loop3A_308] in [0] : vector<16xf32>, vector<16xi32> -> vector<16xf32>
        %parallel_loop3A_310 = arith.subf %parallel_loop3A_293, %parallel_loop3A_309 : vector<16xf32>
        %parallel_loop3A_311 = arith.mulf %parallel_loop3A_310, %parallel_loop3A_310 : vector<16xf32>
        %parallel_loop3A_312 = arith.addf %parallel_loop3A_288, %parallel_loop3A_311 : vector<16xf32>
        %parallel_loop3A_313 = arith.index_cast %parallel_loop3A_221 : i32 to index
        %parallel_loop3A_314 = arith.constant 128 : index
        %parallel_loop3A_315 = tpu.vector_load %arg4[%parallel_loop3A_313, %parallel_loop3A_314] {strides = array<i32>} : memref<64x512xf32, #tpu.memory_space<vmem>>, vector<16xf32>,
        %parallel_loop3A_316 = arith.mulf %parallel_loop3A_315, %div3A_133 : vector<16xf32>
        %parallel_loop3A_317 = arith.addf %parallel_loop3A_316, %sub3A_137 : vector<16xf32>
        %parallel_loop3A_318 = arith.select %ge3A_43, %parallel_loop3A_305, %parallel_loop3A_317 : vector<16xi1>, vector<16xf32>
        %parallel_loop3A_319 = vector.shape_cast %and3A_41 : vector<16xi32> to vector<16x1xi32>
        %parallel_loop3A_320 = vector.shape_cast %parallel_loop3A_319 : vector<16x1xi32> to vector<16xi32>
        %parallel_loop3A_321 = tpu.dynamic_gather %parallel_loop3A_318[%parallel_loop3A_320] in [0] : vector<16xf32>, vector<16xi32> -> vector<16xf32>
        %parallel_loop3A_322 = arith.subf %parallel_loop3A_305, %parallel_loop3A_321 : vector<16xf32>
        %parallel_loop3A_323 = arith.mulf %parallel_loop3A_322, %parallel_loop3A_322 : vector<16xf32>
        %parallel_loop3A_324 = arith.addf %parallel_loop3A_300, %parallel_loop3A_323 : vector<16xf32>
        %parallel_loop3A_325 = arith.index_cast %parallel_loop3A_221 : i32 to index
        %parallel_loop3A_326 = arith.constant 144 : index
        %parallel_loop3A_327 = tpu.vector_load %arg4[%parallel_loop3A_325, %parallel_loop3A_326] {strides = array<i32>} : memref<64x512xf32, #tpu.memory_space<vmem>>, vector<16xf32>,
        %parallel_loop3A_328 = arith.mulf %parallel_loop3A_327, %div3A_133 : vector<16xf32>
        %parallel_loop3A_329 = arith.addf %parallel_loop3A_328, %sub3A_137 : vector<16xf32>
        %parallel_loop3A_330 = arith.select %ge3A_43, %parallel_loop3A_317, %parallel_loop3A_329 : vector<16xi1>, vector<16xf32>
        %parallel_loop3A_331 = vector.shape_cast %and3A_41 : vector<16xi32> to vector<16x1xi32>
        %parallel_loop3A_332 = vector.shape_cast %parallel_loop3A_331 : vector<16x1xi32> to vector<16xi32>
        %parallel_loop3A_333 = tpu.dynamic_gather %parallel_loop3A_330[%parallel_loop3A_332] in [0] : vector<16xf32>, vector<16xi32> -> vector<16xf32>
        %parallel_loop3A_334 = arith.subf %parallel_loop3A_317, %parallel_loop3A_333 : vector<16xf32>
        %parallel_loop3A_335 = arith.mulf %parallel_loop3A_334, %parallel_loop3A_334 : vector<16xf32>
        %parallel_loop3A_336 = arith.addf %parallel_loop3A_312, %parallel_loop3A_335 : vector<16xf32>
        %parallel_loop3A_337 = arith.index_cast %parallel_loop3A_221 : i32 to index
        %parallel_loop3A_338 = arith.constant 160 : index
        %parallel_loop3A_339 = tpu.vector_load %arg4[%parallel_loop3A_337, %parallel_loop3A_338] {strides = array<i32>} : memref<64x512xf32, #tpu.memory_space<vmem>>, vector<16xf32>,
        %parallel_loop3A_340 = arith.mulf %parallel_loop3A_339, %div3A_133 : vector<16xf32>
        %parallel_loop3A_341 = arith.addf %parallel_loop3A_340, %sub3A_137 : vector<16xf32>
        %parallel_loop3A_342 = arith.select %ge3A_43, %parallel_loop3A_329, %parallel_loop3A_341 : vector<16xi1>, vector<16xf32>
        %parallel_loop3A_343 = vector.shape_cast %and3A_41 : vector<16xi32> to vector<16x1xi32>
        %parallel_loop3A_344 = vector.shape_cast %parallel_loop3A_343 : vector<16x1xi32> to vector<16xi32>
        %parallel_loop3A_345 = tpu.dynamic_gather %parallel_loop3A_342[%parallel_loop3A_344] in [0] : vector<16xf32>, vector<16xi32> -> vector<16xf32>
        %parallel_loop3A_346 = arith.subf %parallel_loop3A_329, %parallel_loop3A_345 : vector<16xf32>
        %parallel_loop3A_347 = arith.mulf %parallel_loop3A_346, %parallel_loop3A_346 : vector<16xf32>
        %parallel_loop3A_348 = arith.addf %parallel_loop3A_324, %parallel_loop3A_347 : vector<16xf32>
        %parallel_loop3A_349 = arith.index_cast %parallel_loop3A_221 : i32 to index
        %parallel_loop3A_350 = arith.constant 176 : index
        %parallel_loop3A_351 = tpu.vector_load %arg4[%parallel_loop3A_349, %parallel_loop3A_350] {strides = array<i32>} : memref<64x512xf32, #tpu.memory_space<vmem>>, vector<16xf32>,
        %parallel_loop3A_352 = arith.mulf %parallel_loop3A_351, %div3A_133 : vector<16xf32>
        %parallel_loop3A_353 = arith.addf %parallel_loop3A_352, %sub3A_137 : vector<16xf32>
        %parallel_loop3A_354 = arith.select %ge3A_43, %parallel_loop3A_341, %parallel_loop3A_353 : vector<16xi1>, vector<16xf32>
        %parallel_loop3A_355 = vector.shape_cast %and3A_41 : vector<16xi32> to vector<16x1xi32>
        %parallel_loop3A_356 = vector.shape_cast %parallel_loop3A_355 : vector<16x1xi32> to vector<16xi32>
        %parallel_loop3A_357 = tpu.dynamic_gather %parallel_loop3A_354[%parallel_loop3A_356] in [0] : vector<16xf32>, vector<16xi32> -> vector<16xf32>
        %parallel_loop3A_358 = arith.subf %parallel_loop3A_341, %parallel_loop3A_357 : vector<16xf32>
        %parallel_loop3A_359 = arith.mulf %parallel_loop3A_358, %parallel_loop3A_358 : vector<16xf32>
        %parallel_loop3A_360 = arith.addf %parallel_loop3A_336, %parallel_loop3A_359 : vector<16xf32>
        %parallel_loop3A_361 = arith.index_cast %parallel_loop3A_221 : i32 to index
        %parallel_loop3A_362 = arith.constant 192 : index
        %parallel_loop3A_363 = tpu.vector_load %arg4[%parallel_loop3A_361, %parallel_loop3A_362] {strides = array<i32>} : memref<64x512xf32, #tpu.memory_space<vmem>>, vector<16xf32>,
        %parallel_loop3A_364 = arith.mulf %parallel_loop3A_363, %div3A_133 : vector<16xf32>
        %parallel_loop3A_365 = arith.addf %parallel_loop3A_364, %sub3A_137 : vector<16xf32>
        %parallel_loop3A_366 = arith.select %ge3A_43, %parallel_loop3A_353, %parallel_loop3A_365 : vector<16xi1>, vector<16xf32>
        %parallel_loop3A_367 = vector.shape_cast %and3A_41 : vector<16xi32> to vector<16x1xi32>
        %parallel_loop3A_368 = vector.shape_cast %parallel_loop3A_367 : vector<16x1xi32> to vector<16xi32>
        %parallel_loop3A_369 = tpu.dynamic_gather %parallel_loop3A_366[%parallel_loop3A_368] in [0] : vector<16xf32>, vector<16xi32> -> vector<16xf32>
        %parallel_loop3A_370 = arith.subf %parallel_loop3A_353, %parallel_loop3A_369 : vector<16xf32>
        %parallel_loop3A_371 = arith.mulf %parallel_loop3A_370, %parallel_loop3A_370 : vector<16xf32>
        %parallel_loop3A_372 = arith.addf %parallel_loop3A_348, %parallel_loop3A_371 : vector<16xf32>
        %parallel_loop3A_373 = arith.index_cast %parallel_loop3A_221 : i32 to index
        %parallel_loop3A_374 = arith.constant 208 : index
        %parallel_loop3A_375 = tpu.vector_load %arg4[%parallel_loop3A_373, %parallel_loop3A_374] {strides = array<i32>} : memref<64x512xf32, #tpu.memory_space<vmem>>, vector<16xf32>,
        %parallel_loop3A_376 = arith.mulf %parallel_loop3A_375, %div3A_133 : vector<16xf32>
        %parallel_loop3A_377 = arith.addf %parallel_loop3A_376, %sub3A_137 : vector<16xf32>
        %parallel_loop3A_378 = arith.select %ge3A_43, %parallel_loop3A_365, %parallel_loop3A_377 : vector<16xi1>, vector<16xf32>
        %parallel_loop3A_379 = vector.shape_cast %and3A_41 : vector<16xi32> to vector<16x1xi32>
        %parallel_loop3A_380 = vector.shape_cast %parallel_loop3A_379 : vector<16x1xi32> to vector<16xi32>
        %parallel_loop3A_381 = tpu.dynamic_gather %parallel_loop3A_378[%parallel_loop3A_380] in [0] : vector<16xf32>, vector<16xi32> -> vector<16xf32>
        %parallel_loop3A_382 = arith.subf %parallel_loop3A_365, %parallel_loop3A_381 : vector<16xf32>
        %parallel_loop3A_383 = arith.mulf %parallel_loop3A_382, %parallel_loop3A_382 : vector<16xf32>
        %parallel_loop3A_384 = arith.addf %parallel_loop3A_360, %parallel_loop3A_383 : vector<16xf32>
        %parallel_loop3A_385 = arith.index_cast %parallel_loop3A_221 : i32 to index
        %parallel_loop3A_386 = arith.constant 224 : index
        %parallel_loop3A_387 = tpu.vector_load %arg4[%parallel_loop3A_385, %parallel_loop3A_386] {strides = array<i32>} : memref<64x512xf32, #tpu.memory_space<vmem>>, vector<16xf32>,
        %parallel_loop3A_388 = arith.mulf %parallel_loop3A_387, %div3A_133 : vector<16xf32>
        %parallel_loop3A_389 = arith.addf %parallel_loop3A_388, %sub3A_137 : vector<16xf32>
        %parallel_loop3A_390 = arith.select %ge3A_43, %parallel_loop3A_377, %parallel_loop3A_389 : vector<16xi1>, vector<16xf32>
        %parallel_loop3A_391 = vector.shape_cast %and3A_41 : vector<16xi32> to vector<16x1xi32>
        %parallel_loop3A_392 = vector.shape_cast %parallel_loop3A_391 : vector<16x1xi32> to vector<16xi32>
        %parallel_loop3A_393 = tpu.dynamic_gather %parallel_loop3A_390[%parallel_loop3A_392] in [0] : vector<16xf32>, vector<16xi32> -> vector<16xf32>
        %parallel_loop3A_394 = arith.subf %parallel_loop3A_377, %parallel_loop3A_393 : vector<16xf32>
        %parallel_loop3A_395 = arith.mulf %parallel_loop3A_394, %parallel_loop3A_394 : vector<16xf32>
        %parallel_loop3A_396 = arith.addf %parallel_loop3A_372, %parallel_loop3A_395 : vector<16xf32>
        %parallel_loop3A_397 = arith.index_cast %parallel_loop3A_221 : i32 to index
        %parallel_loop3A_398 = arith.constant 240 : index
        %parallel_loop3A_399 = tpu.vector_load %arg4[%parallel_loop3A_397, %parallel_loop3A_398] {strides = array<i32>} : memref<64x512xf32, #tpu.memory_space<vmem>>, vector<16xf32>,
        %parallel_loop3A_400 = arith.mulf %parallel_loop3A_399, %div3A_133 : vector<16xf32>
        %parallel_loop3A_401 = arith.addf %parallel_loop3A_400, %sub3A_137 : vector<16xf32>
        %parallel_loop3A_402 = arith.select %ge3A_43, %parallel_loop3A_389, %parallel_loop3A_401 : vector<16xi1>, vector<16xf32>
        %parallel_loop3A_403 = vector.shape_cast %and3A_41 : vector<16xi32> to vector<16x1xi32>
        %parallel_loop3A_404 = vector.shape_cast %parallel_loop3A_403 : vector<16x1xi32> to vector<16xi32>
        %parallel_loop3A_405 = tpu.dynamic_gather %parallel_loop3A_402[%parallel_loop3A_404] in [0] : vector<16xf32>, vector<16xi32> -> vector<16xf32>
        %parallel_loop3A_406 = arith.subf %parallel_loop3A_389, %parallel_loop3A_405 : vector<16xf32>
        %parallel_loop3A_407 = arith.mulf %parallel_loop3A_406, %parallel_loop3A_406 : vector<16xf32>
        %parallel_loop3A_408 = arith.addf %parallel_loop3A_384, %parallel_loop3A_407 : vector<16xf32>
        %parallel_loop3A_409 = arith.index_cast %parallel_loop3A_221 : i32 to index
        %parallel_loop3A_410 = arith.constant 256 : index
        %parallel_loop3A_411 = tpu.vector_load %arg4[%parallel_loop3A_409, %parallel_loop3A_410] {strides = array<i32>} : memref<64x512xf32, #tpu.memory_space<vmem>>, vector<16xf32>,
        %parallel_loop3A_412 = arith.mulf %parallel_loop3A_411, %div3A_133 : vector<16xf32>
        %parallel_loop3A_413 = arith.addf %parallel_loop3A_412, %sub3A_137 : vector<16xf32>
        %parallel_loop3A_414 = arith.select %ge3A_43, %parallel_loop3A_401, %parallel_loop3A_413 : vector<16xi1>, vector<16xf32>
        %parallel_loop3A_415 = vector.shape_cast %and3A_41 : vector<16xi32> to vector<16x1xi32>
        %parallel_loop3A_416 = vector.shape_cast %parallel_loop3A_415 : vector<16x1xi32> to vector<16xi32>
        %parallel_loop3A_417 = tpu.dynamic_gather %parallel_loop3A_414[%parallel_loop3A_416] in [0] : vector<16xf32>, vector<16xi32> -> vector<16xf32>
        %parallel_loop3A_418 = arith.subf %parallel_loop3A_401, %parallel_loop3A_417 : vector<16xf32>
        %parallel_loop3A_419 = arith.mulf %parallel_loop3A_418, %parallel_loop3A_418 : vector<16xf32>
        %parallel_loop3A_420 = arith.addf %parallel_loop3A_396, %parallel_loop3A_419 : vector<16xf32>
        %parallel_loop3A_421 = arith.index_cast %parallel_loop3A_221 : i32 to index
        %parallel_loop3A_422 = arith.constant 272 : index
        %parallel_loop3A_423 = tpu.vector_load %arg4[%parallel_loop3A_421, %parallel_loop3A_422] {strides = array<i32>} : memref<64x512xf32, #tpu.memory_space<vmem>>, vector<16xf32>,
        %parallel_loop3A_424 = arith.mulf %parallel_loop3A_423, %div3A_133 : vector<16xf32>
        %parallel_loop3A_425 = arith.addf %parallel_loop3A_424, %sub3A_137 : vector<16xf32>
        %parallel_loop3A_426 = arith.select %ge3A_43, %parallel_loop3A_413, %parallel_loop3A_425 : vector<16xi1>, vector<16xf32>
        %parallel_loop3A_427 = vector.shape_cast %and3A_41 : vector<16xi32> to vector<16x1xi32>
        %parallel_loop3A_428 = vector.shape_cast %parallel_loop3A_427 : vector<16x1xi32> to vector<16xi32>
        %parallel_loop3A_429 = tpu.dynamic_gather %parallel_loop3A_426[%parallel_loop3A_428] in [0] : vector<16xf32>, vector<16xi32> -> vector<16xf32>
        %parallel_loop3A_430 = arith.subf %parallel_loop3A_413, %parallel_loop3A_429 : vector<16xf32>
        %parallel_loop3A_431 = arith.mulf %parallel_loop3A_430, %parallel_loop3A_430 : vector<16xf32>
        %parallel_loop3A_432 = arith.addf %parallel_loop3A_408, %parallel_loop3A_431 : vector<16xf32>
        %parallel_loop3A_433 = arith.index_cast %parallel_loop3A_221 : i32 to index
        %parallel_loop3A_434 = arith.constant 288 : index
        %parallel_loop3A_435 = tpu.vector_load %arg4[%parallel_loop3A_433, %parallel_loop3A_434] {strides = array<i32>} : memref<64x512xf32, #tpu.memory_space<vmem>>, vector<16xf32>,
        %parallel_loop3A_436 = arith.mulf %parallel_loop3A_435, %div3A_133 : vector<16xf32>
        %parallel_loop3A_437 = arith.addf %parallel_loop3A_436, %sub3A_137 : vector<16xf32>
        %parallel_loop3A_438 = arith.select %ge3A_43, %parallel_loop3A_425, %parallel_loop3A_437 : vector<16xi1>, vector<16xf32>
        %parallel_loop3A_439 = vector.shape_cast %and3A_41 : vector<16xi32> to vector<16x1xi32>
        %parallel_loop3A_440 = vector.shape_cast %parallel_loop3A_439 : vector<16x1xi32> to vector<16xi32>
        %parallel_loop3A_441 = tpu.dynamic_gather %parallel_loop3A_438[%parallel_loop3A_440] in [0] : vector<16xf32>, vector<16xi32> -> vector<16xf32>
        %parallel_loop3A_442 = arith.subf %parallel_loop3A_425, %parallel_loop3A_441 : vector<16xf32>
        %parallel_loop3A_443 = arith.mulf %parallel_loop3A_442, %parallel_loop3A_442 : vector<16xf32>
        %parallel_loop3A_444 = arith.addf %parallel_loop3A_420, %parallel_loop3A_443 : vector<16xf32>
        %parallel_loop3A_445 = arith.index_cast %parallel_loop3A_221 : i32 to index
        %parallel_loop3A_446 = arith.constant 304 : index
        %parallel_loop3A_447 = tpu.vector_load %arg4[%parallel_loop3A_445, %parallel_loop3A_446] {strides = array<i32>} : memref<64x512xf32, #tpu.memory_space<vmem>>, vector<16xf32>,
        %parallel_loop3A_448 = arith.mulf %parallel_loop3A_447, %div3A_133 : vector<16xf32>
        %parallel_loop3A_449 = arith.addf %parallel_loop3A_448, %sub3A_137 : vector<16xf32>
        %parallel_loop3A_450 = arith.select %ge3A_43, %parallel_loop3A_437, %parallel_loop3A_449 : vector<16xi1>, vector<16xf32>
        %parallel_loop3A_451 = vector.shape_cast %and3A_41 : vector<16xi32> to vector<16x1xi32>
        %parallel_loop3A_452 = vector.shape_cast %parallel_loop3A_451 : vector<16x1xi32> to vector<16xi32>
        %parallel_loop3A_453 = tpu.dynamic_gather %parallel_loop3A_450[%parallel_loop3A_452] in [0] : vector<16xf32>, vector<16xi32> -> vector<16xf32>
        %parallel_loop3A_454 = arith.subf %parallel_loop3A_437, %parallel_loop3A_453 : vector<16xf32>
        %parallel_loop3A_455 = arith.mulf %parallel_loop3A_454, %parallel_loop3A_454 : vector<16xf32>
        %parallel_loop3A_456 = arith.addf %parallel_loop3A_432, %parallel_loop3A_455 : vector<16xf32>
        %parallel_loop3A_457 = arith.index_cast %parallel_loop3A_221 : i32 to index
        %parallel_loop3A_458 = arith.constant 320 : index
        %parallel_loop3A_459 = tpu.vector_load %arg4[%parallel_loop3A_457, %parallel_loop3A_458] {strides = array<i32>} : memref<64x512xf32, #tpu.memory_space<vmem>>, vector<16xf32>,
        %parallel_loop3A_460 = arith.mulf %parallel_loop3A_459, %div3A_133 : vector<16xf32>
        %parallel_loop3A_461 = arith.addf %parallel_loop3A_460, %sub3A_137 : vector<16xf32>
        %parallel_loop3A_462 = arith.select %ge3A_43, %parallel_loop3A_449, %parallel_loop3A_461 : vector<16xi1>, vector<16xf32>
        %parallel_loop3A_463 = vector.shape_cast %and3A_41 : vector<16xi32> to vector<16x1xi32>
        %parallel_loop3A_464 = vector.shape_cast %parallel_loop3A_463 : vector<16x1xi32> to vector<16xi32>
        %parallel_loop3A_465 = tpu.dynamic_gather %parallel_loop3A_462[%parallel_loop3A_464] in [0] : vector<16xf32>, vector<16xi32> -> vector<16xf32>
        %parallel_loop3A_466 = arith.subf %parallel_loop3A_449, %parallel_loop3A_465 : vector<16xf32>
        %parallel_loop3A_467 = arith.mulf %parallel_loop3A_466, %parallel_loop3A_466 : vector<16xf32>
        %parallel_loop3A_468 = arith.addf %parallel_loop3A_444, %parallel_loop3A_467 : vector<16xf32>
        %parallel_loop3A_469 = arith.index_cast %parallel_loop3A_221 : i32 to index
        %parallel_loop3A_470 = arith.constant 336 : index
        %parallel_loop3A_471 = tpu.vector_load %arg4[%parallel_loop3A_469, %parallel_loop3A_470] {strides = array<i32>} : memref<64x512xf32, #tpu.memory_space<vmem>>, vector<16xf32>,
        %parallel_loop3A_472 = arith.mulf %parallel_loop3A_471, %div3A_133 : vector<16xf32>
        %parallel_loop3A_473 = arith.addf %parallel_loop3A_472, %sub3A_137 : vector<16xf32>
        %parallel_loop3A_474 = arith.select %ge3A_43, %parallel_loop3A_461, %parallel_loop3A_473 : vector<16xi1>, vector<16xf32>
        %parallel_loop3A_475 = vector.shape_cast %and3A_41 : vector<16xi32> to vector<16x1xi32>
        %parallel_loop3A_476 = vector.shape_cast %parallel_loop3A_475 : vector<16x1xi32> to vector<16xi32>
        %parallel_loop3A_477 = tpu.dynamic_gather %parallel_loop3A_474[%parallel_loop3A_476] in [0] : vector<16xf32>, vector<16xi32> -> vector<16xf32>
        %parallel_loop3A_478 = arith.subf %parallel_loop3A_461, %parallel_loop3A_477 : vector<16xf32>
        %parallel_loop3A_479 = arith.mulf %parallel_loop3A_478, %parallel_loop3A_478 : vector<16xf32>
        %parallel_loop3A_480 = arith.addf %parallel_loop3A_456, %parallel_loop3A_479 : vector<16xf32>
        %parallel_loop3A_481 = arith.index_cast %parallel_loop3A_221 : i32 to index
        %parallel_loop3A_482 = arith.constant 352 : index
        %parallel_loop3A_483 = tpu.vector_load %arg4[%parallel_loop3A_481, %parallel_loop3A_482] {strides = array<i32>} : memref<64x512xf32, #tpu.memory_space<vmem>>, vector<16xf32>,
        %parallel_loop3A_484 = arith.mulf %parallel_loop3A_483, %div3A_133 : vector<16xf32>
        %parallel_loop3A_485 = arith.addf %parallel_loop3A_484, %sub3A_137 : vector<16xf32>
        %parallel_loop3A_486 = arith.select %ge3A_43, %parallel_loop3A_473, %parallel_loop3A_485 : vector<16xi1>, vector<16xf32>
        %parallel_loop3A_487 = vector.shape_cast %and3A_41 : vector<16xi32> to vector<16x1xi32>
        %parallel_loop3A_488 = vector.shape_cast %parallel_loop3A_487 : vector<16x1xi32> to vector<16xi32>
        %parallel_loop3A_489 = tpu.dynamic_gather %parallel_loop3A_486[%parallel_loop3A_488] in [0] : vector<16xf32>, vector<16xi32> -> vector<16xf32>
        %parallel_loop3A_490 = arith.subf %parallel_loop3A_473, %parallel_loop3A_489 : vector<16xf32>
        %parallel_loop3A_491 = arith.mulf %parallel_loop3A_490, %parallel_loop3A_490 : vector<16xf32>
        %parallel_loop3A_492 = arith.addf %parallel_loop3A_468, %parallel_loop3A_491 : vector<16xf32>
        %parallel_loop3A_493 = arith.index_cast %parallel_loop3A_221 : i32 to index
        %parallel_loop3A_494 = arith.constant 368 : index
        %parallel_loop3A_495 = tpu.vector_load %arg4[%parallel_loop3A_493, %parallel_loop3A_494] {strides = array<i32>} : memref<64x512xf32, #tpu.memory_space<vmem>>, vector<16xf32>,
        %parallel_loop3A_496 = arith.mulf %parallel_loop3A_495, %div3A_133 : vector<16xf32>
        %parallel_loop3A_497 = arith.addf %parallel_loop3A_496, %sub3A_137 : vector<16xf32>
        %parallel_loop3A_498 = arith.select %ge3A_43, %parallel_loop3A_485, %parallel_loop3A_497 : vector<16xi1>, vector<16xf32>
        %parallel_loop3A_499 = vector.shape_cast %and3A_41 : vector<16xi32> to vector<16x1xi32>
        %parallel_loop3A_500 = vector.shape_cast %parallel_loop3A_499 : vector<16x1xi32> to vector<16xi32>
        %parallel_loop3A_501 = tpu.dynamic_gather %parallel_loop3A_498[%parallel_loop3A_500] in [0] : vector<16xf32>, vector<16xi32> -> vector<16xf32>
        %parallel_loop3A_502 = arith.subf %parallel_loop3A_485, %parallel_loop3A_501 : vector<16xf32>
        %parallel_loop3A_503 = arith.mulf %parallel_loop3A_502, %parallel_loop3A_502 : vector<16xf32>
        %parallel_loop3A_504 = arith.addf %parallel_loop3A_480, %parallel_loop3A_503 : vector<16xf32>
        %parallel_loop3A_505 = arith.index_cast %parallel_loop3A_221 : i32 to index
        %parallel_loop3A_506 = arith.constant 384 : index
        %parallel_loop3A_507 = tpu.vector_load %arg4[%parallel_loop3A_505, %parallel_loop3A_506] {strides = array<i32>} : memref<64x512xf32, #tpu.memory_space<vmem>>, vector<16xf32>,
        %parallel_loop3A_508 = arith.mulf %parallel_loop3A_507, %div3A_133 : vector<16xf32>
        %parallel_loop3A_509 = arith.addf %parallel_loop3A_508, %sub3A_137 : vector<16xf32>
        %parallel_loop3A_510 = arith.select %ge3A_43, %parallel_loop3A_497, %parallel_loop3A_509 : vector<16xi1>, vector<16xf32>
        %parallel_loop3A_511 = vector.shape_cast %and3A_41 : vector<16xi32> to vector<16x1xi32>
        %parallel_loop3A_512 = vector.shape_cast %parallel_loop3A_511 : vector<16x1xi32> to vector<16xi32>
        %parallel_loop3A_513 = tpu.dynamic_gather %parallel_loop3A_510[%parallel_loop3A_512] in [0] : vector<16xf32>, vector<16xi32> -> vector<16xf32>
        %parallel_loop3A_514 = arith.subf %parallel_loop3A_497, %parallel_loop3A_513 : vector<16xf32>
        %parallel_loop3A_515 = arith.mulf %parallel_loop3A_514, %parallel_loop3A_514 : vector<16xf32>
        %parallel_loop3A_516 = arith.addf %parallel_loop3A_492, %parallel_loop3A_515 : vector<16xf32>
        %parallel_loop3A_517 = arith.index_cast %parallel_loop3A_221 : i32 to index
        %parallel_loop3A_518 = arith.constant 400 : index
        %parallel_loop3A_519 = tpu.vector_load %arg4[%parallel_loop3A_517, %parallel_loop3A_518] {strides = array<i32>} : memref<64x512xf32, #tpu.memory_space<vmem>>, vector<16xf32>,
        %parallel_loop3A_520 = arith.mulf %parallel_loop3A_519, %div3A_133 : vector<16xf32>
        %parallel_loop3A_521 = arith.addf %parallel_loop3A_520, %sub3A_137 : vector<16xf32>
        %parallel_loop3A_522 = arith.select %ge3A_43, %parallel_loop3A_509, %parallel_loop3A_521 : vector<16xi1>, vector<16xf32>
        %parallel_loop3A_523 = vector.shape_cast %and3A_41 : vector<16xi32> to vector<16x1xi32>
        %parallel_loop3A_524 = vector.shape_cast %parallel_loop3A_523 : vector<16x1xi32> to vector<16xi32>
        %parallel_loop3A_525 = tpu.dynamic_gather %parallel_loop3A_522[%parallel_loop3A_524] in [0] : vector<16xf32>, vector<16xi32> -> vector<16xf32>
        %parallel_loop3A_526 = arith.subf %parallel_loop3A_509, %parallel_loop3A_525 : vector<16xf32>
        %parallel_loop3A_527 = arith.mulf %parallel_loop3A_526, %parallel_loop3A_526 : vector<16xf32>
        %parallel_loop3A_528 = arith.addf %parallel_loop3A_504, %parallel_loop3A_527 : vector<16xf32>
        %parallel_loop3A_529 = arith.index_cast %parallel_loop3A_221 : i32 to index
        %parallel_loop3A_530 = arith.constant 416 : index
        %parallel_loop3A_531 = tpu.vector_load %arg4[%parallel_loop3A_529, %parallel_loop3A_530] {strides = array<i32>} : memref<64x512xf32, #tpu.memory_space<vmem>>, vector<16xf32>,
        %parallel_loop3A_532 = arith.mulf %parallel_loop3A_531, %div3A_133 : vector<16xf32>
        %parallel_loop3A_533 = arith.addf %parallel_loop3A_532, %sub3A_137 : vector<16xf32>
        %parallel_loop3A_534 = arith.select %ge3A_43, %parallel_loop3A_521, %parallel_loop3A_533 : vector<16xi1>, vector<16xf32>
        %parallel_loop3A_535 = vector.shape_cast %and3A_41 : vector<16xi32> to vector<16x1xi32>
        %parallel_loop3A_536 = vector.shape_cast %parallel_loop3A_535 : vector<16x1xi32> to vector<16xi32>
        %parallel_loop3A_537 = tpu.dynamic_gather %parallel_loop3A_534[%parallel_loop3A_536] in [0] : vector<16xf32>, vector<16xi32> -> vector<16xf32>
        %parallel_loop3A_538 = arith.subf %parallel_loop3A_521, %parallel_loop3A_537 : vector<16xf32>
        %parallel_loop3A_539 = arith.mulf %parallel_loop3A_538, %parallel_loop3A_538 : vector<16xf32>
        %parallel_loop3A_540 = arith.addf %parallel_loop3A_516, %parallel_loop3A_539 : vector<16xf32>
        %parallel_loop3A_541 = arith.index_cast %parallel_loop3A_221 : i32 to index
        %parallel_loop3A_542 = arith.constant 432 : index
        %parallel_loop3A_543 = tpu.vector_load %arg4[%parallel_loop3A_541, %parallel_loop3A_542] {strides = array<i32>} : memref<64x512xf32, #tpu.memory_space<vmem>>, vector<16xf32>,
        %parallel_loop3A_544 = arith.mulf %parallel_loop3A_543, %div3A_133 : vector<16xf32>
        %parallel_loop3A_545 = arith.addf %parallel_loop3A_544, %sub3A_137 : vector<16xf32>
        %parallel_loop3A_546 = arith.select %ge3A_43, %parallel_loop3A_533, %parallel_loop3A_545 : vector<16xi1>, vector<16xf32>
        %parallel_loop3A_547 = vector.shape_cast %and3A_41 : vector<16xi32> to vector<16x1xi32>
        %parallel_loop3A_548 = vector.shape_cast %parallel_loop3A_547 : vector<16x1xi32> to vector<16xi32>
        %parallel_loop3A_549 = tpu.dynamic_gather %parallel_loop3A_546[%parallel_loop3A_548] in [0] : vector<16xf32>, vector<16xi32> -> vector<16xf32>
        %parallel_loop3A_550 = arith.subf %parallel_loop3A_533, %parallel_loop3A_549 : vector<16xf32>
        %parallel_loop3A_551 = arith.mulf %parallel_loop3A_550, %parallel_loop3A_550 : vector<16xf32>
        %parallel_loop3A_552 = arith.addf %parallel_loop3A_528, %parallel_loop3A_551 : vector<16xf32>
        %parallel_loop3A_553 = arith.index_cast %parallel_loop3A_221 : i32 to index
        %parallel_loop3A_554 = arith.constant 448 : index
        %parallel_loop3A_555 = tpu.vector_load %arg4[%parallel_loop3A_553, %parallel_loop3A_554] {strides = array<i32>} : memref<64x512xf32, #tpu.memory_space<vmem>>, vector<16xf32>,
        %parallel_loop3A_556 = arith.mulf %parallel_loop3A_555, %div3A_133 : vector<16xf32>
        %parallel_loop3A_557 = arith.addf %parallel_loop3A_556, %sub3A_137 : vector<16xf32>
        %parallel_loop3A_558 = arith.select %ge3A_43, %parallel_loop3A_545, %parallel_loop3A_557 : vector<16xi1>, vector<16xf32>
        %parallel_loop3A_559 = vector.shape_cast %and3A_41 : vector<16xi32> to vector<16x1xi32>
        %parallel_loop3A_560 = vector.shape_cast %parallel_loop3A_559 : vector<16x1xi32> to vector<16xi32>
        %parallel_loop3A_561 = tpu.dynamic_gather %parallel_loop3A_558[%parallel_loop3A_560] in [0] : vector<16xf32>, vector<16xi32> -> vector<16xf32>
        %parallel_loop3A_562 = arith.subf %parallel_loop3A_545, %parallel_loop3A_561 : vector<16xf32>
        %parallel_loop3A_563 = arith.mulf %parallel_loop3A_562, %parallel_loop3A_562 : vector<16xf32>
        %parallel_loop3A_564 = arith.addf %parallel_loop3A_540, %parallel_loop3A_563 : vector<16xf32>
        %parallel_loop3A_565 = arith.index_cast %parallel_loop3A_221 : i32 to index
        %parallel_loop3A_566 = arith.constant 464 : index
        %parallel_loop3A_567 = tpu.vector_load %arg4[%parallel_loop3A_565, %parallel_loop3A_566] {strides = array<i32>} : memref<64x512xf32, #tpu.memory_space<vmem>>, vector<16xf32>,
        %parallel_loop3A_568 = arith.mulf %parallel_loop3A_567, %div3A_133 : vector<16xf32>
        %parallel_loop3A_569 = arith.addf %parallel_loop3A_568, %sub3A_137 : vector<16xf32>
        %parallel_loop3A_570 = arith.select %ge3A_43, %parallel_loop3A_557, %parallel_loop3A_569 : vector<16xi1>, vector<16xf32>
        %parallel_loop3A_571 = vector.shape_cast %and3A_41 : vector<16xi32> to vector<16x1xi32>
        %parallel_loop3A_572 = vector.shape_cast %parallel_loop3A_571 : vector<16x1xi32> to vector<16xi32>
        %parallel_loop3A_573 = tpu.dynamic_gather %parallel_loop3A_570[%parallel_loop3A_572] in [0] : vector<16xf32>, vector<16xi32> -> vector<16xf32>
        %parallel_loop3A_574 = arith.subf %parallel_loop3A_557, %parallel_loop3A_573 : vector<16xf32>
        %parallel_loop3A_575 = arith.mulf %parallel_loop3A_574, %parallel_loop3A_574 : vector<16xf32>
        %parallel_loop3A_576 = arith.addf %parallel_loop3A_552, %parallel_loop3A_575 : vector<16xf32>
        %parallel_loop3A_577 = arith.index_cast %parallel_loop3A_221 : i32 to index
        %parallel_loop3A_578 = arith.constant 480 : index
        %parallel_loop3A_579 = tpu.vector_load %arg4[%parallel_loop3A_577, %parallel_loop3A_578] {strides = array<i32>} : memref<64x512xf32, #tpu.memory_space<vmem>>, vector<16xf32>,
        %parallel_loop3A_580 = arith.mulf %parallel_loop3A_579, %div3A_133 : vector<16xf32>
        %parallel_loop3A_581 = arith.addf %parallel_loop3A_580, %sub3A_137 : vector<16xf32>
        %parallel_loop3A_582 = arith.select %ge3A_43, %parallel_loop3A_569, %parallel_loop3A_581 : vector<16xi1>, vector<16xf32>
        %parallel_loop3A_583 = vector.shape_cast %and3A_41 : vector<16xi32> to vector<16x1xi32>
        %parallel_loop3A_584 = vector.shape_cast %parallel_loop3A_583 : vector<16x1xi32> to vector<16xi32>
        %parallel_loop3A_585 = tpu.dynamic_gather %parallel_loop3A_582[%parallel_loop3A_584] in [0] : vector<16xf32>, vector<16xi32> -> vector<16xf32>
        %parallel_loop3A_586 = arith.subf %parallel_loop3A_569, %parallel_loop3A_585 : vector<16xf32>
        %parallel_loop3A_587 = arith.mulf %parallel_loop3A_586, %parallel_loop3A_586 : vector<16xf32>
        %parallel_loop3A_588 = arith.addf %parallel_loop3A_564, %parallel_loop3A_587 : vector<16xf32>
        %parallel_loop3A_589 = arith.index_cast %parallel_loop3A_221 : i32 to index
        %parallel_loop3A_590 = arith.constant 496 : index
        %parallel_loop3A_591 = tpu.vector_load %arg4[%parallel_loop3A_589, %parallel_loop3A_590] {strides = array<i32>} : memref<64x512xf32, #tpu.memory_space<vmem>>, vector<16xf32>,
        %parallel_loop3A_592 = arith.mulf %parallel_loop3A_591, %div3A_133 : vector<16xf32>
        %parallel_loop3A_593 = arith.addf %parallel_loop3A_592, %sub3A_137 : vector<16xf32>
        %parallel_loop3A_594 = arith.select %ge3A_43, %parallel_loop3A_581, %parallel_loop3A_593 : vector<16xi1>, vector<16xf32>
        %parallel_loop3A_595 = vector.shape_cast %and3A_41 : vector<16xi32> to vector<16x1xi32>
        %parallel_loop3A_596 = vector.shape_cast %parallel_loop3A_595 : vector<16x1xi32> to vector<16xi32>
        %parallel_loop3A_597 = tpu.dynamic_gather %parallel_loop3A_594[%parallel_loop3A_596] in [0] : vector<16xf32>, vector<16xi32> -> vector<16xf32>
        %parallel_loop3A_598 = arith.subf %parallel_loop3A_581, %parallel_loop3A_597 : vector<16xf32>
        %parallel_loop3A_599 = arith.mulf %parallel_loop3A_598, %parallel_loop3A_598 : vector<16xf32>
        %parallel_loop3A_600 = arith.addf %parallel_loop3A_576, %parallel_loop3A_599 : vector<16xf32>
        %parallel_loop3A_601 = vector.shape_cast %and3A_41 : vector<16xi32> to vector<16x1xi32>
        %parallel_loop3A_602 = vector.shape_cast %parallel_loop3A_601 : vector<16x1xi32> to vector<16xi32>
        %parallel_loop3A_603 = tpu.dynamic_gather %parallel_loop3A_593[%parallel_loop3A_602] in [0] : vector<16xf32>, vector<16xi32> -> vector<16xf32>
        %parallel_loop3A_604 = arith.subf %parallel_loop3A_593, %parallel_loop3A_603 : vector<16xf32>
        %parallel_loop3A_605 = arith.mulf %parallel_loop3A_604, %parallel_loop3A_604 : vector<16xf32>
        %parallel_loop3A_606 = arith.constant 0.000000e+00 : f32
        %parallel_loop3A_607 = vector.broadcast %parallel_loop3A_606 : f32 to vector<16xf32>
        %parallel_loop3A_608 = arith.select %lt3A_46, %parallel_loop3A_605, %parallel_loop3A_607 : vector<16xi1>, vector<16xf32>
        %parallel_loop3A_609 = arith.addf %parallel_loop3A_588, %parallel_loop3A_608 : vector<16xf32>
        scf.yield %parallel_loop3A_600, %parallel_loop3A_609 : vector<16xf32>, vector<16xf32>
      } {sc.loop_unroll_factor = 1 : i64, sc.parallel_access}
      %add3A_183 = arith.constant 2 : i32
      %add3A_184 = arith.addi %mul3A_163, %add3A_183 : i32
      %jit3A_185 = arith.constant 4 : i32
      %eq3A_186 = arith.constant 0 : i32
      %eq3A_187 = arith.cmpi eq, %jit3A_185, %eq3A_186 : i32
      %jit3A_188 = arith.constant 1 : i32
      %select_n3A_189 = arith.select %eq3A_187, %jit3A_188, %jit3A_185 : i32
      %rem3A_190 = arith.remsi %add3A_184, %select_n3A_189 : i32
      %ne3A_191 = arith.constant 0 : i32
      %ne3A_192 = arith.cmpi ne, %rem3A_190, %ne3A_191 : i32
      %lt3A_193 = arith.constant 0 : i32
      %lt3A_194 = arith.cmpi slt, %rem3A_190, %lt3A_193 : i32
      %lt3A_195 = arith.constant 0 : i32
      %lt3A_196 = arith.cmpi slt, %select_n3A_189, %lt3A_195 : i32
      %ne3A_197 = arith.xori %lt3A_194, %lt3A_196 : i1
      %and3A_198 = arith.andi %ne3A_197, %ne3A_192 : i1
      %add3A_199 = arith.addi %rem3A_190, %select_n3A_189 : i32
      %select_n3A_200 = arith.select %and3A_198, %add3A_199, %rem3A_190 : i32
      %mul3A_201 = arith.constant 64 : i32
      %mul3A_202 = arith.muli %select_n3A_200, %mul3A_201 : i32
      %add3A_203 = arith.addi %add3A_35, %mul3A_202 : i32
      %dma_start3A_204 = arith.constant 0 : i32
      %dma_start3A_205 = tpu.memref_slice %arg2[%add3A_203, %dma_start3A_204] : memref<8192x512xf32, #tpu.memory_space<hbm>> -> memref<64x512xf32, #tpu.memory_space<hbm>>
      %dma_start3A_206 = arith.constant 0 : i32
      %dma_start3A_207 = tpu.memref_slice %arg2[%add3A_203, %dma_start3A_206] : memref<8192x512xf32, #tpu.memory_space<hbm>> -> memref<64x512xf32, #tpu.memory_space<hbm>>
      tpu.enqueue_dma source(%dma_start3A_207 : memref<64x512xf32, #tpu.memory_space<hbm>>) target(%arg4 : memref<64x512xf32, #tpu.memory_space<vmem>>) target_semaphore(%arg10 : memref<!tpu.dma_semaphore, #tpu.memory_space<semaphore_mem>>)
      %add3A_208 = arith.constant 1 : i32
      %add3A_209 = arith.addi %mul3A_163, %add3A_208 : i32
      %mul3A_210 = arith.constant 64 : i32
      %mul3A_211 = arith.muli %add3A_209, %mul3A_210 : i32
      %add3A_212 = arith.addi %add3A_35, %mul3A_211 : i32
      %dma_wait3A_213 = arith.constant 0 : i32
      %dma_wait3A_214 = tpu.memref_slice %arg2[%add3A_212, %dma_wait3A_213] : memref<8192x512xf32, #tpu.memory_space<hbm>> -> memref<64x512xf32, #tpu.memory_space<hbm>>
      %dma_wait3A_215 = arith.constant 0 : i32
      %dma_wait3A_216 = tpu.memref_slice %arg2[%add3A_212, %dma_wait3A_215] : memref<8192x512xf32, #tpu.memory_space<hbm>> -> memref<64x512xf32, #tpu.memory_space<hbm>>
      tpu.wait_dma2 semaphore(%arg11 : memref<!tpu.dma_semaphore, #tpu.memory_space<semaphore_mem>>) src(%dma_wait3A_216 : memref<64x512xf32, #tpu.memory_space<hbm>>) dst(%arg5 : memref<64x512xf32, #tpu.memory_space<vmem>>)
      %parallel_loop3A_217 = arith.constant 0 : i32
      %parallel_loop3A_218 = arith.constant 64 : i32
      %parallel_loop3A_219 = arith.constant 1 : i32
      %parallel_loop3A_220:2 = scf.for %parallel_loop3A_221 = %parallel_loop3A_217 to %parallel_loop3A_218 step %parallel_loop3A_219 iter_args(%parallel_loop3A_222 = %parallel_loop3A_182#0, %parallel_loop3A_223 = %parallel_loop3A_182#1) -> (vector<16xf32>, vector<16xf32>)  : i32 {
        %parallel_loop3A_224 = arith.index_cast %parallel_loop3A_221 : i32 to index
        %parallel_loop3A_225 = arith.constant 0 : index
        %parallel_loop3A_226 = tpu.vector_load %arg5[%parallel_loop3A_224, %parallel_loop3A_225] {strides = array<i32>} : memref<64x512xf32, #tpu.memory_space<vmem>>, vector<16xf32>,
        %parallel_loop3A_227 = arith.mulf %parallel_loop3A_226, %div3A_133 : vector<16xf32>
        %parallel_loop3A_228 = arith.addf %parallel_loop3A_227, %sub3A_137 : vector<16xf32>
        %parallel_loop3A_229 = arith.index_cast %parallel_loop3A_221 : i32 to index
        %parallel_loop3A_230 = arith.constant 16 : index
        %parallel_loop3A_231 = tpu.vector_load %arg5[%parallel_loop3A_229, %parallel_loop3A_230] {strides = array<i32>} : memref<64x512xf32, #tpu.memory_space<vmem>>, vector<16xf32>,
        %parallel_loop3A_232 = arith.mulf %parallel_loop3A_231, %div3A_133 : vector<16xf32>
        %parallel_loop3A_233 = arith.addf %parallel_loop3A_232, %sub3A_137 : vector<16xf32>
        %parallel_loop3A_234 = arith.select %ge3A_43, %parallel_loop3A_228, %parallel_loop3A_233 : vector<16xi1>, vector<16xf32>
        %parallel_loop3A_235 = vector.shape_cast %and3A_41 : vector<16xi32> to vector<16x1xi32>
        %parallel_loop3A_236 = vector.shape_cast %parallel_loop3A_235 : vector<16x1xi32> to vector<16xi32>
        %parallel_loop3A_237 = tpu.dynamic_gather %parallel_loop3A_234[%parallel_loop3A_236] in [0] : vector<16xf32>, vector<16xi32> -> vector<16xf32>
        %parallel_loop3A_238 = arith.subf %parallel_loop3A_228, %parallel_loop3A_237 : vector<16xf32>
        %parallel_loop3A_239 = arith.mulf %parallel_loop3A_238, %parallel_loop3A_238 : vector<16xf32>
        %parallel_loop3A_240 = arith.addf %parallel_loop3A_222, %parallel_loop3A_239 : vector<16xf32>
        %parallel_loop3A_241 = arith.index_cast %parallel_loop3A_221 : i32 to index
        %parallel_loop3A_242 = arith.constant 32 : index
        %parallel_loop3A_243 = tpu.vector_load %arg5[%parallel_loop3A_241, %parallel_loop3A_242] {strides = array<i32>} : memref<64x512xf32, #tpu.memory_space<vmem>>, vector<16xf32>,
        %parallel_loop3A_244 = arith.mulf %parallel_loop3A_243, %div3A_133 : vector<16xf32>
        %parallel_loop3A_245 = arith.addf %parallel_loop3A_244, %sub3A_137 : vector<16xf32>
        %parallel_loop3A_246 = arith.select %ge3A_43, %parallel_loop3A_233, %parallel_loop3A_245 : vector<16xi1>, vector<16xf32>
        %parallel_loop3A_247 = vector.shape_cast %and3A_41 : vector<16xi32> to vector<16x1xi32>
        %parallel_loop3A_248 = vector.shape_cast %parallel_loop3A_247 : vector<16x1xi32> to vector<16xi32>
        %parallel_loop3A_249 = tpu.dynamic_gather %parallel_loop3A_246[%parallel_loop3A_248] in [0] : vector<16xf32>, vector<16xi32> -> vector<16xf32>
        %parallel_loop3A_250 = arith.subf %parallel_loop3A_233, %parallel_loop3A_249 : vector<16xf32>
        %parallel_loop3A_251 = arith.mulf %parallel_loop3A_250, %parallel_loop3A_250 : vector<16xf32>
        %parallel_loop3A_252 = arith.addf %parallel_loop3A_223, %parallel_loop3A_251 : vector<16xf32>
        %parallel_loop3A_253 = arith.index_cast %parallel_loop3A_221 : i32 to index
        %parallel_loop3A_254 = arith.constant 48 : index
        %parallel_loop3A_255 = tpu.vector_load %arg5[%parallel_loop3A_253, %parallel_loop3A_254] {strides = array<i32>} : memref<64x512xf32, #tpu.memory_space<vmem>>, vector<16xf32>,
        %parallel_loop3A_256 = arith.mulf %parallel_loop3A_255, %div3A_133 : vector<16xf32>
        %parallel_loop3A_257 = arith.addf %parallel_loop3A_256, %sub3A_137 : vector<16xf32>
        %parallel_loop3A_258 = arith.select %ge3A_43, %parallel_loop3A_245, %parallel_loop3A_257 : vector<16xi1>, vector<16xf32>
        %parallel_loop3A_259 = vector.shape_cast %and3A_41 : vector<16xi32> to vector<16x1xi32>
        %parallel_loop3A_260 = vector.shape_cast %parallel_loop3A_259 : vector<16x1xi32> to vector<16xi32>
        %parallel_loop3A_261 = tpu.dynamic_gather %parallel_loop3A_258[%parallel_loop3A_260] in [0] : vector<16xf32>, vector<16xi32> -> vector<16xf32>
        %parallel_loop3A_262 = arith.subf %parallel_loop3A_245, %parallel_loop3A_261 : vector<16xf32>
        %parallel_loop3A_263 = arith.mulf %parallel_loop3A_262, %parallel_loop3A_262 : vector<16xf32>
        %parallel_loop3A_264 = arith.addf %parallel_loop3A_240, %parallel_loop3A_263 : vector<16xf32>
        %parallel_loop3A_265 = arith.index_cast %parallel_loop3A_221 : i32 to index
        %parallel_loop3A_266 = arith.constant 64 : index
        %parallel_loop3A_267 = tpu.vector_load %arg5[%parallel_loop3A_265, %parallel_loop3A_266] {strides = array<i32>} : memref<64x512xf32, #tpu.memory_space<vmem>>, vector<16xf32>,
        %parallel_loop3A_268 = arith.mulf %parallel_loop3A_267, %div3A_133 : vector<16xf32>
        %parallel_loop3A_269 = arith.addf %parallel_loop3A_268, %sub3A_137 : vector<16xf32>
        %parallel_loop3A_270 = arith.select %ge3A_43, %parallel_loop3A_257, %parallel_loop3A_269 : vector<16xi1>, vector<16xf32>
        %parallel_loop3A_271 = vector.shape_cast %and3A_41 : vector<16xi32> to vector<16x1xi32>
        %parallel_loop3A_272 = vector.shape_cast %parallel_loop3A_271 : vector<16x1xi32> to vector<16xi32>
        %parallel_loop3A_273 = tpu.dynamic_gather %parallel_loop3A_270[%parallel_loop3A_272] in [0] : vector<16xf32>, vector<16xi32> -> vector<16xf32>
        %parallel_loop3A_274 = arith.subf %parallel_loop3A_257, %parallel_loop3A_273 : vector<16xf32>
        %parallel_loop3A_275 = arith.mulf %parallel_loop3A_274, %parallel_loop3A_274 : vector<16xf32>
        %parallel_loop3A_276 = arith.addf %parallel_loop3A_252, %parallel_loop3A_275 : vector<16xf32>
        %parallel_loop3A_277 = arith.index_cast %parallel_loop3A_221 : i32 to index
        %parallel_loop3A_278 = arith.constant 80 : index
        %parallel_loop3A_279 = tpu.vector_load %arg5[%parallel_loop3A_277, %parallel_loop3A_278] {strides = array<i32>} : memref<64x512xf32, #tpu.memory_space<vmem>>, vector<16xf32>,
        %parallel_loop3A_280 = arith.mulf %parallel_loop3A_279, %div3A_133 : vector<16xf32>
        %parallel_loop3A_281 = arith.addf %parallel_loop3A_280, %sub3A_137 : vector<16xf32>
        %parallel_loop3A_282 = arith.select %ge3A_43, %parallel_loop3A_269, %parallel_loop3A_281 : vector<16xi1>, vector<16xf32>
        %parallel_loop3A_283 = vector.shape_cast %and3A_41 : vector<16xi32> to vector<16x1xi32>
        %parallel_loop3A_284 = vector.shape_cast %parallel_loop3A_283 : vector<16x1xi32> to vector<16xi32>
        %parallel_loop3A_285 = tpu.dynamic_gather %parallel_loop3A_282[%parallel_loop3A_284] in [0] : vector<16xf32>, vector<16xi32> -> vector<16xf32>
        %parallel_loop3A_286 = arith.subf %parallel_loop3A_269, %parallel_loop3A_285 : vector<16xf32>
        %parallel_loop3A_287 = arith.mulf %parallel_loop3A_286, %parallel_loop3A_286 : vector<16xf32>
        %parallel_loop3A_288 = arith.addf %parallel_loop3A_264, %parallel_loop3A_287 : vector<16xf32>
        %parallel_loop3A_289 = arith.index_cast %parallel_loop3A_221 : i32 to index
        %parallel_loop3A_290 = arith.constant 96 : index
        %parallel_loop3A_291 = tpu.vector_load %arg5[%parallel_loop3A_289, %parallel_loop3A_290] {strides = array<i32>} : memref<64x512xf32, #tpu.memory_space<vmem>>, vector<16xf32>,
        %parallel_loop3A_292 = arith.mulf %parallel_loop3A_291, %div3A_133 : vector<16xf32>
        %parallel_loop3A_293 = arith.addf %parallel_loop3A_292, %sub3A_137 : vector<16xf32>
        %parallel_loop3A_294 = arith.select %ge3A_43, %parallel_loop3A_281, %parallel_loop3A_293 : vector<16xi1>, vector<16xf32>
        %parallel_loop3A_295 = vector.shape_cast %and3A_41 : vector<16xi32> to vector<16x1xi32>
        %parallel_loop3A_296 = vector.shape_cast %parallel_loop3A_295 : vector<16x1xi32> to vector<16xi32>
        %parallel_loop3A_297 = tpu.dynamic_gather %parallel_loop3A_294[%parallel_loop3A_296] in [0] : vector<16xf32>, vector<16xi32> -> vector<16xf32>
        %parallel_loop3A_298 = arith.subf %parallel_loop3A_281, %parallel_loop3A_297 : vector<16xf32>
        %parallel_loop3A_299 = arith.mulf %parallel_loop3A_298, %parallel_loop3A_298 : vector<16xf32>
        %parallel_loop3A_300 = arith.addf %parallel_loop3A_276, %parallel_loop3A_299 : vector<16xf32>
        %parallel_loop3A_301 = arith.index_cast %parallel_loop3A_221 : i32 to index
        %parallel_loop3A_302 = arith.constant 112 : index
        %parallel_loop3A_303 = tpu.vector_load %arg5[%parallel_loop3A_301, %parallel_loop3A_302] {strides = array<i32>} : memref<64x512xf32, #tpu.memory_space<vmem>>, vector<16xf32>,
        %parallel_loop3A_304 = arith.mulf %parallel_loop3A_303, %div3A_133 : vector<16xf32>
        %parallel_loop3A_305 = arith.addf %parallel_loop3A_304, %sub3A_137 : vector<16xf32>
        %parallel_loop3A_306 = arith.select %ge3A_43, %parallel_loop3A_293, %parallel_loop3A_305 : vector<16xi1>, vector<16xf32>
        %parallel_loop3A_307 = vector.shape_cast %and3A_41 : vector<16xi32> to vector<16x1xi32>
        %parallel_loop3A_308 = vector.shape_cast %parallel_loop3A_307 : vector<16x1xi32> to vector<16xi32>
        %parallel_loop3A_309 = tpu.dynamic_gather %parallel_loop3A_306[%parallel_loop3A_308] in [0] : vector<16xf32>, vector<16xi32> -> vector<16xf32>
        %parallel_loop3A_310 = arith.subf %parallel_loop3A_293, %parallel_loop3A_309 : vector<16xf32>
        %parallel_loop3A_311 = arith.mulf %parallel_loop3A_310, %parallel_loop3A_310 : vector<16xf32>
        %parallel_loop3A_312 = arith.addf %parallel_loop3A_288, %parallel_loop3A_311 : vector<16xf32>
        %parallel_loop3A_313 = arith.index_cast %parallel_loop3A_221 : i32 to index
        %parallel_loop3A_314 = arith.constant 128 : index
        %parallel_loop3A_315 = tpu.vector_load %arg5[%parallel_loop3A_313, %parallel_loop3A_314] {strides = array<i32>} : memref<64x512xf32, #tpu.memory_space<vmem>>, vector<16xf32>,
        %parallel_loop3A_316 = arith.mulf %parallel_loop3A_315, %div3A_133 : vector<16xf32>
        %parallel_loop3A_317 = arith.addf %parallel_loop3A_316, %sub3A_137 : vector<16xf32>
        %parallel_loop3A_318 = arith.select %ge3A_43, %parallel_loop3A_305, %parallel_loop3A_317 : vector<16xi1>, vector<16xf32>
        %parallel_loop3A_319 = vector.shape_cast %and3A_41 : vector<16xi32> to vector<16x1xi32>
        %parallel_loop3A_320 = vector.shape_cast %parallel_loop3A_319 : vector<16x1xi32> to vector<16xi32>
        %parallel_loop3A_321 = tpu.dynamic_gather %parallel_loop3A_318[%parallel_loop3A_320] in [0] : vector<16xf32>, vector<16xi32> -> vector<16xf32>
        %parallel_loop3A_322 = arith.subf %parallel_loop3A_305, %parallel_loop3A_321 : vector<16xf32>
        %parallel_loop3A_323 = arith.mulf %parallel_loop3A_322, %parallel_loop3A_322 : vector<16xf32>
        %parallel_loop3A_324 = arith.addf %parallel_loop3A_300, %parallel_loop3A_323 : vector<16xf32>
        %parallel_loop3A_325 = arith.index_cast %parallel_loop3A_221 : i32 to index
        %parallel_loop3A_326 = arith.constant 144 : index
        %parallel_loop3A_327 = tpu.vector_load %arg5[%parallel_loop3A_325, %parallel_loop3A_326] {strides = array<i32>} : memref<64x512xf32, #tpu.memory_space<vmem>>, vector<16xf32>,
        %parallel_loop3A_328 = arith.mulf %parallel_loop3A_327, %div3A_133 : vector<16xf32>
        %parallel_loop3A_329 = arith.addf %parallel_loop3A_328, %sub3A_137 : vector<16xf32>
        %parallel_loop3A_330 = arith.select %ge3A_43, %parallel_loop3A_317, %parallel_loop3A_329 : vector<16xi1>, vector<16xf32>
        %parallel_loop3A_331 = vector.shape_cast %and3A_41 : vector<16xi32> to vector<16x1xi32>
        %parallel_loop3A_332 = vector.shape_cast %parallel_loop3A_331 : vector<16x1xi32> to vector<16xi32>
        %parallel_loop3A_333 = tpu.dynamic_gather %parallel_loop3A_330[%parallel_loop3A_332] in [0] : vector<16xf32>, vector<16xi32> -> vector<16xf32>
        %parallel_loop3A_334 = arith.subf %parallel_loop3A_317, %parallel_loop3A_333 : vector<16xf32>
        %parallel_loop3A_335 = arith.mulf %parallel_loop3A_334, %parallel_loop3A_334 : vector<16xf32>
        %parallel_loop3A_336 = arith.addf %parallel_loop3A_312, %parallel_loop3A_335 : vector<16xf32>
        %parallel_loop3A_337 = arith.index_cast %parallel_loop3A_221 : i32 to index
        %parallel_loop3A_338 = arith.constant 160 : index
        %parallel_loop3A_339 = tpu.vector_load %arg5[%parallel_loop3A_337, %parallel_loop3A_338] {strides = array<i32>} : memref<64x512xf32, #tpu.memory_space<vmem>>, vector<16xf32>,
        %parallel_loop3A_340 = arith.mulf %parallel_loop3A_339, %div3A_133 : vector<16xf32>
        %parallel_loop3A_341 = arith.addf %parallel_loop3A_340, %sub3A_137 : vector<16xf32>
        %parallel_loop3A_342 = arith.select %ge3A_43, %parallel_loop3A_329, %parallel_loop3A_341 : vector<16xi1>, vector<16xf32>
        %parallel_loop3A_343 = vector.shape_cast %and3A_41 : vector<16xi32> to vector<16x1xi32>
        %parallel_loop3A_344 = vector.shape_cast %parallel_loop3A_343 : vector<16x1xi32> to vector<16xi32>
        %parallel_loop3A_345 = tpu.dynamic_gather %parallel_loop3A_342[%parallel_loop3A_344] in [0] : vector<16xf32>, vector<16xi32> -> vector<16xf32>
        %parallel_loop3A_346 = arith.subf %parallel_loop3A_329, %parallel_loop3A_345 : vector<16xf32>
        %parallel_loop3A_347 = arith.mulf %parallel_loop3A_346, %parallel_loop3A_346 : vector<16xf32>
        %parallel_loop3A_348 = arith.addf %parallel_loop3A_324, %parallel_loop3A_347 : vector<16xf32>
        %parallel_loop3A_349 = arith.index_cast %parallel_loop3A_221 : i32 to index
        %parallel_loop3A_350 = arith.constant 176 : index
        %parallel_loop3A_351 = tpu.vector_load %arg5[%parallel_loop3A_349, %parallel_loop3A_350] {strides = array<i32>} : memref<64x512xf32, #tpu.memory_space<vmem>>, vector<16xf32>,
        %parallel_loop3A_352 = arith.mulf %parallel_loop3A_351, %div3A_133 : vector<16xf32>
        %parallel_loop3A_353 = arith.addf %parallel_loop3A_352, %sub3A_137 : vector<16xf32>
        %parallel_loop3A_354 = arith.select %ge3A_43, %parallel_loop3A_341, %parallel_loop3A_353 : vector<16xi1>, vector<16xf32>
        %parallel_loop3A_355 = vector.shape_cast %and3A_41 : vector<16xi32> to vector<16x1xi32>
        %parallel_loop3A_356 = vector.shape_cast %parallel_loop3A_355 : vector<16x1xi32> to vector<16xi32>
        %parallel_loop3A_357 = tpu.dynamic_gather %parallel_loop3A_354[%parallel_loop3A_356] in [0] : vector<16xf32>, vector<16xi32> -> vector<16xf32>
        %parallel_loop3A_358 = arith.subf %parallel_loop3A_341, %parallel_loop3A_357 : vector<16xf32>
        %parallel_loop3A_359 = arith.mulf %parallel_loop3A_358, %parallel_loop3A_358 : vector<16xf32>
        %parallel_loop3A_360 = arith.addf %parallel_loop3A_336, %parallel_loop3A_359 : vector<16xf32>
        %parallel_loop3A_361 = arith.index_cast %parallel_loop3A_221 : i32 to index
        %parallel_loop3A_362 = arith.constant 192 : index
        %parallel_loop3A_363 = tpu.vector_load %arg5[%parallel_loop3A_361, %parallel_loop3A_362] {strides = array<i32>} : memref<64x512xf32, #tpu.memory_space<vmem>>, vector<16xf32>,
        %parallel_loop3A_364 = arith.mulf %parallel_loop3A_363, %div3A_133 : vector<16xf32>
        %parallel_loop3A_365 = arith.addf %parallel_loop3A_364, %sub3A_137 : vector<16xf32>
        %parallel_loop3A_366 = arith.select %ge3A_43, %parallel_loop3A_353, %parallel_loop3A_365 : vector<16xi1>, vector<16xf32>
        %parallel_loop3A_367 = vector.shape_cast %and3A_41 : vector<16xi32> to vector<16x1xi32>
        %parallel_loop3A_368 = vector.shape_cast %parallel_loop3A_367 : vector<16x1xi32> to vector<16xi32>
        %parallel_loop3A_369 = tpu.dynamic_gather %parallel_loop3A_366[%parallel_loop3A_368] in [0] : vector<16xf32>, vector<16xi32> -> vector<16xf32>
        %parallel_loop3A_370 = arith.subf %parallel_loop3A_353, %parallel_loop3A_369 : vector<16xf32>
        %parallel_loop3A_371 = arith.mulf %parallel_loop3A_370, %parallel_loop3A_370 : vector<16xf32>
        %parallel_loop3A_372 = arith.addf %parallel_loop3A_348, %parallel_loop3A_371 : vector<16xf32>
        %parallel_loop3A_373 = arith.index_cast %parallel_loop3A_221 : i32 to index
        %parallel_loop3A_374 = arith.constant 208 : index
        %parallel_loop3A_375 = tpu.vector_load %arg5[%parallel_loop3A_373, %parallel_loop3A_374] {strides = array<i32>} : memref<64x512xf32, #tpu.memory_space<vmem>>, vector<16xf32>,
        %parallel_loop3A_376 = arith.mulf %parallel_loop3A_375, %div3A_133 : vector<16xf32>
        %parallel_loop3A_377 = arith.addf %parallel_loop3A_376, %sub3A_137 : vector<16xf32>
        %parallel_loop3A_378 = arith.select %ge3A_43, %parallel_loop3A_365, %parallel_loop3A_377 : vector<16xi1>, vector<16xf32>
        %parallel_loop3A_379 = vector.shape_cast %and3A_41 : vector<16xi32> to vector<16x1xi32>
        %parallel_loop3A_380 = vector.shape_cast %parallel_loop3A_379 : vector<16x1xi32> to vector<16xi32>
        %parallel_loop3A_381 = tpu.dynamic_gather %parallel_loop3A_378[%parallel_loop3A_380] in [0] : vector<16xf32>, vector<16xi32> -> vector<16xf32>
        %parallel_loop3A_382 = arith.subf %parallel_loop3A_365, %parallel_loop3A_381 : vector<16xf32>
        %parallel_loop3A_383 = arith.mulf %parallel_loop3A_382, %parallel_loop3A_382 : vector<16xf32>
        %parallel_loop3A_384 = arith.addf %parallel_loop3A_360, %parallel_loop3A_383 : vector<16xf32>
        %parallel_loop3A_385 = arith.index_cast %parallel_loop3A_221 : i32 to index
        %parallel_loop3A_386 = arith.constant 224 : index
        %parallel_loop3A_387 = tpu.vector_load %arg5[%parallel_loop3A_385, %parallel_loop3A_386] {strides = array<i32>} : memref<64x512xf32, #tpu.memory_space<vmem>>, vector<16xf32>,
        %parallel_loop3A_388 = arith.mulf %parallel_loop3A_387, %div3A_133 : vector<16xf32>
        %parallel_loop3A_389 = arith.addf %parallel_loop3A_388, %sub3A_137 : vector<16xf32>
        %parallel_loop3A_390 = arith.select %ge3A_43, %parallel_loop3A_377, %parallel_loop3A_389 : vector<16xi1>, vector<16xf32>
        %parallel_loop3A_391 = vector.shape_cast %and3A_41 : vector<16xi32> to vector<16x1xi32>
        %parallel_loop3A_392 = vector.shape_cast %parallel_loop3A_391 : vector<16x1xi32> to vector<16xi32>
        %parallel_loop3A_393 = tpu.dynamic_gather %parallel_loop3A_390[%parallel_loop3A_392] in [0] : vector<16xf32>, vector<16xi32> -> vector<16xf32>
        %parallel_loop3A_394 = arith.subf %parallel_loop3A_377, %parallel_loop3A_393 : vector<16xf32>
        %parallel_loop3A_395 = arith.mulf %parallel_loop3A_394, %parallel_loop3A_394 : vector<16xf32>
        %parallel_loop3A_396 = arith.addf %parallel_loop3A_372, %parallel_loop3A_395 : vector<16xf32>
        %parallel_loop3A_397 = arith.index_cast %parallel_loop3A_221 : i32 to index
        %parallel_loop3A_398 = arith.constant 240 : index
        %parallel_loop3A_399 = tpu.vector_load %arg5[%parallel_loop3A_397, %parallel_loop3A_398] {strides = array<i32>} : memref<64x512xf32, #tpu.memory_space<vmem>>, vector<16xf32>,
        %parallel_loop3A_400 = arith.mulf %parallel_loop3A_399, %div3A_133 : vector<16xf32>
        %parallel_loop3A_401 = arith.addf %parallel_loop3A_400, %sub3A_137 : vector<16xf32>
        %parallel_loop3A_402 = arith.select %ge3A_43, %parallel_loop3A_389, %parallel_loop3A_401 : vector<16xi1>, vector<16xf32>
        %parallel_loop3A_403 = vector.shape_cast %and3A_41 : vector<16xi32> to vector<16x1xi32>
        %parallel_loop3A_404 = vector.shape_cast %parallel_loop3A_403 : vector<16x1xi32> to vector<16xi32>
        %parallel_loop3A_405 = tpu.dynamic_gather %parallel_loop3A_402[%parallel_loop3A_404] in [0] : vector<16xf32>, vector<16xi32> -> vector<16xf32>
        %parallel_loop3A_406 = arith.subf %parallel_loop3A_389, %parallel_loop3A_405 : vector<16xf32>
        %parallel_loop3A_407 = arith.mulf %parallel_loop3A_406, %parallel_loop3A_406 : vector<16xf32>
        %parallel_loop3A_408 = arith.addf %parallel_loop3A_384, %parallel_loop3A_407 : vector<16xf32>
        %parallel_loop3A_409 = arith.index_cast %parallel_loop3A_221 : i32 to index
        %parallel_loop3A_410 = arith.constant 256 : index
        %parallel_loop3A_411 = tpu.vector_load %arg5[%parallel_loop3A_409, %parallel_loop3A_410] {strides = array<i32>} : memref<64x512xf32, #tpu.memory_space<vmem>>, vector<16xf32>,
        %parallel_loop3A_412 = arith.mulf %parallel_loop3A_411, %div3A_133 : vector<16xf32>
        %parallel_loop3A_413 = arith.addf %parallel_loop3A_412, %sub3A_137 : vector<16xf32>
        %parallel_loop3A_414 = arith.select %ge3A_43, %parallel_loop3A_401, %parallel_loop3A_413 : vector<16xi1>, vector<16xf32>
        %parallel_loop3A_415 = vector.shape_cast %and3A_41 : vector<16xi32> to vector<16x1xi32>
        %parallel_loop3A_416 = vector.shape_cast %parallel_loop3A_415 : vector<16x1xi32> to vector<16xi32>
        %parallel_loop3A_417 = tpu.dynamic_gather %parallel_loop3A_414[%parallel_loop3A_416] in [0] : vector<16xf32>, vector<16xi32> -> vector<16xf32>
        %parallel_loop3A_418 = arith.subf %parallel_loop3A_401, %parallel_loop3A_417 : vector<16xf32>
        %parallel_loop3A_419 = arith.mulf %parallel_loop3A_418, %parallel_loop3A_418 : vector<16xf32>
        %parallel_loop3A_420 = arith.addf %parallel_loop3A_396, %parallel_loop3A_419 : vector<16xf32>
        %parallel_loop3A_421 = arith.index_cast %parallel_loop3A_221 : i32 to index
        %parallel_loop3A_422 = arith.constant 272 : index
        %parallel_loop3A_423 = tpu.vector_load %arg5[%parallel_loop3A_421, %parallel_loop3A_422] {strides = array<i32>} : memref<64x512xf32, #tpu.memory_space<vmem>>, vector<16xf32>,
        %parallel_loop3A_424 = arith.mulf %parallel_loop3A_423, %div3A_133 : vector<16xf32>
        %parallel_loop3A_425 = arith.addf %parallel_loop3A_424, %sub3A_137 : vector<16xf32>
        %parallel_loop3A_426 = arith.select %ge3A_43, %parallel_loop3A_413, %parallel_loop3A_425 : vector<16xi1>, vector<16xf32>
        %parallel_loop3A_427 = vector.shape_cast %and3A_41 : vector<16xi32> to vector<16x1xi32>
        %parallel_loop3A_428 = vector.shape_cast %parallel_loop3A_427 : vector<16x1xi32> to vector<16xi32>
        %parallel_loop3A_429 = tpu.dynamic_gather %parallel_loop3A_426[%parallel_loop3A_428] in [0] : vector<16xf32>, vector<16xi32> -> vector<16xf32>
        %parallel_loop3A_430 = arith.subf %parallel_loop3A_413, %parallel_loop3A_429 : vector<16xf32>
        %parallel_loop3A_431 = arith.mulf %parallel_loop3A_430, %parallel_loop3A_430 : vector<16xf32>
        %parallel_loop3A_432 = arith.addf %parallel_loop3A_408, %parallel_loop3A_431 : vector<16xf32>
        %parallel_loop3A_433 = arith.index_cast %parallel_loop3A_221 : i32 to index
        %parallel_loop3A_434 = arith.constant 288 : index
        %parallel_loop3A_435 = tpu.vector_load %arg5[%parallel_loop3A_433, %parallel_loop3A_434] {strides = array<i32>} : memref<64x512xf32, #tpu.memory_space<vmem>>, vector<16xf32>,
        %parallel_loop3A_436 = arith.mulf %parallel_loop3A_435, %div3A_133 : vector<16xf32>
        %parallel_loop3A_437 = arith.addf %parallel_loop3A_436, %sub3A_137 : vector<16xf32>
        %parallel_loop3A_438 = arith.select %ge3A_43, %parallel_loop3A_425, %parallel_loop3A_437 : vector<16xi1>, vector<16xf32>
        %parallel_loop3A_439 = vector.shape_cast %and3A_41 : vector<16xi32> to vector<16x1xi32>
        %parallel_loop3A_440 = vector.shape_cast %parallel_loop3A_439 : vector<16x1xi32> to vector<16xi32>
        %parallel_loop3A_441 = tpu.dynamic_gather %parallel_loop3A_438[%parallel_loop3A_440] in [0] : vector<16xf32>, vector<16xi32> -> vector<16xf32>
        %parallel_loop3A_442 = arith.subf %parallel_loop3A_425, %parallel_loop3A_441 : vector<16xf32>
        %parallel_loop3A_443 = arith.mulf %parallel_loop3A_442, %parallel_loop3A_442 : vector<16xf32>
        %parallel_loop3A_444 = arith.addf %parallel_loop3A_420, %parallel_loop3A_443 : vector<16xf32>
        %parallel_loop3A_445 = arith.index_cast %parallel_loop3A_221 : i32 to index
        %parallel_loop3A_446 = arith.constant 304 : index
        %parallel_loop3A_447 = tpu.vector_load %arg5[%parallel_loop3A_445, %parallel_loop3A_446] {strides = array<i32>} : memref<64x512xf32, #tpu.memory_space<vmem>>, vector<16xf32>,
        %parallel_loop3A_448 = arith.mulf %parallel_loop3A_447, %div3A_133 : vector<16xf32>
        %parallel_loop3A_449 = arith.addf %parallel_loop3A_448, %sub3A_137 : vector<16xf32>
        %parallel_loop3A_450 = arith.select %ge3A_43, %parallel_loop3A_437, %parallel_loop3A_449 : vector<16xi1>, vector<16xf32>
        %parallel_loop3A_451 = vector.shape_cast %and3A_41 : vector<16xi32> to vector<16x1xi32>
        %parallel_loop3A_452 = vector.shape_cast %parallel_loop3A_451 : vector<16x1xi32> to vector<16xi32>
        %parallel_loop3A_453 = tpu.dynamic_gather %parallel_loop3A_450[%parallel_loop3A_452] in [0] : vector<16xf32>, vector<16xi32> -> vector<16xf32>
        %parallel_loop3A_454 = arith.subf %parallel_loop3A_437, %parallel_loop3A_453 : vector<16xf32>
        %parallel_loop3A_455 = arith.mulf %parallel_loop3A_454, %parallel_loop3A_454 : vector<16xf32>
        %parallel_loop3A_456 = arith.addf %parallel_loop3A_432, %parallel_loop3A_455 : vector<16xf32>
        %parallel_loop3A_457 = arith.index_cast %parallel_loop3A_221 : i32 to index
        %parallel_loop3A_458 = arith.constant 320 : index
        %parallel_loop3A_459 = tpu.vector_load %arg5[%parallel_loop3A_457, %parallel_loop3A_458] {strides = array<i32>} : memref<64x512xf32, #tpu.memory_space<vmem>>, vector<16xf32>,
        %parallel_loop3A_460 = arith.mulf %parallel_loop3A_459, %div3A_133 : vector<16xf32>
        %parallel_loop3A_461 = arith.addf %parallel_loop3A_460, %sub3A_137 : vector<16xf32>
        %parallel_loop3A_462 = arith.select %ge3A_43, %parallel_loop3A_449, %parallel_loop3A_461 : vector<16xi1>, vector<16xf32>
        %parallel_loop3A_463 = vector.shape_cast %and3A_41 : vector<16xi32> to vector<16x1xi32>
        %parallel_loop3A_464 = vector.shape_cast %parallel_loop3A_463 : vector<16x1xi32> to vector<16xi32>
        %parallel_loop3A_465 = tpu.dynamic_gather %parallel_loop3A_462[%parallel_loop3A_464] in [0] : vector<16xf32>, vector<16xi32> -> vector<16xf32>
        %parallel_loop3A_466 = arith.subf %parallel_loop3A_449, %parallel_loop3A_465 : vector<16xf32>
        %parallel_loop3A_467 = arith.mulf %parallel_loop3A_466, %parallel_loop3A_466 : vector<16xf32>
        %parallel_loop3A_468 = arith.addf %parallel_loop3A_444, %parallel_loop3A_467 : vector<16xf32>
        %parallel_loop3A_469 = arith.index_cast %parallel_loop3A_221 : i32 to index
        %parallel_loop3A_470 = arith.constant 336 : index
        %parallel_loop3A_471 = tpu.vector_load %arg5[%parallel_loop3A_469, %parallel_loop3A_470] {strides = array<i32>} : memref<64x512xf32, #tpu.memory_space<vmem>>, vector<16xf32>,
        %parallel_loop3A_472 = arith.mulf %parallel_loop3A_471, %div3A_133 : vector<16xf32>
        %parallel_loop3A_473 = arith.addf %parallel_loop3A_472, %sub3A_137 : vector<16xf32>
        %parallel_loop3A_474 = arith.select %ge3A_43, %parallel_loop3A_461, %parallel_loop3A_473 : vector<16xi1>, vector<16xf32>
        %parallel_loop3A_475 = vector.shape_cast %and3A_41 : vector<16xi32> to vector<16x1xi32>
        %parallel_loop3A_476 = vector.shape_cast %parallel_loop3A_475 : vector<16x1xi32> to vector<16xi32>
        %parallel_loop3A_477 = tpu.dynamic_gather %parallel_loop3A_474[%parallel_loop3A_476] in [0] : vector<16xf32>, vector<16xi32> -> vector<16xf32>
        %parallel_loop3A_478 = arith.subf %parallel_loop3A_461, %parallel_loop3A_477 : vector<16xf32>
        %parallel_loop3A_479 = arith.mulf %parallel_loop3A_478, %parallel_loop3A_478 : vector<16xf32>
        %parallel_loop3A_480 = arith.addf %parallel_loop3A_456, %parallel_loop3A_479 : vector<16xf32>
        %parallel_loop3A_481 = arith.index_cast %parallel_loop3A_221 : i32 to index
        %parallel_loop3A_482 = arith.constant 352 : index
        %parallel_loop3A_483 = tpu.vector_load %arg5[%parallel_loop3A_481, %parallel_loop3A_482] {strides = array<i32>} : memref<64x512xf32, #tpu.memory_space<vmem>>, vector<16xf32>,
        %parallel_loop3A_484 = arith.mulf %parallel_loop3A_483, %div3A_133 : vector<16xf32>
        %parallel_loop3A_485 = arith.addf %parallel_loop3A_484, %sub3A_137 : vector<16xf32>
        %parallel_loop3A_486 = arith.select %ge3A_43, %parallel_loop3A_473, %parallel_loop3A_485 : vector<16xi1>, vector<16xf32>
        %parallel_loop3A_487 = vector.shape_cast %and3A_41 : vector<16xi32> to vector<16x1xi32>
        %parallel_loop3A_488 = vector.shape_cast %parallel_loop3A_487 : vector<16x1xi32> to vector<16xi32>
        %parallel_loop3A_489 = tpu.dynamic_gather %parallel_loop3A_486[%parallel_loop3A_488] in [0] : vector<16xf32>, vector<16xi32> -> vector<16xf32>
        %parallel_loop3A_490 = arith.subf %parallel_loop3A_473, %parallel_loop3A_489 : vector<16xf32>
        %parallel_loop3A_491 = arith.mulf %parallel_loop3A_490, %parallel_loop3A_490 : vector<16xf32>
        %parallel_loop3A_492 = arith.addf %parallel_loop3A_468, %parallel_loop3A_491 : vector<16xf32>
        %parallel_loop3A_493 = arith.index_cast %parallel_loop3A_221 : i32 to index
        %parallel_loop3A_494 = arith.constant 368 : index
        %parallel_loop3A_495 = tpu.vector_load %arg5[%parallel_loop3A_493, %parallel_loop3A_494] {strides = array<i32>} : memref<64x512xf32, #tpu.memory_space<vmem>>, vector<16xf32>,
        %parallel_loop3A_496 = arith.mulf %parallel_loop3A_495, %div3A_133 : vector<16xf32>
        %parallel_loop3A_497 = arith.addf %parallel_loop3A_496, %sub3A_137 : vector<16xf32>
        %parallel_loop3A_498 = arith.select %ge3A_43, %parallel_loop3A_485, %parallel_loop3A_497 : vector<16xi1>, vector<16xf32>
        %parallel_loop3A_499 = vector.shape_cast %and3A_41 : vector<16xi32> to vector<16x1xi32>
        %parallel_loop3A_500 = vector.shape_cast %parallel_loop3A_499 : vector<16x1xi32> to vector<16xi32>
        %parallel_loop3A_501 = tpu.dynamic_gather %parallel_loop3A_498[%parallel_loop3A_500] in [0] : vector<16xf32>, vector<16xi32> -> vector<16xf32>
        %parallel_loop3A_502 = arith.subf %parallel_loop3A_485, %parallel_loop3A_501 : vector<16xf32>
        %parallel_loop3A_503 = arith.mulf %parallel_loop3A_502, %parallel_loop3A_502 : vector<16xf32>
        %parallel_loop3A_504 = arith.addf %parallel_loop3A_480, %parallel_loop3A_503 : vector<16xf32>
        %parallel_loop3A_505 = arith.index_cast %parallel_loop3A_221 : i32 to index
        %parallel_loop3A_506 = arith.constant 384 : index
        %parallel_loop3A_507 = tpu.vector_load %arg5[%parallel_loop3A_505, %parallel_loop3A_506] {strides = array<i32>} : memref<64x512xf32, #tpu.memory_space<vmem>>, vector<16xf32>,
        %parallel_loop3A_508 = arith.mulf %parallel_loop3A_507, %div3A_133 : vector<16xf32>
        %parallel_loop3A_509 = arith.addf %parallel_loop3A_508, %sub3A_137 : vector<16xf32>
        %parallel_loop3A_510 = arith.select %ge3A_43, %parallel_loop3A_497, %parallel_loop3A_509 : vector<16xi1>, vector<16xf32>
        %parallel_loop3A_511 = vector.shape_cast %and3A_41 : vector<16xi32> to vector<16x1xi32>
        %parallel_loop3A_512 = vector.shape_cast %parallel_loop3A_511 : vector<16x1xi32> to vector<16xi32>
        %parallel_loop3A_513 = tpu.dynamic_gather %parallel_loop3A_510[%parallel_loop3A_512] in [0] : vector<16xf32>, vector<16xi32> -> vector<16xf32>
        %parallel_loop3A_514 = arith.subf %parallel_loop3A_497, %parallel_loop3A_513 : vector<16xf32>
        %parallel_loop3A_515 = arith.mulf %parallel_loop3A_514, %parallel_loop3A_514 : vector<16xf32>
        %parallel_loop3A_516 = arith.addf %parallel_loop3A_492, %parallel_loop3A_515 : vector<16xf32>
        %parallel_loop3A_517 = arith.index_cast %parallel_loop3A_221 : i32 to index
        %parallel_loop3A_518 = arith.constant 400 : index
        %parallel_loop3A_519 = tpu.vector_load %arg5[%parallel_loop3A_517, %parallel_loop3A_518] {strides = array<i32>} : memref<64x512xf32, #tpu.memory_space<vmem>>, vector<16xf32>,
        %parallel_loop3A_520 = arith.mulf %parallel_loop3A_519, %div3A_133 : vector<16xf32>
        %parallel_loop3A_521 = arith.addf %parallel_loop3A_520, %sub3A_137 : vector<16xf32>
        %parallel_loop3A_522 = arith.select %ge3A_43, %parallel_loop3A_509, %parallel_loop3A_521 : vector<16xi1>, vector<16xf32>
        %parallel_loop3A_523 = vector.shape_cast %and3A_41 : vector<16xi32> to vector<16x1xi32>
        %parallel_loop3A_524 = vector.shape_cast %parallel_loop3A_523 : vector<16x1xi32> to vector<16xi32>
        %parallel_loop3A_525 = tpu.dynamic_gather %parallel_loop3A_522[%parallel_loop3A_524] in [0] : vector<16xf32>, vector<16xi32> -> vector<16xf32>
        %parallel_loop3A_526 = arith.subf %parallel_loop3A_509, %parallel_loop3A_525 : vector<16xf32>
        %parallel_loop3A_527 = arith.mulf %parallel_loop3A_526, %parallel_loop3A_526 : vector<16xf32>
        %parallel_loop3A_528 = arith.addf %parallel_loop3A_504, %parallel_loop3A_527 : vector<16xf32>
        %parallel_loop3A_529 = arith.index_cast %parallel_loop3A_221 : i32 to index
        %parallel_loop3A_530 = arith.constant 416 : index
        %parallel_loop3A_531 = tpu.vector_load %arg5[%parallel_loop3A_529, %parallel_loop3A_530] {strides = array<i32>} : memref<64x512xf32, #tpu.memory_space<vmem>>, vector<16xf32>,
        %parallel_loop3A_532 = arith.mulf %parallel_loop3A_531, %div3A_133 : vector<16xf32>
        %parallel_loop3A_533 = arith.addf %parallel_loop3A_532, %sub3A_137 : vector<16xf32>
        %parallel_loop3A_534 = arith.select %ge3A_43, %parallel_loop3A_521, %parallel_loop3A_533 : vector<16xi1>, vector<16xf32>
        %parallel_loop3A_535 = vector.shape_cast %and3A_41 : vector<16xi32> to vector<16x1xi32>
        %parallel_loop3A_536 = vector.shape_cast %parallel_loop3A_535 : vector<16x1xi32> to vector<16xi32>
        %parallel_loop3A_537 = tpu.dynamic_gather %parallel_loop3A_534[%parallel_loop3A_536] in [0] : vector<16xf32>, vector<16xi32> -> vector<16xf32>
        %parallel_loop3A_538 = arith.subf %parallel_loop3A_521, %parallel_loop3A_537 : vector<16xf32>
        %parallel_loop3A_539 = arith.mulf %parallel_loop3A_538, %parallel_loop3A_538 : vector<16xf32>
        %parallel_loop3A_540 = arith.addf %parallel_loop3A_516, %parallel_loop3A_539 : vector<16xf32>
        %parallel_loop3A_541 = arith.index_cast %parallel_loop3A_221 : i32 to index
        %parallel_loop3A_542 = arith.constant 432 : index
        %parallel_loop3A_543 = tpu.vector_load %arg5[%parallel_loop3A_541, %parallel_loop3A_542] {strides = array<i32>} : memref<64x512xf32, #tpu.memory_space<vmem>>, vector<16xf32>,
        %parallel_loop3A_544 = arith.mulf %parallel_loop3A_543, %div3A_133 : vector<16xf32>
        %parallel_loop3A_545 = arith.addf %parallel_loop3A_544, %sub3A_137 : vector<16xf32>
        %parallel_loop3A_546 = arith.select %ge3A_43, %parallel_loop3A_533, %parallel_loop3A_545 : vector<16xi1>, vector<16xf32>
        %parallel_loop3A_547 = vector.shape_cast %and3A_41 : vector<16xi32> to vector<16x1xi32>
        %parallel_loop3A_548 = vector.shape_cast %parallel_loop3A_547 : vector<16x1xi32> to vector<16xi32>
        %parallel_loop3A_549 = tpu.dynamic_gather %parallel_loop3A_546[%parallel_loop3A_548] in [0] : vector<16xf32>, vector<16xi32> -> vector<16xf32>
        %parallel_loop3A_550 = arith.subf %parallel_loop3A_533, %parallel_loop3A_549 : vector<16xf32>
        %parallel_loop3A_551 = arith.mulf %parallel_loop3A_550, %parallel_loop3A_550 : vector<16xf32>
        %parallel_loop3A_552 = arith.addf %parallel_loop3A_528, %parallel_loop3A_551 : vector<16xf32>
        %parallel_loop3A_553 = arith.index_cast %parallel_loop3A_221 : i32 to index
        %parallel_loop3A_554 = arith.constant 448 : index
        %parallel_loop3A_555 = tpu.vector_load %arg5[%parallel_loop3A_553, %parallel_loop3A_554] {strides = array<i32>} : memref<64x512xf32, #tpu.memory_space<vmem>>, vector<16xf32>,
        %parallel_loop3A_556 = arith.mulf %parallel_loop3A_555, %div3A_133 : vector<16xf32>
        %parallel_loop3A_557 = arith.addf %parallel_loop3A_556, %sub3A_137 : vector<16xf32>
        %parallel_loop3A_558 = arith.select %ge3A_43, %parallel_loop3A_545, %parallel_loop3A_557 : vector<16xi1>, vector<16xf32>
        %parallel_loop3A_559 = vector.shape_cast %and3A_41 : vector<16xi32> to vector<16x1xi32>
        %parallel_loop3A_560 = vector.shape_cast %parallel_loop3A_559 : vector<16x1xi32> to vector<16xi32>
        %parallel_loop3A_561 = tpu.dynamic_gather %parallel_loop3A_558[%parallel_loop3A_560] in [0] : vector<16xf32>, vector<16xi32> -> vector<16xf32>
        %parallel_loop3A_562 = arith.subf %parallel_loop3A_545, %parallel_loop3A_561 : vector<16xf32>
        %parallel_loop3A_563 = arith.mulf %parallel_loop3A_562, %parallel_loop3A_562 : vector<16xf32>
        %parallel_loop3A_564 = arith.addf %parallel_loop3A_540, %parallel_loop3A_563 : vector<16xf32>
        %parallel_loop3A_565 = arith.index_cast %parallel_loop3A_221 : i32 to index
        %parallel_loop3A_566 = arith.constant 464 : index
        %parallel_loop3A_567 = tpu.vector_load %arg5[%parallel_loop3A_565, %parallel_loop3A_566] {strides = array<i32>} : memref<64x512xf32, #tpu.memory_space<vmem>>, vector<16xf32>,
        %parallel_loop3A_568 = arith.mulf %parallel_loop3A_567, %div3A_133 : vector<16xf32>
        %parallel_loop3A_569 = arith.addf %parallel_loop3A_568, %sub3A_137 : vector<16xf32>
        %parallel_loop3A_570 = arith.select %ge3A_43, %parallel_loop3A_557, %parallel_loop3A_569 : vector<16xi1>, vector<16xf32>
        %parallel_loop3A_571 = vector.shape_cast %and3A_41 : vector<16xi32> to vector<16x1xi32>
        %parallel_loop3A_572 = vector.shape_cast %parallel_loop3A_571 : vector<16x1xi32> to vector<16xi32>
        %parallel_loop3A_573 = tpu.dynamic_gather %parallel_loop3A_570[%parallel_loop3A_572] in [0] : vector<16xf32>, vector<16xi32> -> vector<16xf32>
        %parallel_loop3A_574 = arith.subf %parallel_loop3A_557, %parallel_loop3A_573 : vector<16xf32>
        %parallel_loop3A_575 = arith.mulf %parallel_loop3A_574, %parallel_loop3A_574 : vector<16xf32>
        %parallel_loop3A_576 = arith.addf %parallel_loop3A_552, %parallel_loop3A_575 : vector<16xf32>
        %parallel_loop3A_577 = arith.index_cast %parallel_loop3A_221 : i32 to index
        %parallel_loop3A_578 = arith.constant 480 : index
        %parallel_loop3A_579 = tpu.vector_load %arg5[%parallel_loop3A_577, %parallel_loop3A_578] {strides = array<i32>} : memref<64x512xf32, #tpu.memory_space<vmem>>, vector<16xf32>,
        %parallel_loop3A_580 = arith.mulf %parallel_loop3A_579, %div3A_133 : vector<16xf32>
        %parallel_loop3A_581 = arith.addf %parallel_loop3A_580, %sub3A_137 : vector<16xf32>
        %parallel_loop3A_582 = arith.select %ge3A_43, %parallel_loop3A_569, %parallel_loop3A_581 : vector<16xi1>, vector<16xf32>
        %parallel_loop3A_583 = vector.shape_cast %and3A_41 : vector<16xi32> to vector<16x1xi32>
        %parallel_loop3A_584 = vector.shape_cast %parallel_loop3A_583 : vector<16x1xi32> to vector<16xi32>
        %parallel_loop3A_585 = tpu.dynamic_gather %parallel_loop3A_582[%parallel_loop3A_584] in [0] : vector<16xf32>, vector<16xi32> -> vector<16xf32>
        %parallel_loop3A_586 = arith.subf %parallel_loop3A_569, %parallel_loop3A_585 : vector<16xf32>
        %parallel_loop3A_587 = arith.mulf %parallel_loop3A_586, %parallel_loop3A_586 : vector<16xf32>
        %parallel_loop3A_588 = arith.addf %parallel_loop3A_564, %parallel_loop3A_587 : vector<16xf32>
        %parallel_loop3A_589 = arith.index_cast %parallel_loop3A_221 : i32 to index
        %parallel_loop3A_590 = arith.constant 496 : index
        %parallel_loop3A_591 = tpu.vector_load %arg5[%parallel_loop3A_589, %parallel_loop3A_590] {strides = array<i32>} : memref<64x512xf32, #tpu.memory_space<vmem>>, vector<16xf32>,
        %parallel_loop3A_592 = arith.mulf %parallel_loop3A_591, %div3A_133 : vector<16xf32>
        %parallel_loop3A_593 = arith.addf %parallel_loop3A_592, %sub3A_137 : vector<16xf32>
        %parallel_loop3A_594 = arith.select %ge3A_43, %parallel_loop3A_581, %parallel_loop3A_593 : vector<16xi1>, vector<16xf32>
        %parallel_loop3A_595 = vector.shape_cast %and3A_41 : vector<16xi32> to vector<16x1xi32>
        %parallel_loop3A_596 = vector.shape_cast %parallel_loop3A_595 : vector<16x1xi32> to vector<16xi32>
        %parallel_loop3A_597 = tpu.dynamic_gather %parallel_loop3A_594[%parallel_loop3A_596] in [0] : vector<16xf32>, vector<16xi32> -> vector<16xf32>
        %parallel_loop3A_598 = arith.subf %parallel_loop3A_581, %parallel_loop3A_597 : vector<16xf32>
        %parallel_loop3A_599 = arith.mulf %parallel_loop3A_598, %parallel_loop3A_598 : vector<16xf32>
        %parallel_loop3A_600 = arith.addf %parallel_loop3A_576, %parallel_loop3A_599 : vector<16xf32>
        %parallel_loop3A_601 = vector.shape_cast %and3A_41 : vector<16xi32> to vector<16x1xi32>
        %parallel_loop3A_602 = vector.shape_cast %parallel_loop3A_601 : vector<16x1xi32> to vector<16xi32>
        %parallel_loop3A_603 = tpu.dynamic_gather %parallel_loop3A_593[%parallel_loop3A_602] in [0] : vector<16xf32>, vector<16xi32> -> vector<16xf32>
        %parallel_loop3A_604 = arith.subf %parallel_loop3A_593, %parallel_loop3A_603 : vector<16xf32>
        %parallel_loop3A_605 = arith.mulf %parallel_loop3A_604, %parallel_loop3A_604 : vector<16xf32>
        %parallel_loop3A_606 = arith.constant 0.000000e+00 : f32
        %parallel_loop3A_607 = vector.broadcast %parallel_loop3A_606 : f32 to vector<16xf32>
        %parallel_loop3A_608 = arith.select %lt3A_46, %parallel_loop3A_605, %parallel_loop3A_607 : vector<16xi1>, vector<16xf32>
        %parallel_loop3A_609 = arith.addf %parallel_loop3A_588, %parallel_loop3A_608 : vector<16xf32>
        scf.yield %parallel_loop3A_600, %parallel_loop3A_609 : vector<16xf32>, vector<16xf32>
      } {sc.loop_unroll_factor = 1 : i64, sc.parallel_access}
      scf.yield %parallel_loop3A_220#0, %parallel_loop3A_220#1 : vector<16xf32>, vector<16xf32>
    }
    %scan3A_145 = arith.constant 2 : i32
    %add3A_146 = arith.constant 0 : i32
    %add3A_147 = arith.addi %add3A_35, %add3A_146 : i32
    %dma_wait3A = arith.constant 0 : i32
    %dma_wait3A_148 = tpu.memref_slice %arg2[%add3A_147, %dma_wait3A] : memref<8192x512xf32, #tpu.memory_space<hbm>> -> memref<64x512xf32, #tpu.memory_space<hbm>>
    %dma_wait3A_149 = arith.constant 0 : i32
    %dma_wait3A_150 = tpu.memref_slice %arg2[%add3A_147, %dma_wait3A_149] : memref<8192x512xf32, #tpu.memory_space<hbm>> -> memref<64x512xf32, #tpu.memory_space<hbm>>
    tpu.wait_dma2 semaphore(%arg10 : memref<!tpu.dma_semaphore, #tpu.memory_space<semaphore_mem>>) src(%dma_wait3A_150 : memref<64x512xf32, #tpu.memory_space<hbm>>) dst(%arg4 : memref<64x512xf32, #tpu.memory_space<vmem>>)
    %mul3A_151 = arith.constant 16 : i32
    %mul3A_152 = arith.muli %arg0, %mul3A_151 : i32
    %add3A_153 = arith.addi %mul3A_152, %arg1 : i32
    %add3A_154 = arith.addf %scan3A_144#0, %scan3A_144#1 : vector<16xf32>
    %swap3A_155 = arith.constant 0 : index
    %swap3A_156 = tpu.vector_load %arg9[%swap3A_155] {strides = array<i32>} : memref<16xf32, #tpu.memory_space<vmem>>, vector<16xf32>,
    tpu.vector_store %arg9[%swap3A_155], %add3A_154 {strides = array<i32>} : memref<16xf32, #tpu.memory_space<vmem>>, vector<16xf32>,
    %mul3A_157 = arith.constant 16 : i32
    %mul3A_158 = arith.muli %add3A_153, %mul3A_157 : i32
    "tpu.region"() ({
      %run_scoped3A = tpu.sem_alloc : memref<!tpu.dma_semaphore, #tpu.memory_space<semaphore_mem>>
      %dma_start3A_159 = tpu.memref_slice %arg3[%mul3A_158] : memref<512xf32, #tpu.memory_space<hbm>> -> memref<16xf32, #tpu.memory_space<hbm>>
      %dma_start3A_160 = tpu.memref_slice %arg3[%mul3A_158] : memref<512xf32, #tpu.memory_space<hbm>> -> memref<16xf32, #tpu.memory_space<hbm>>
      tpu.enqueue_dma source(%arg9 : memref<16xf32, #tpu.memory_space<vmem>>) target(%dma_start3A_160 : memref<16xf32, #tpu.memory_space<hbm>>) target_semaphore(%run_scoped3A : memref<!tpu.dma_semaphore, #tpu.memory_space<semaphore_mem>>)
      %dma_wait3A_161 = tpu.memref_slice %arg3[%mul3A_158] : memref<512xf32, #tpu.memory_space<hbm>> -> memref<16xf32, #tpu.memory_space<hbm>>
      %dma_wait3A_162 = tpu.memref_slice %arg3[%mul3A_158] : memref<512xf32, #tpu.memory_space<hbm>> -> memref<16xf32, #tpu.memory_space<hbm>>
      tpu.wait_dma2 semaphore(%run_scoped3A : memref<!tpu.dma_semaphore, #tpu.memory_space<semaphore_mem>>) src(%arg9 : memref<16xf32, #tpu.memory_space<vmem>>) dst(%dma_wait3A_162 : memref<16xf32, #tpu.memory_space<hbm>>)
      tpu.yield
    }) : () -> ()
    return
  }
}

</mosaic_0001>

<sc_bundles>
// kernel: kernel.3.cloned.1.call-start
scs
__scs_entry_jumppad:
0x0: {  	(pc) =	sbr.rel $0x88, $3  }
0x1: {  	(tag) =	ssettag $0x0;
	lr =	simm.s32 $0x1  }
0x2: {  	[smem:$0x3FA0] =	sst lr;
	_ =	strace $0xD0000000  }
0x3: {  	_ = 	snop  }
0x4: {  	_ = 	snop  }
0x5: {  	_ = 	snop  }
0x6: {  	_ = 	snop  }
0x7: {  	_ = 	snop  }
__scs_overlays_trampoline_lowered:
0x8: {  	[smem:$0x3FAF] =	sst s0  }
0x9: {  	[smem:$0x3FB0] =	sst s1  }
0xa: {  	[smem:$0x3FB1] =	sst s2  }
0xb: {  	[smem:$0x3FB2] =	sst s3  }
0xc: {  	[smem:$0x3FB3] =	sst s4  }
0xd: {  	[smem:$0x3FB4] =	sst s5  }
0xe: {  	[smem:$0x3FB5] =	sst s6  }
0xf: {  	[smem:$0x3FB6] =	sst s7  }
0x10: {  	[smem:$0x3FB7] =	sst s8  }
0x11: {  	[smem:$0x3FB8] =	sst s9;
	s0 =	simm.s32 @!p0 $0x0  }
0x12: {  	s1 =	sld [smem:$0x3F9E];
	s0 =	simm.s32 @p0 $0x1  }
0x13: {  	[smem:$0x3FB9] =	sst s0;
	s0 =	simm.s32 @!p1 $0x0  }
0x14: {  	s2 =	sld [smem:$0x3F9D];
	s0 =	simm.s32 @p1 $0x1  }
0x15: {  	[smem:$0x3FBA] =	sst s0;
	s0 =	simm.s32 @!p2 $0x0  }
0x16: {  	s3 =	sld [smem:$0x3FDB];
	s0 =	simm.s32 @p2 $0x1  }
0x17: {  	s4 =	simm.s32 $0x1BF5;
	[smem:$0x3FBC] =	sst s0  }
0x18: {  	s0 =	sld [smem:$0x3F9F];
	_ =	swait.ge [sflag:s4], $0x0  }
0x19: {  	s7 =	sld [smem:$0x3FA0]  }
0x1a: {  	s8 =	sadd.s32 $0xFFFFE003, lr  }
0x1b: {  	s9 =	sadd.s32 $0xFFFFFEF7, lr;
	s5 =	simm.s32 $0xFFFFFFFF;
	p2 =	slt.u32 s8, $0xFFFFF086  }
0x1c: {  	p1 =	slt.u32 s9, $0xF7A;
	s5 =	simm.s32 @!p2 $0x0  }
0x1d: {  	s5 =	simm.s32 @p1 $0x1;
	p0 =	seq.s32 s7, s2  }
0x1e: {  	s7 =	smul.u32 @!p0 $0xF7A, s2;
	p2 =	seq.s32 @!p0 s5, $0x0  }
0x1f: {  	s9 =	smul.u32 $0xF7A, s1;
	s8 =	simm.s32 @!p0 $0x1BF5;
	p2 =	por !p2, p0  }
0x20: {  	[sflag:s8] =	ssyncset.s32 @!p0 $0xFFFFF086;
	s6 =	sadd.s32 @!p0 s3, s7;
	s7 =	simm.s32 @!p0 $0x108  }
0x21: {  	s3 =	sadd.s32 s3, s9;
	s6 =	sadd.s32 @!p0 $0x88, s6;
	s7 =	simm.s32 @p2 $0x1082  }
0x22: {  	[simem:s7], [sflag:s8] =	dma.local @!p0 [hbm:s6], $0xF7A  }
0x23: {  	s9 =	sor.u32 $0xD0000000, s2;
	s6 =	simm.s32 $0x108;
	_ =	swait.ge @!p0 [sflag:s8], $0x0  }
0x24: {  	s3 =	sadd.s32 $0x88, s3;
	s6 =	simm.s32 @!p1 $0x1082;
	[sflag:s4] =	ssyncset.s32 $0xFFFFF086  }
0x25: {  	[simem:s6], [sflag:s4] =	dma.local [hbm:s3], $0xF7A  }
0x26: {  	[smem:$0x3FA0] =	sst s1;
	(tag) =	ssettag s2;
	_ =	strace s9  }
0x27: {  	s1 =	sld [smem:$0x3FB0]  }
0x28: {  	s2 =	sld [smem:$0x3FB1]  }
0x29: {  	s4 =	sld [smem:$0x3FB3]  }
0x2a: {  	p0 =	seq.s32 s5, $0x0;
	s5 =	sld [smem:$0x3FB4]  }
0x2b: {  	s6 =	sld [smem:$0x3FB5]  }
0x2c: {  	s7 =	sld [smem:$0x3FB6]  }
0x2d: {  	s3 =	simm.s32 $0x108;
	s8 =	sld [smem:$0x3FB7]  }
0x2e: {  	s3 =	simm.s32 @!p0 $0x1082;
	s9 =	sld [smem:$0x3FB8]  }
0x2f: {  	lr =	sadd.s32 s0, s3;
	s0 =	sld [smem:$0x3FAF]  }
0x30: {  	s3 =	sld [smem:$0x3FB2]  }
0x31: {  	[smem:$0x3FBB] =	sst s10  }
0x32: {  	s10 =	sld [smem:$0x3FB9];
	_ =	sdelay $0x3  }
0x33: {  	p0 =	seq.s32 s10, $0x1;
	s10 =	sld [smem:$0x3FBB];
	_ =	sdelay $0x3  }
0x34: {  	[smem:$0x3FBB] =	sst s10  }
0x35: {  	s10 =	sld [smem:$0x3FBA];
	_ =	sdelay $0x3  }
0x36: {  	p1 =	seq.s32 s10, $0x1;
	s10 =	sld [smem:$0x3FBB];
	_ =	sdelay $0x3  }
0x37: {  	[smem:$0x3FBB] =	sst s10  }
0x38: {  	s10 =	sld [smem:$0x3FBC]  }
0x39: {  	_ = 	snop;
	(pc) =	sbr.ind lr, $3  }
0x3a: {  	_ = 	snop  }
0x3b: {  	_ = 	snop  }
0x3c: {  	p2 =	seq.s32 s10, $0x1;
	s10 =	sld [smem:$0x3FBB]  }
0x3d: {  	_ =	shalt  }
0x3e: {  	_ =	shalt  }
0x3f: {  	_ =	shalt  }
0x40: {  	_ =	shalt  }
0x41: {  	_ =	shalt  }
0x42: {  	_ =	shalt  }
0x43: {  	_ =	shalt  }
0x44: {  	_ =	shalt  }
0x45: {  	_ =	shalt  }
0x46: {  	_ =	shalt  }
0x47: {  	_ =	shalt  }
0x48: {  	_ =	shalt  }
0x49: {  	_ =	shalt  }
0x4a: {  	_ =	shalt  }
0x4b: {  	_ =	shalt  }
0x4c: {  	_ =	shalt  }
0x4d: {  	_ =	shalt  }
0x4e: {  	_ =	shalt  }
0x4f: {  	_ =	shalt  }
0x50: {  	_ =	shalt  }
0x51: {  	_ =	shalt  }
0x52: {  	_ =	shalt  }
0x53: {  	_ =	shalt  }
0x54: {  	_ =	shalt  }
0x55: {  	_ =	shalt  }
0x56: {  	_ =	shalt  }
0x57: {  	_ =	shalt  }
0x58: {  	_ =	shalt  }
0x59: {  	_ =	shalt  }
0x5a: {  	_ =	shalt  }
0x5b: {  	_ =	shalt  }
0x5c: {  	_ =	shalt  }
0x5d: {  	_ =	shalt  }
0x5e: {  	_ =	shalt  }
0x5f: {  	_ =	shalt  }
0x60: {  	_ =	shalt  }
0x61: {  	_ =	shalt  }
0x62: {  	_ =	shalt  }
0x63: {  	_ =	shalt  }
0x64: {  	_ =	shalt  }
0x65: {  	_ =	shalt  }
0x66: {  	_ =	shalt  }
0x67: {  	_ =	shalt  }
0x68: {  	_ =	shalt  }
0x69: {  	_ =	shalt  }
0x6a: {  	_ =	shalt  }
0x6b: {  	_ =	shalt  }
0x6c: {  	_ =	shalt  }
0x6d: {  	_ =	shalt  }
0x6e: {  	_ =	shalt  }
0x6f: {  	_ =	shalt  }
0x70: {  	_ =	shalt  }
0x71: {  	_ =	shalt  }
0x72: {  	_ =	shalt  }
0x73: {  	_ =	shalt  }
0x74: {  	_ =	shalt  }
0x75: {  	_ =	shalt  }
0x76: {  	_ =	shalt  }
0x77: {  	_ =	shalt  }
0x78: {  	_ =	shalt  }
0x79: {  	_ =	shalt  }
0x7a: {  	_ =	shalt  }
0x7b: {  	_ =	shalt  }
0x7c: {  	_ =	shalt  }
0x7d: {  	_ =	shalt  }
0x7e: {  	_ =	shalt  }
0x7f: {  	_ =	shalt  }
0x80: {  	_ =	shalt  }
0x81: {  	_ =	shalt  }
0x82: {  	_ =	shalt  }
0x83: {  	_ =	shalt  }
0x84: {  	_ =	shalt  }
0x85: {  	_ =	shalt  }
0x86: {  	_ =	shalt  }
0x87: {  	_ =	shalt  }
.Lfunc_end0:
.L_simem_size_0:
called_computation_lowered:
.L_overlay_start_0:
0x88: {  	s2 =	sld [smem:$0x3FD9]  }
0x89: {  	s3 =	sld [smem:$0x3FFE];
	_ =	sdelay $0x1  }
0x8a: {  	s1 =	srdreg.scid  }
0x8b: {  	s0 =	sand.u32 $0x1, s1  }
0x8c: {  	s17 =	sshll.u32 s0, $0xA;
	s2 =	sadd.s32 s3, s2  }
0x8d: {  	s2 =	sadd.s32 s2, s17  }
0x8e: {  	[smem:$0x3FC7] =	sst s2  }
0x8f: {  	_ = 	snop  }
0x90: {  	s2 =	sld [smem:$0x3FC9];
	(tm) =	ssettm $0x1  }
0x91: {  	s18 =	sld [smem:$0x3FFB];
	_ =	sdelay $0x3  }
0x92: {  	_ =	strace s18  }
0x93: {  	s3 =	sld [smem:$0x3FFC];
	_ =	sdelay $0x3  }
0x94: {  	_ =	strace s3  }
0x95: {  	s3 =	sld [smem:$0x3FFD];
	_ =	sdelay $0x3  }
0x96: {  	_ =	strace s3  }
0x97: {  	_ =	strace $0x8FFFFFFF  }
0x98: {  	s19 =	sld [smem:$0x3FDB];
	_ =	sdelay $0x1  }
0x99: {  	s4 =	simm.s32 $_scs_section_size  }
0x9a: {  	s5 =	simm.s32 $_size__tile_overlayer_lowered;
	s6 =	simm.s32 $_tile_overlayer_lowered  }
0x9b: {  	s22 =	simm.s32 $0x1BFF;
	s21 =	sshll.u32 s6, $0x1;
	s3 =	sadd.s32 s4, s19  }
0x9c: {  	s7 =	simm.s32 $0x0;
	s20 =	sshll.u32 s5, $0x1;
	s5 =	sadd.s32 s21, s3  }
0x9d: {  	[timem:s7], [sflag:s22] =	dma.local [hbm:s5], s20  }
0x9e: {  	_ =	swait.ge [sflag:s22], s20  }
0x9f: {  	s4 =	ssub.s32 $0x0, s20;
	[sflag:s22] =	ssyncset.done $0x0  }
0xa0: {  	[sflag:s22] =	ssyncadd.s32 s4;
	_ =	sdelay $0x1  }
0xa1: {  	s23 =	simm.s32 $0x1B8B  }
0xa2: {  	_ =	swait.ge [sflag:s23], $0x1  }
0xa3: {  	[sflag:s23] =	ssyncset.done $0x0  }
0xa4: {  	s25 =	simm.s32 $0x1B8E;
	s24 =	sld [smem:$0x3FFE];
	[sflag:s23] =	ssyncadd.s32 $0xFFFFFFFF  }
0xa5: {  	s26 =	simm.s32 $execute0_lowered;
	[smem:$0x3FD2] =	sst s25  }
0xa6: {  	s5 =	sshll.u32 s26, $0x1;
	_ =	strace $0x80000046;
	[dreg:$0x1] =	wrdreg $0xFFFFFFFF  }
0xa7: {  	s28 =	simm.s32 $_size_execute0_lowered;
	s3 =	sadd.s32 s3, s5;
	[dreg:$0x0] =	wrdreg $0x0  }
0xa8: {  	s5 =	sshll.u32 s28, $0x1;
	[dreg:$0x2] =	wrdreg s3  }
0xa9: {  	[dreg:$0x3] =	wrdreg s5  }
0xaa: {  	[dreg:$0x4] =	wrdreg $0xC0  }
0xab: {  	_ =	task [dreg:s7], $0x5FFFF  }
0xac: {  	[dreg:$0x1] =	wrdreg $0xFFFFFFFF  }
0xad: {  	[dreg:$0x0] =	wrdreg $0x60  }
0xae: {  	[dreg:$0x2] =	wrdreg s2  }
0xaf: {  	[dreg:$0x3] =	wrdreg s24  }
0xb0: {  	[dreg:$0x4] =	wrdreg $0x100800  }
0xb1: {  	[dreg:$0x5] =	wrdreg $0x100900  }
0xb2: {  	[dreg:$0x6] =	wrdreg $0x9  }
0xb3: {  	_ =	task.clear_ibuf [dreg:s7], $0x7FFFF;
	_ =	strace $0x90000046  }
0xb4: {  	s29 =	simm.s32 $0x9;
	_ =	strace $0x80000048  }
0xb5: {  	_ =	swait.ge [sflag:s29], $0x1  }
0xb6: {  	[sflag:s29] =	ssyncadd.s32 $0xFFFFFFFF  }
0xb7: {  	_ =	strace $0x90000048  }
0xb8: {  	_ =	sfence  }
0xb9: {  	s30 =	sld [smem:$0x0];
	_ =	sdelay $0x2  }
0xba: {  	s31 =	sshll.u32 s1, $0xD;
	s1 =	sshrl.u32 s1, $0x2  }
0xbb: {  	s3 =	sand.u32 $0x4000, s31;
	s1 =	sadd.s32 s1, s30  }
0xbc: {  	s0 =	sor.u32 s3, s0;
	s1 =	sshll.u32 s1, $0x11  }
0xbd: {  	s0 =	sor.u32 s1, s0  }
0xbe: {  	s0 =	sadd.s32 $0x8F2B, s0  }
0xbf: {  	[sflag:s0] =	ssyncadd.remote.s32 $0x1  }
0xc0: {  	_ =	sfence.sel $0xFFFF  }
0xc1: {  	[dreg:$0x0] =	wrdreg $0xFFFFFFFF;
	(pc) =	sbr.abs _section_cstart, $3  }
0xc2: {  	[dreg:$0x1] =	wrdreg $0xFFFFFFFF  }
0xc3: {  	_ =	task.clear_ibuf [dreg:s7], $0x2FFFF;
	_ =	strace $0x9FFFFFFF  }
0xc4: {  	(tm) =	ssettm $0x7FFFFFFF  }
0xc5: {  	_ =	shalt  }
tec
execute0_lowered:
.L_overlay_start_1:
0x0: {  	(tag) =	ssettag $0x1  }
0x1: {  	v0 =	vimm.s32 $0xEFCDAB89  }
0x2: {  	s0 =	rddreg [dreg:$0x0];
	v1 =	vimm.s32 $0x67452301;
	v2 =	vimm.s32 $0xDCFE98BA;
	v3 =	vimm.s32 $0x54761032  }
0x3: {  	s8 =	rddreg [dreg:$0x1];
	v4 =	vimm.s32 $0xBA98FEDC;
	v5 =	vimm.s32 $0x32107654;
	v6 =	vimm.s32 $0x43210FED  }
0x4: {  	s9 =	rddreg [dreg:$0x2];
	v7 =	vimm.s32 $0xCBA98765;
	v8 =	vimm.s32 $0xFEDCBA98;
	v9 =	vimm.s32 $0x76543210  }
0x5: {  	s10 =	rddreg [dreg:$0x3];
	v0 =	vunpack.c.l.s4.s8 v0;
	v1 =	vunpack.c.l.s4.s8 v1;
	v2 =	vunpack.c.l.s4.s8 v2  }
0x6: {  	s1 =	rddreg [dreg:$0x4];
	s2 =	simm.s32 $0x0;
	s4 =	srdreg.scid;
	v3 =	vunpack.c.l.s4.s8 v3;
	v4 =	vunpack.c.l.s4.s8 v4;
	v5 =	vunpack.c.l.s4.s8 v5  }
0x7: {  	s3 =	stileid.u32;
	s15 =	simm.s32 $0x2;
	s16 =	simm.s32 $0x10000;
	v6 =	vunpack.c.l.s4.s8 v6;
	v7 =	vunpack.c.l.s4.s8 v7;
	v8 =	vunpack.c.l.s4.s8 v8  }
0x8: {  	s17 =	simm.s32 $0x3;
	s18 =	simm.s32 $0x100A0;
	s19 =	simm.s32 $0x0;
	v9 =	vunpack.c.l.s4.s8 v9;
	v0 =	vunpack.c.0.s8.s32 v0;
	v1 =	vunpack.c.0.s8.s32 v1  }
0x9: {  	[smem:$0x7FF] =	sst s2;
	s11 =	sand.u32 $0x1, s4;
	s6 =	sshll.u32 s3, $0xE;
	v2 =	vunpack.c.0.s8.s32 v2;
	v3 =	vunpack.c.0.s8.s32 v3;
	v4 =	vunpack.c.0.s8.s32 v4  }
0xa: {  	s13 =	sshll.u32 s3, $0x7;
	s14 =	sshll.u32 s3, $0x1;
	s5 =	ssub.s32 $0x2, s11;
	v5 =	vunpack.c.0.s8.s32 v5;
	v6 =	vunpack.c.0.s8.s32 v6;
	v0 =	vcombine.low v1, v0  }
0xb: {  	s4 =	sshll.u32 s11, $0x12;
	_ =	strace $0x80000047;
	s11 =	sshll.u32 s11, $0x5;
	v7 =	vunpack.c.0.s8.s32 v7;
	v60 =	vunpack.c.0.s8.s32 v8;
	v59 =	vcombine.low v3, v2  }
0xc: {  	s7 =	sshrl.u32 s5, $0x1;
	s4 =	sor.u32 s6, s4;
	s6 =	sadd.s32 s13, s9;
	v3 =	vcombine.low v5, v4;
	v5 =	vunpack.c.0.s8.s32 v9;
	v0 =	vand.u32 $0xF, v0  }
0xd: {  	s12 =	ssub.s32 s5, s7;
	s7 =	sadd.s32 s13, s10;
	s13 =	sxor.u32 $0x80, s13;
	v4 =	vcombine.low v7, v6;
	v6 =	vand.u32 $0xF, v60;
	v61 =	vand.u32 $0xF, v59;
	[tilespmem:$0x1FFC0] =	vst v0  }
0xe: {  	s14 =	sadd.s32 s8, s14;
	s5 =	sadd.s32 s0, s4;
	s8 =	sadd.s32 s13, s9;
	v62 =	vand.u32 $0xF, v3;
	v63 =	vcombine.low v6, v5;
	[tilespmem:$0x1FFD0] =	vst v61  }
0xf: {  	s9 =	sadd.s32 s13, s10;
	s10 =	sadd.s32 s11, s14;
	s11 =	smax.u32 s12, $0x1;
	[tilespmem:$0x1FFE0] =	vst v62  }
0x10: {  	vm0 =	vmmov $0x1f;
	vm1 =	vmmov $0x7ff;
	s12 =	sadd.s32 $0x1000, s5;
	s13 =	simm.s32 $0x8000;
	s14 =	simm.s32 $0x1;
	v4 =	vand.u32 $0xF, v4;
	[tilespmem:$0x1FFF0] =	vst v63  }
.LBB2_1:
0x11: {  	v8 =	vimm.f32 $+Inf;
	v5 =	vimm.f32 $-Inf  }
0x12: {  	[tilespmem:s2], [sflag:$0x1] =	stream.linear.gather [hbm4b:s5+s2], $0x8000, $0x38;
	v7 =	vimm.f32 $-Inf;
	v23 =	vimm.f32 $-Inf;
	v9 =	vimm.f32 $-Inf;
	[tilespmem:$0x10120] =	vst v63  }
0x13: {  	p1 =	por $0x1, $0x1;
	v24 =	vimm.f32 $+Inf;
	v25 =	vimm.f32 $+Inf;
	v10 =	vimm.f32 $+Inf;
	s20 =	simm.s32 $0x0  }
.LBB2_2:
0x14: {  	s21 =	sadd.s32 s12, s20;
	s22 =	simm.s32 $0x0  }
0x15: {  	[tilespmem:s13], [sflag:$0x2] =	stream.linear.gather [hbm4b:s21+s22], $0x8000, $0x38;
	[tilespmem:$0x10120] =	vst v63  }
0x16: {  	_ =	swait.ge [sflag:s14], $0x8000  }
0x17: {  	s31 =	sand.u32 $0x7000, s22;
	s23 =	sand.u32 $0x380, s22;
	[sflag:s14] =	ssyncset.done $0x0  }
0x18: {  	s21 =	sor.u32 s23, s31;
	[sflag:s14] =	ssyncadd.s32 $0xFFFF8000  }
0x19: {  	v14 =	vld [tilespmem:s21+$0xC40]  }
0x1a: {  	v11 =	vld [tilespmem:s21+$0xC50]  }
0x1b: {  	v15 =	vld [tilespmem:s21+$0xC00]  }
0x1c: {  	v13 =	vld [tilespmem:s21+$0xC10]  }
0x1d: {  	v16 =	vld [tilespmem:s21+$0x840]  }
0x1e: {  	v12 =	vld [tilespmem:s21+$0x850]  }
0x1f: {  	v17 =	vld [tilespmem:s21+$0x800]  }
0x20: {  	v18 =	vld [tilespmem:s21+$0x810]  }
0x21: {  	v19 =	vld [tilespmem:s21+$0x0]  }
0x22: {  	v20 =	vld [tilespmem:s21+$0x40]  }
0x23: {  	v21 =	vld [tilespmem:s21+$0x400]  }
0x24: {  	v26 =	vld [tilespmem:s21+$0x440]  }
0x25: {  	v6 =	vld [tilespmem:s21+$0x450]  }
0x26: {  	v22 =	vld [tilespmem:s21+$0x410];
	v10 =	vmin.f32 v10, v19  }
0x27: {  	v27 =	vld [tilespmem:s21+$0x50];
	v9 =	vmax.f32 v9, v19;
	v10 =	vmin.f32 v10, v20  }
0x28: {  	v28 =	vld [tilespmem:s21+$0x10];
	v9 =	vmax.f32 v9, v20;
	v10 =	vmin.f32 v10, v21  }
0x29: {  	v9 =	vmax.f32 v9, v21;
	v21 =	vld [tilespmem:s21+$0x20];
	v10 =	vmin.f32 v10, v26  }
0x2a: {  	v20 =	vld [tilespmem:s21+$0x60];
	v9 =	vmax.f32 v9, v26;
	v10 =	vmin.f32 v10, v17  }
0x2b: {  	v19 =	vld [tilespmem:s21+$0x420];
	v9 =	vmax.f32 v9, v17;
	v10 =	vmin.f32 v10, v16  }
0x2c: {  	v17 =	vld [tilespmem:s21+$0x460];
	v9 =	vmax.f32 v9, v16;
	v10 =	vmin.f32 v10, v15  }
0x2d: {  	v23 =	vmax.f32 v23, v28;
	v16 =	vmax.f32 v9, v15;
	v15 =	vld [tilespmem:s21+$0x820];
	v9 =	vmin.f32 v10, v14  }
0x2e: {  	v10 =	vmax.f32 v16, v14;
	v14 =	vmin.f32 v25, v28;
	v26 =	vmin.f32 v24, v21;
	v16 =	vld [tilespmem:s21+$0x860]  }
0x2f: {  	p0 =	por p1, p1;
	s23 =	simm.s32 $0x200;
	v25 =	vmax.f32 v23, v27;
	v24 =	vmin.f32 v14, v27;
	v23 =	vmin.f32 v26, v20;
	v14 =	vld [tilespmem:s21+$0xC20]  }
.LBB2_3:
0x30: {  	p1 =	sne.s32 s23, $0x7E00;
	v24 =	vmin.f32 v24, v22;
	v22 =	vmax.f32 v25, v22;
	v23 =	vmin.f32 v23, v19;
	v25 =	vld [tilespmem:s21+$0xC60]  }
0x31: {  	v26 =	vld [tilespmem:s21+$0x30];
	v24 =	vmin.f32 v24, v6;
	v6 =	vmax.f32 v22, v6;
	v22 =	vmin.f32 v23, v17  }
0x32: {  	v23 =	vld [tilespmem:s21+$0x70];
	v24 =	vmin.f32 v24, v18;
	v6 =	vmax.f32 v6, v18;
	v18 =	vmin.f32 v22, v15  }
0x33: {  	v22 =	vld [tilespmem:s21+$0x430];
	v24 =	vmin.f32 v24, v12;
	v6 =	vmax.f32 v6, v12;
	v12 =	vmin.f32 v18, v16  }
0x34: {  	v18 =	vld [tilespmem:s21+$0x470];
	v24 =	vmin.f32 v24, v13;
	v6 =	vmax.f32 v6, v13;
	v12 =	vmin.f32 v12, v14  }
0x35: {  	v13 =	vld [tilespmem:s21+$0x830];
	v24 =	vmin.f32 v24, v11;
	v27 =	vmax.f32 v6, v11;
	v28 =	vmin.f32 v12, v25  }
0x36: {  	s22 =	sadd.s32 $0x80, s22;
	v6 =	vmax.f32 v7, v21;
	v7 =	vmin.f32 v8, v26;
	v5 =	vmax.f32 v5, v26;
	v8 =	vld [tilespmem:s21+$0x870]  }
0x37: {  	s24 =	sand.u32 $0x7000, s23;
	s25 =	sand.u32 $0x380, s22;
	v6 =	vmax.f32 v6, v20;
	v7 =	vmin.f32 v7, v23;
	v5 =	vmax.f32 v5, v23;
	v12 =	vld [tilespmem:s21+$0xC30]  }
0x38: {  	v6 =	vmax.f32 v6, v19;
	v7 =	vmin.f32 v7, v22;
	v5 =	vmax.f32 v5, v22;
	v19 =	vld [tilespmem:s21+$0xC70];
	s21 =	sor.u32 s25, s24  }
0x39: {  	v6 =	vmax.f32 v6, v17;
	v23 =	vld [tilespmem:s21+$0xC40];
	v7 =	vmin.f32 v7, v18;
	v5 =	vmax.f32 v5, v18  }
0x3a: {  	v6 =	vmax.f32 v6, v15;
	v11 =	vld [tilespmem:s21+$0xC50];
	v7 =	vmin.f32 v7, v13;
	v5 =	vmax.f32 v5, v13  }
0x3b: {  	v6 =	vmax.f32 v6, v16;
	v15 =	vld [tilespmem:s21+$0xC00];
	v7 =	vmin.f32 v7, v8;
	v5 =	vmax.f32 v5, v8  }
0x3c: {  	v6 =	vmax.f32 v6, v14;
	v13 =	vld [tilespmem:s21+$0xC10];
	v8 =	vmin.f32 v7, v12;
	v5 =	vmax.f32 v5, v12  }
0x3d: {  	v7 =	vmax.f32 v6, v25;
	v14 =	vld [tilespmem:s21+$0x840];
	v8 =	vmin.f32 v8, v19;
	v5 =	vmax.f32 v5, v19  }
0x3e: {  	v12 =	vld [tilespmem:s21+$0x850]  }
0x3f: {  	v16 =	vld [tilespmem:s21+$0x800]  }
0x40: {  	v18 =	vld [tilespmem:s21+$0x810]  }
0x41: {  	v17 =	vld [tilespmem:s21+$0x0]  }
0x42: {  	v19 =	vld [tilespmem:s21+$0x40]  }
0x43: {  	v20 =	vld [tilespmem:s21+$0x400]  }
0x44: {  	v25 =	vld [tilespmem:s21+$0x440]  }
0x45: {  	v6 =	vld [tilespmem:s21+$0x450]  }
0x46: {  	v9 =	vmin.f32 v9, v17;
	v10 =	vmax.f32 v10, v17;
	v22 =	vld [tilespmem:s21+$0x410]  }
0x47: {  	v9 =	vmin.f32 v9, v19;
	v10 =	vmax.f32 v10, v19;
	v26 =	vld [tilespmem:s21+$0x50]  }
0x48: {  	v29 =	vld [tilespmem:s21+$0x10];
	v9 =	vmin.f32 v9, v20;
	v10 =	vmax.f32 v10, v20  }
0x49: {  	v21 =	vld [tilespmem:s21+$0x20];
	v9 =	vmin.f32 v9, v25;
	v10 =	vmax.f32 v10, v25  }
0x4a: {  	v20 =	vld [tilespmem:s21+$0x60];
	v9 =	vmin.f32 v9, v16;
	v10 =	vmax.f32 v10, v16  }
.Ltmp0:
0x4b: {  	v19 =	vld [tilespmem:s21+$0x420];
	v9 =	vmin.f32 v9, v14;
	v10 =	vmax.f32 v10, v14;
	(pc) =	sbr.rel @p1 .LBB2_3-.Ltmp0, $4  }
0x4c: {  	v17 =	vld [tilespmem:s21+$0x460];
	v9 =	vmin.f32 v9, v15;
	v10 =	vmax.f32 v10, v15  }
0x4d: {  	v15 =	vld [tilespmem:s21+$0x820];
	v9 =	vmin.f32 v9, v23;
	v10 =	vmax.f32 v10, v23  }
0x4e: {  	v14 =	vmin.f32 v24, v29;
	v23 =	vmax.f32 v27, v29;
	v27 =	vmin.f32 v28, v21;
	v16 =	vld [tilespmem:s21+$0x860]  }
0x4f: {  	s23 =	sadd.s32 $0x200, s23;
	v24 =	vmin.f32 v14, v26;
	v25 =	vmax.f32 v23, v26;
	v23 =	vmin.f32 v27, v20;
	v14 =	vld [tilespmem:s21+$0xC20]  }
0x50: {  	v26 =	vld [tilespmem:s21+$0xC60]  }
0x51: {  	v27 =	vld [tilespmem:s21+$0x30]  }
0x52: {  	v28 =	vld [tilespmem:s21+$0x70]  }
0x53: {  	v29 =	vld [tilespmem:s21+$0x430]  }
0x54: {  	v30 =	vld [tilespmem:s21+$0x470]  }
0x55: {  	v31 =	vld [tilespmem:s21+$0x830]  }
0x56: {  	v32 =	vld [tilespmem:s21+$0x870];
	s20 =	sor.u32 s4, s20  }
0x57: {  	v33 =	vld [tilespmem:s21+$0xC30];
	s20 =	sxor.u32 $0x2000, s20  }
0x58: {  	v34 =	vld [tilespmem:s21+$0xC70];
	s21 =	simm.s32 $0x0;
	s20 =	sadd.s32 s0, s20  }
0x59: {  	[tilespmem:s21], [sflag:$0x1] =	stream.linear.gather [hbm4b:s20+s21], $0x8000, $0x38;
	[tilespmem:$0x10120] =	vst v63  }
0x5a: {  	_ =	swait.ge [sflag:s15], $0x8000  }
0x5b: {  	s31 =	sand.u32 $0x7000, s21;
	s22 =	sand.u32 $0x380, s21;
	[sflag:s15] =	ssyncset.done $0x0  }
0x5c: {  	s20 =	sor.u32 s22, s31;
	[sflag:s15] =	ssyncadd.s32 $0xFFFF8000  }
0x5d: {  	v24 =	vmin.f32 v24, v22;
	v22 =	vmax.f32 v25, v22;
	v25 =	vld [tilespmem:s20+$0x8C40]  }
0x5e: {  	v24 =	vmin.f32 v24, v6;
	v22 =	vmax.f32 v22, v6;
	v6 =	vld [tilespmem:s20+$0x8C50]  }
0x5f: {  	v24 =	vmin.f32 v24, v18;
	v18 =	vmax.f32 v22, v18;
	v35 =	vld [tilespmem:s20+$0x8C00]  }
0x60: {  	v22 =	vmin.f32 v24, v12;
	v18 =	vmax.f32 v18, v12;
	v12 =	vld [tilespmem:s20+$0x8C10]  }
0x61: {  	v22 =	vmin.f32 v22, v13;
	v13 =	vmax.f32 v18, v13;
	v18 =	vld [tilespmem:s20+$0x8840]  }
0x62: {  	v24 =	vmin.f32 v22, v11;
	v36 =	vmax.f32 v13, v11;
	v11 =	vmax.f32 v7, v21;
	v7 =	vld [tilespmem:s20+$0x8850]  }
0x63: {  	v8 =	vmin.f32 v8, v27;
	v5 =	vmax.f32 v5, v27;
	v11 =	vmax.f32 v11, v20;
	v13 =	vld [tilespmem:s20+$0x8800]  }
0x64: {  	v20 =	vmin.f32 v23, v19;
	v8 =	vmin.f32 v8, v28;
	v21 =	vmax.f32 v5, v28;
	v5 =	vld [tilespmem:s20+$0x8810]  }
0x65: {  	v11 =	vmax.f32 v11, v19;
	v8 =	vmin.f32 v8, v29;
	v19 =	vmax.f32 v21, v29;
	v22 =	vld [tilespmem:s20+$0x8000]  }
0x66: {  	v20 =	vmin.f32 v20, v17;
	v11 =	vmax.f32 v11, v17;
	v8 =	vmin.f32 v8, v30;
	v17 =	vld [tilespmem:s20+$0x8040]  }
0x67: {  	v19 =	vmax.f32 v19, v30;
	v20 =	vmin.f32 v20, v15;
	v11 =	vmax.f32 v11, v15;
	v15 =	vld [tilespmem:s20+$0x8400]  }
0x68: {  	v23 =	vld [tilespmem:s20+$0x8440];
	v20 =	vmin.f32 v20, v16;
	v8 =	vmin.f32 v8, v31;
	v19 =	vmax.f32 v19, v31  }
0x69: {  	v21 =	vld [tilespmem:s20+$0x8450];
	v11 =	vmax.f32 v11, v16;
	v8 =	vmin.f32 v8, v32;
	v16 =	vmax.f32 v19, v32  }
0x6a: {  	v27 =	vld [tilespmem:s20+$0x8050];
	v19 =	vmin.f32 v20, v14;
	v9 =	vmin.f32 v9, v22;
	v10 =	vmax.f32 v10, v22  }
0x6b: {  	v20 =	vld [tilespmem:s20+$0x8020];
	v11 =	vmax.f32 v11, v14;
	v9 =	vmin.f32 v9, v17;
	v10 =	vmax.f32 v10, v17  }
0x6c: {  	v14 =	vmin.f32 v8, v33;
	v22 =	vld [tilespmem:s20+$0x8410];
	v8 =	vmin.f32 v9, v15;
	v9 =	vmax.f32 v10, v15  }
0x6d: {  	v17 =	vld [tilespmem:s20+$0x8010];
	v10 =	vmax.f32 v16, v33;
	v8 =	vmin.f32 v8, v23;
	v9 =	vmax.f32 v9, v23  }
0x6e: {  	v23 =	vmin.f32 v19, v26;
	v19 =	vld [tilespmem:s20+$0x8060];
	v15 =	vmin.f32 v8, v13;
	v9 =	vmax.f32 v9, v13  }
0x6f: {  	v16 =	vld [tilespmem:s20+$0x8420];
	v8 =	vmax.f32 v11, v26;
	v13 =	vmin.f32 v15, v18;
	v9 =	vmax.f32 v9, v18  }
0x70: {  	v11 =	vmin.f32 v14, v34;
	v15 =	vld [tilespmem:s20+$0x8460];
	v18 =	vmin.f32 v13, v35;
	v9 =	vmax.f32 v9, v35  }
0x71: {  	v14 =	vld [tilespmem:s20+$0x8820];
	v13 =	vmax.f32 v10, v34;
	v10 =	vmin.f32 v18, v25;
	v9 =	vmax.f32 v9, v25  }
0x72: {  	v18 =	vmin.f32 v24, v17;
	v24 =	vmax.f32 v36, v17;
	v25 =	vmin.f32 v23, v20;
	v17 =	vld [tilespmem:s20+$0x8860]  }
0x73: {  	s22 =	simm.s32 $0x200;
	v23 =	vmin.f32 v18, v27;
	v24 =	vmax.f32 v24, v27;
	v25 =	vmin.f32 v25, v19;
	v18 =	vld [tilespmem:s20+$0x8C20]  }
.LBB2_5:
0x74: {  	p1 =	sne.s32 s22, $0x7E00;
	v23 =	vmin.f32 v23, v22;
	v22 =	vmax.f32 v24, v22;
	v24 =	vmin.f32 v25, v16;
	v25 =	vld [tilespmem:s20+$0x8C60]  }
0x75: {  	v26 =	vld [tilespmem:s20+$0x8030];
	v23 =	vmin.f32 v23, v21;
	v21 =	vmax.f32 v22, v21;
	v22 =	vmin.f32 v24, v15  }
0x76: {  	v24 =	vld [tilespmem:s20+$0x8070];
	v23 =	vmin.f32 v23, v5;
	v5 =	vmax.f32 v21, v5;
	v21 =	vmin.f32 v22, v14  }
0x77: {  	v22 =	vld [tilespmem:s20+$0x8430];
	v23 =	vmin.f32 v23, v7;
	v5 =	vmax.f32 v5, v7;
	v7 =	vmin.f32 v21, v17  }
0x78: {  	v21 =	vld [tilespmem:s20+$0x8470];
	v23 =	vmin.f32 v23, v12;
	v5 =	vmax.f32 v5, v12;
	v7 =	vmin.f32 v7, v18  }
0x79: {  	v12 =	vld [tilespmem:s20+$0x8830];
	v23 =	vmin.f32 v23, v6;
	v27 =	vmax.f32 v5, v6;
	v28 =	vmin.f32 v7, v25  }
0x7a: {  	s21 =	sadd.s32 $0x80, s21;
	v5 =	vmax.f32 v8, v20;
	v6 =	vmin.f32 v11, v26;
	v7 =	vmax.f32 v13, v26;
	v8 =	vld [tilespmem:s20+$0x8870]  }
0x7b: {  	s23 =	sand.u32 $0x7000, s22;
	s24 =	sand.u32 $0x380, s21;
	v5 =	vmax.f32 v5, v19;
	v6 =	vmin.f32 v6, v24;
	v7 =	vmax.f32 v7, v24;
	v11 =	vld [tilespmem:s20+$0x8C30]  }
0x7c: {  	v5 =	vmax.f32 v5, v16;
	v6 =	vmin.f32 v6, v22;
	v7 =	vmax.f32 v7, v22;
	v13 =	vld [tilespmem:s20+$0x8C70];
	s20 =	sor.u32 s24, s23  }
0x7d: {  	v5 =	vmax.f32 v5, v15;
	v24 =	vld [tilespmem:s20+$0x8C40];
	v15 =	vmin.f32 v6, v21;
	v7 =	vmax.f32 v7, v21  }
0x7e: {  	v5 =	vmax.f32 v5, v14;
	v6 =	vld [tilespmem:s20+$0x8C50];
	v14 =	vmin.f32 v15, v12;
	v7 =	vmax.f32 v7, v12  }
0x7f: {  	v5 =	vmax.f32 v5, v17;
	v26 =	vld [tilespmem:s20+$0x8C00];
	v14 =	vmin.f32 v14, v8;
	v7 =	vmax.f32 v7, v8  }
0x80: {  	v5 =	vmax.f32 v5, v18;
	v12 =	vld [tilespmem:s20+$0x8C10];
	v14 =	vmin.f32 v14, v11;
	v7 =	vmax.f32 v7, v11  }
0x81: {  	v8 =	vmax.f32 v5, v25;
	v15 =	vld [tilespmem:s20+$0x8840];
	v11 =	vmin.f32 v14, v13;
	v13 =	vmax.f32 v7, v13  }
0x82: {  	v7 =	vld [tilespmem:s20+$0x8850]  }
0x83: {  	v14 =	vld [tilespmem:s20+$0x8800]  }
0x84: {  	v5 =	vld [tilespmem:s20+$0x8810]  }
0x85: {  	v16 =	vld [tilespmem:s20+$0x8000]  }
0x86: {  	v17 =	vld [tilespmem:s20+$0x8040]  }
0x87: {  	v18 =	vld [tilespmem:s20+$0x8400]  }
0x88: {  	v19 =	vld [tilespmem:s20+$0x8440]  }
0x89: {  	v21 =	vld [tilespmem:s20+$0x8450]  }
0x8a: {  	v10 =	vmin.f32 v10, v16;
	v9 =	vmax.f32 v9, v16;
	v22 =	vld [tilespmem:s20+$0x8410]  }
0x8b: {  	v10 =	vmin.f32 v10, v17;
	v9 =	vmax.f32 v9, v17;
	v25 =	vld [tilespmem:s20+$0x8050]  }
0x8c: {  	v17 =	vld [tilespmem:s20+$0x8010];
	v10 =	vmin.f32 v10, v18;
	v9 =	vmax.f32 v9, v18  }
0x8d: {  	v20 =	vld [tilespmem:s20+$0x8020];
	v10 =	vmin.f32 v10, v19;
	v9 =	vmax.f32 v9, v19  }
0x8e: {  	v19 =	vld [tilespmem:s20+$0x8060];
	v10 =	vmin.f32 v10, v14;
	v9 =	vmax.f32 v9, v14  }
.Ltmp1:
0x8f: {  	v16 =	vld [tilespmem:s20+$0x8420];
	v10 =	vmin.f32 v10, v15;
	v9 =	vmax.f32 v9, v15;
	(pc) =	sbr.rel @p1 .LBB2_5-.Ltmp1, $4  }
0x90: {  	v15 =	vld [tilespmem:s20+$0x8460];
	v10 =	vmin.f32 v10, v26;
	v9 =	vmax.f32 v9, v26  }
0x91: {  	v14 =	vld [tilespmem:s20+$0x8820];
	v10 =	vmin.f32 v10, v24;
	v9 =	vmax.f32 v9, v24  }
0x92: {  	v18 =	vmin.f32 v23, v17;
	v24 =	vmax.f32 v27, v17;
	v26 =	vmin.f32 v28, v20;
	v17 =	vld [tilespmem:s20+$0x8860]  }
0x93: {  	s22 =	sadd.s32 $0x200, s22;
	v23 =	vmin.f32 v18, v25;
	v24 =	vmax.f32 v24, v25;
	v25 =	vmin.f32 v26, v19;
	v18 =	vld [tilespmem:s20+$0x8C20]  }
0x94: {  	v23 =	vmin.f32 v23, v22;
	v22 =	vmax.f32 v24, v22;
	v24 =	vmin.f32 v25, v16;
	v26 =	vld [tilespmem:s20+$0x8C60]  }
0x95: {  	v27 =	vld [tilespmem:s20+$0x8030];
	v23 =	vmin.f32 v23, v21;
	v21 =	vmax.f32 v22, v21;
	v22 =	vmin.f32 v24, v15  }
0x96: {  	v28 =	vld [tilespmem:s20+$0x8070];
	v23 =	vmin.f32 v23, v5;
	v5 =	vmax.f32 v21, v5;
	v21 =	vmin.f32 v22, v14  }
0x97: {  	v22 =	vld [tilespmem:s20+$0x8430];
	v23 =	vmin.f32 v23, v7;
	v5 =	vmax.f32 v5, v7;
	v7 =	vmin.f32 v21, v17  }
0x98: {  	v21 =	vld [tilespmem:s20+$0x8470];
	v23 =	vmin.f32 v23, v12;
	v5 =	vmax.f32 v5, v12;
	v7 =	vmin.f32 v7, v18  }
0x99: {  	v62 =	vld [tilespmem:s20+$0x8830];
	v25 =	vmin.f32 v23, v6;
	v23 =	vmax.f32 v5, v6;
	v24 =	vmin.f32 v7, v26  }
0x9a: {  	v5 =	vmax.f32 v8, v20;
	v6 =	vmin.f32 v11, v27;
	v7 =	vmax.f32 v13, v27;
	v8 =	vld [tilespmem:s20+$0x8870]  }
0x9b: {  	v11 =	vld [tilespmem:s20+$0x8C30];
	v5 =	vmax.f32 v5, v19;
	v6 =	vmin.f32 v6, v28;
	v7 =	vmax.f32 v7, v28  }
0x9c: {  	v63 =	vld [tilespmem:s20+$0x8C70];
	v5 =	vmax.f32 v5, v16;
	v6 =	vmin.f32 v6, v22;
	v7 =	vmax.f32 v7, v22  }
.Ltmp2:
0x9d: {  	v5 =	vmax.f32 v5, v15;
	v6 =	vmin.f32 v6, v21;
	v7 =	vmax.f32 v7, v21;
	(pc) =	sbr.rel @p0 .LBB2_2-.Ltmp2, $4  }
0x9e: {  	v5 =	vmax.f32 v5, v14;
	v6 =	vmin.f32 v6, v62;
	v7 =	vmax.f32 v7, v62  }
0x9f: {  	v5 =	vmax.f32 v5, v17;
	v6 =	vmin.f32 v6, v8;
	v7 =	vmax.f32 v7, v8  }
0xa0: {  	v5 =	vmax.f32 v5, v18;
	v6 =	vmin.f32 v6, v11;
	v11 =	vmax.f32 v7, v11  }
0xa1: {  	p1 =	por $0x0, $0x0;
	s20 =	simm.s32 $0x2000;
	v7 =	vmax.f32 v5, v26;
	v8 =	vmin.f32 v6, v63;
	v5 =	vmax.f32 v11, v63  }
0xa2: {  	v6 =	vmin.f32 v10, v25;
	v8 =	vmin.f32 v24, v8  }
0xa3: {  	v6 =	vmin.f32 v6, v8  }
0xa4: {  	[tilespmem:$0x10000] =	vst v6  }
0xa5: {  	[spmem:s6] =	stream.linear.scatter [tilespmem:s16], [sflag:$0x3], $0x80, $0x38;
	[tilespmem:$0x10120] =	vst v63  }
0xa6: {  	_ =	swait.ge [sflag:s17], $0x80  }
0xa7: {  	v5 =	vmax.f32 v7, v5;
	v8 =	vmax.f32 v9, v23;
	[sflag:s17] =	ssyncset.done $0x0  }
0xa8: {  	v5 =	vmax.f32 v8, v5;
	[sflag:s17] =	ssyncadd.s32 $0xFFFFFF80  }
0xa9: {  	[tilespmem:$0x10000] =	vst v5  }
0xaa: {  	[spmem:s7] =	stream.linear.scatter [tilespmem:s16], [sflag:$0x3], $0x80, $0x38;
	[tilespmem:$0x10120] =	vst v63  }
0xab: {  	_ =	swait.ge [sflag:s17], $0x80  }
0xac: {  	[sflag:s17] =	ssyncset.done $0x0  }
0xad: {  	[sflag:s17] =	ssyncadd.s32 $0xFFFFFF80  }
0xae: {  	[bflag:$0x0] =	sbarrier.arrive $0xFFFF  }
0xaf: {  	[tilespmem:s16], [sflag:$0x3] =	stream.linear.gather [spmem:s8], $0x80, $0x38;
	[tilespmem:$0x10120] =	vst v63  }
0xb0: {  	_ =	swait.ge [sflag:s17], $0x80  }
0xb1: {  	[sflag:s17] =	ssyncset.done $0x0  }
0xb2: {  	[sflag:s17] =	ssyncadd.s32 $0xFFFFFF80  }
0xb3: {  	v7 =	vld [tilespmem:$0x10000];
	[tilespmem:s16], [sflag:$0x3] =	stream.linear.gather [spmem:s9], $0x80, $0x38  }
0xb4: {  	_ =	swait.ge [sflag:s17], $0x80  }
0xb5: {  	[sflag:s17] =	ssyncset.done $0x0  }
0xb6: {  	[sflag:s17] =	ssyncadd.s32 $0xFFFFFF80  }
0xb7: {  	v8 =	vld [tilespmem:$0x10000]  }
0xb8: {  	v0 =	vld [tilespmem:$0x1FFC0];
	_ =	sdelay $0x2  }
0xb9: {  	v61 =	vld [tilespmem:$0x1FFD0]  }
0xba: {  	v6 =	vmin.f32 v6, v7;
	v5 =	vmax.f32 v5, v8  }
0xbb: {  	v7 =	vperm.xlane v6, v0;
	v8 =	vperm.xlane v5, v0  }
0xbc: {  	v62 =	vld [tilespmem:$0x1FFE0]  }
0xbd: {  	v6 =	vmin.f32 v6, v7;
	v5 =	vmax.f32 v5, v8  }
0xbe: {  	v7 =	vperm.xlane v6, v61;
	v8 =	vperm.xlane v5, v61  }
0xbf: {  	v63 =	vld [tilespmem:$0x1FFF0]  }
0xc0: {  	v6 =	vmin.f32 v6, v7;
	v5 =	vmax.f32 v5, v8  }
0xc1: {  	v7 =	vperm.xlane v6, v62;
	v8 =	vperm.xlane v5, v62;
	_ =	sdelay $0x1  }
0xc2: {  	v6 =	vmin.f32 v6, v7;
	v5 =	vmax.f32 v5, v8  }
0xc3: {  	v7 =	vperm.xlane v6, v63;
	v8 =	vperm.xlane v5, v63;
	_ =	sdelay $0x1  }
0xc4: {  	v6 =	vmin.f32 v6, v7;
	v5 =	vmax.f32 v5, v8  }
0xc5: {  	v5 =	vsub.f32 v5, v6;
	_ =	sdelay $0x1  }
0xc6: {  	(erf) = vrcp.f32 v5;
	_ =	sdelay $0x8  }
0xc7: {  	v5 =	vpop (erf)  }
0xc8: {  	v5 =	vmul.f32 $2.550000000e+02, v5;
	_ =	sdelay $0x1  }
0xc9: {  	v6 =	vmul.f32 v5, v6;
	_ =	sdelay $0x1  }
0xca: {  	s20 =	simm.s32 $0x0;
	p1 =	por $0x1, $0x1;
	s21 =	simm.s32 $0x0;
	v62 =	vimm.f32 $0.0e+00;
	v63 =	vimm.f32 $0.0e+00;
	v6 =	vsub.f32 $1.258291200e+07, v6  }
.LBB2_8:
0xcb: {  	s22 =	sadd.s32 s12, s21  }
0xcc: {  	[tilespmem:s13], [sflag:$0x2] =	stream.linear.gather [hbm4b:s22+s20], $0x8000, $0x38;
	[tilespmem:$0x10120] =	vst v63  }
0xcd: {  	_ =	swait.ge [sflag:s14], $0x8000  }
0xce: {  	s31 =	sand.u32 $0x7000, s20;
	s23 =	sand.u32 $0x380, s20;
	[sflag:s14] =	ssyncset.done $0x0  }
0xcf: {  	s22 =	sor.u32 s23, s31;
	[sflag:s14] =	ssyncadd.s32 $0xFFFF8000  }
0xd0: {  	v7 =	vld [tilespmem:s22+$0xC70]  }
0xd1: {  	v8 =	vld [tilespmem:s22+$0xC50]  }
0xd2: {  	v9 =	vld [tilespmem:s22+$0xC60]  }
0xd3: {  	v10 =	vld [tilespmem:s22+$0xC30]  }
0xd4: {  	v11 =	vld [tilespmem:s22+$0xC40]  }
0xd5: {  	v12 =	vld [tilespmem:s22+$0xC10]  }
0xd6: {  	v13 =	vld [tilespmem:s22+$0xC20]  }
0xd7: {  	v14 =	vld [tilespmem:s22+$0x870]  }
0xd8: {  	v15 =	vld [tilespmem:s22+$0xC00]  }
0xd9: {  	v16 =	vld [tilespmem:s22+$0x850]  }
0xda: {  	v17 =	vld [tilespmem:s22+$0x860]  }
0xdb: {  	v18 =	vld [tilespmem:s22+$0x830]  }
0xdc: {  	v21 =	vld [tilespmem:s22+$0x840]  }
0xdd: {  	v22 =	vld [tilespmem:s22+$0x810];
	v7 =	vmul.f32 v7, v5  }
0xde: {  	v23 =	vld [tilespmem:s22+$0x820];
	v8 =	vmul.f32 v8, v5;
	v24 =	vmul.f32 v9, v5  }
0xdf: {  	v25 =	vld [tilespmem:s22+$0x800];
	v10 =	vmul.f32 v10, v5;
	v12 =	vmul.f32 v12, v5  }
0xe0: {  	v40 =	vld [tilespmem:s22+$0x30];
	v26 =	vmul.f32 v11, v5;
	v14 =	vmul.f32 v14, v5  }
0xe1: {  	v45 =	vld [tilespmem:s22+$0x10];
	v27 =	vmul.f32 v13, v5;
	v16 =	vmul.f32 v16, v5  }
0xe2: {  	v42 =	vld [tilespmem:s22+$0x40];
	v28 =	vmul.f32 v15, v5;
	v18 =	vmul.f32 v18, v5  }
0xe3: {  	v9 =	vld [tilespmem:s22+$0x470];
	v29 =	vmul.f32 v17, v5;
	v30 =	vmul.f32 v22, v5  }
0xe4: {  	v11 =	vld [tilespmem:s22+$0x450];
	v21 =	vmul.f32 v21, v5;
	v23 =	vmul.f32 v23, v5  }
0xe5: {  	v13 =	vld [tilespmem:s22+$0x460];
	v34 =	vmul.f32 v25, v5;
	v40 =	vmul.f32 v40, v5  }
0xe6: {  	v15 =	vld [tilespmem:s22+$0x430];
	v61 =	vmul.f32 v45, v5;
	v7 =	vadd.f32 v7, v6;
	v21 =	vadd.f32 v21, v6  }
0xe7: {  	v17 =	vld [tilespmem:s22+$0x440];
	v47 =	vmul.f32 v42, v5;
	v23 =	vadd.f32 v23, v6;
	v42 =	vadd.f32 v40, v6  }
0xe8: {  	v22 =	vld [tilespmem:s22+$0x410];
	v50 =	vadd.f32 v61, v6;
	v31 =	vmul.f32 v9, v5;
	v9 =	vadd.f32 v8, v6  }
0xe9: {  	v25 =	vld [tilespmem:s22+$0x70];
	v33 =	vmul.f32 v11, v5;
	v11 =	vadd.f32 v10, v6;
	v8 =	vadd.f32 v24, v6  }
0xea: {  	v35 =	vmul.f32 v13, v5;
	v13 =	vadd.f32 v12, v6;
	v10 =	vadd.f32 v26, v6  }
0xeb: {  	v32 =	vld [tilespmem:s22+$0x420];
	v37 =	vmul.f32 v15, v5;
	v15 =	vadd.f32 v14, v6;
	v12 =	vadd.f32 v27, v6  }
0xec: {  	v36 =	vld [tilespmem:s22+$0x400];
	v38 =	vmul.f32 v17, v5;
	v17 =	vadd.f32 v16, v6;
	v14 =	vadd.f32 v28, v6  }
0xed: {  	v39 =	vmul.f32 v22, v5;
	v22 =	vadd.f32 v18, v6;
	v16 =	vadd.f32 v29, v6  }
0xee: {  	v43 =	vmul.f32 v25, v5;
	v25 =	vadd.f32 v30, v6;
	v27 =	vadd.f32 v34, v6  }
0xef: {  	v28 =	vadd.f32 v31, v6;
	v30 =	vadd.f32 v33, v6  }
0xf0: {  	v41 =	vmul.f32 v32, v5;
	v24 =	vld [tilespmem:s22+$0x50];
	v32 =	vadd.f32 v37, v6;
	v29 =	vadd.f32 v35, v6  }
0xf1: {  	v44 =	vmul.f32 v36, v5;
	v34 =	vadd.f32 v39, v6;
	v31 =	vadd.f32 v38, v6  }
0xf2: {  	v46 =	vld [tilespmem:s22+$0x20];
	v61 =	vperm.xlane v7, v4;
	v36 =	vadd.f32 v43, v6;
	v33 =	vadd.f32 v41, v6  }
0xf3: {  	v35 =	vadd.f32 v44, v6;
	v43 =	vadd.f32 v47, v6;
	v40 =	vsel vm0, v7, v8  }
0xf4: {  	v26 =	vld [tilespmem:s22+$0x60];
	v38 =	vsel vm0, v11, v12;
	v41 =	vsel vm0, v10, v11;
	v45 =	vsel vm0, v15, v16  }
0xf5: {  	v18 =	vld [tilespmem:s22+$0x0];
	v44 =	vsel vm0, v13, v14;
	v60 =	vsel vm0, v12, v13;
	v24 =	vmul.f32 v24, v5  }
0xf6: {  	v47 =	vsel vm0, v17, v21;
	v53 =	vsel vm0, v16, v17;
	v59 =	vsel vm0, v14, v15  }
0xf7: {  	v54 =	vsel vm0, v25, v27;
	v39 =	vadd.f32 v24, v6;
	v24 =	vmul.f32 v46, v5  }
0xf8: {  	v58 =	vsel vm0, v22, v23;
	v57 =	vsel vm0, v21, v22;
	v55 =	vsel vm0, v23, v25  }
0xf9: {  	v26 =	vmul.f32 v26, v5;
	v48 =	vadd.f32 v24, v6;
	v24 =	vsel vm0, v9, v10  }
0xfa: {  	v52 =	vsel vm0, v28, v29;
	v18 =	vmul.f32 v18, v5;
	v0 =	vperm.xlane v24, v4  }
0xfb: {  	v51 =	vsel vm0, v27, v28;
	v56 =	vsel vm0, v30, v31;
	v37 =	vadd.f32 v26, v6  }
0xfc: {  	p0 =	por p1, p1;
	s23 =	simm.s32 $0x0;
	s22 =	simm.s32 $0x200;
	v49 =	vadd.f32 v18, v6;
	v46 =	vsel vm0, v8, v9;
	v26 =	vperm.xlane v40, v4;
	[tilespmem:$0x1FFB0] =	vst v0  }
.LBB2_9:
0xfd: {  	v38 =	vperm.xlane v38, v4;
	v0 =	vperm.xlane v46, v4  }
0xfe: {  	v44 =	vperm.xlane v44, v4;
	v41 =	vperm.xlane v41, v4  }
0xff: {  	v46 =	vperm.xlane v45, v4;
	v45 =	vperm.xlane v60, v4  }
0x100: {  	v58 =	vperm.xlane v58, v4;
	v53 =	vperm.xlane v53, v4  }
0x101: {  	[tilespmem:$0x1FFA0] =	vst v7;
	v54 =	vperm.xlane v54, v4;
	v57 =	vperm.xlane v57, v4  }
0x102: {  	v7 =	vmov v62;
	v52 =	vperm.xlane v52, v4;
	v55 =	vperm.xlane v55, v4;
	[tilespmem:$0x1FF80] =	vst v26  }
0x103: {  	v56 =	vperm.xlane v56, v4;
	v51 =	vperm.xlane v51, v4;
	v18 =	vsel vm0, v37, v39;
	[tilespmem:$0x1FF90] =	vst v61  }
0x104: {  	v61 =	vsel vm0, v29, v30;
	v62 =	vsel vm0, v32, v33;
	v26 =	vmovc v63;
	v63 =	vsel vm0, v31, v32  }
0x105: {  	v60 =	vsel vm0, v34, v35;
	v40 =	vsel vm0, v33, v34;
	v1 =	vsel vm0, v36, v37  }
0x106: {  	v2 =	vsel vm0, v35, v36;
	v3 =	vsel vm0, v39, v43;
	v18 =	vperm.xlane v18, v4  }
0x107: {  	v19 =	vsel vm0, v50, v49;
	[tilespmem:$0x1FF70] =	vst v0;
	v0 =	vperm.xlane v47, v4;
	v47 =	vperm.xlane v59, v4  }
0x108: {  	v20 =	vsel vm0, v48, v50;
	v62 =	vperm.xlane v62, v4;
	v61 =	vperm.xlane v61, v4  }
0x109: {  	v24 =	vsel vm0, v42, v48;
	v60 =	vperm.xlane v60, v4;
	v63 =	vperm.xlane v63, v4  }
0x10a: {  	v1 =	vperm.xlane v1, v4;
	v59 =	vperm.xlane v40, v4;
	v25 =	vsub.f32 v25, v55  }
0x10b: {  	v19 =	vperm.xlane v19, v4;
	v22 =	vsub.f32 v22, v57;
	v17 =	vsub.f32 v17, v53  }
0x10c: {  	v20 =	vperm.xlane v20, v4;
	v16 =	vsub.f32 v16, v46;
	v14 =	vsub.f32 v14, v44  }
0x10d: {  	v24 =	vperm.xlane v24, v4;
	v13 =	vsub.f32 v13, v45;
	v11 =	vsub.f32 v11, v41  }
0x10e: {  	v3 =	vperm.xlane v3, v4;
	v18 =	vsub.f32 v39, v18;
	v19 =	vsub.f32 v49, v19  }
0x10f: {  	v2 =	vperm.xlane v2, v4;
	v20 =	vsub.f32 v50, v20;
	v24 =	vsub.f32 v48, v24  }
0x110: {  	v40 =	vsel vm0, v43, v42;
	v3 =	vsub.f32 v43, v3;
	v1 =	vsub.f32 v37, v1  }
0x111: {  	v40 =	vperm.xlane v40, v4;
	v2 =	vsub.f32 v36, v2;
	v30 =	vsub.f32 v30, v61  }
0x112: {  	v0 =	vsub.f32 v21, v0;
	v15 =	vsub.f32 v15, v47;
	v19 =	vmul.f32 v19, v19  }
0x113: {  	v16 =	vmul.f32 v16, v16;
	v40 =	vsub.f32 v42, v40;
	v20 =	vmul.f32 v20, v20  }
0x114: {  	v14 =	vmul.f32 v14, v14;
	v24 =	vmul.f32 v24, v24;
	v19 =	vadd.f32 v19, v26  }
0x115: {  	v45 =	vmul.f32 v13, v13;
	v50 =	vmul.f32 v40, v40;
	v20 =	vadd.f32 v20, v7;
	v7 =	vld [tilespmem:$0x1FFB0]  }
0x116: {  	v46 =	vmul.f32 v11, v11;
	v3 =	vmul.f32 v3, v3;
	v19 =	vadd.f32 v24, v19  }
0x117: {  	s23 =	sadd.s32 $0x80, s23;
	v18 =	vmul.f32 v18, v18;
	v42 =	vsub.f32 v34, v59;
	v20 =	vadd.f32 v50, v20  }
0x118: {  	s24 =	sand.u32 $0x7000, s22;
	s25 =	sand.u32 $0x380, s23;
	v1 =	vmul.f32 v1, v1;
	v24 =	vsub.f32 v35, v60;
	v3 =	vadd.f32 v3, v19  }
0x119: {  	s24 =	sor.u32 s25, s24;
	v2 =	vmul.f32 v2, v2;
	v18 =	vadd.f32 v18, v20;
	v20 =	vsub.f32 v33, v62  }
0x11a: {  	v21 =	vld [tilespmem:s24+$0xC50];
	v19 =	vmul.f32 v24, v24;
	v24 =	vsub.f32 v32, v63;
	v10 =	vsub.f32 v10, v7  }
0x11b: {  	v7 =	vld [tilespmem:$0x1FF70];
	v1 =	vadd.f32 v1, v3;
	v2 =	vadd.f32 v2, v18;
	v3 =	vmul.f32 v42, v42  }
0x11c: {  	v13 =	vld [tilespmem:s24+$0xC00];
	v44 =	vmul.f32 v15, v15;
	v18 =	vmul.f32 v20, v20;
	v20 =	vsub.f32 v31, v56  }
0x11d: {  	v11 =	vld [tilespmem:s24+$0x860];
	v1 =	vadd.f32 v19, v1;
	v2 =	vadd.f32 v3, v2;
	v3 =	vmul.f32 v24, v24  }
0x11e: {  	v15 =	vld [tilespmem:s24+$0x870];
	v19 =	vmul.f32 v20, v20;
	v20 =	vsub.f32 v29, v52;
	v24 =	vsub.f32 v28, v51  }
0x11f: {  	v28 =	vld [tilespmem:s24+$0x70];
	v1 =	vadd.f32 v18, v1;
	v2 =	vadd.f32 v3, v2;
	v3 =	vmul.f32 v30, v30  }
0x120: {  	v52 =	vld [tilespmem:s24+$0x400];
	v18 =	vmul.f32 v20, v20;
	v20 =	vsub.f32 v27, v54;
	v9 =	vsub.f32 v9, v7  }
0x121: {  	v7 =	vld [tilespmem:$0x1FF80];
	v1 =	vadd.f32 v19, v1;
	v2 =	vadd.f32 v3, v2;
	v3 =	vmul.f32 v24, v24  }
0x122: {  	v12 =	vsub.f32 v12, v38;
	v19 =	vmul.f32 v20, v20;
	v47 =	vmul.f32 v9, v9;
	v9 =	vld [tilespmem:s24+$0x840]  }
0x123: {  	v1 =	vadd.f32 v18, v1;
	v2 =	vadd.f32 v3, v2;
	v3 =	vmul.f32 v25, v25;
	v18 =	vld [tilespmem:s24+$0xC70]  }
0x124: {  	v12 =	vmul.f32 v12, v12;
	v0 =	vmul.f32 v0, v0;
	v20 =	vsub.f32 v23, v58;
	v25 =	vld [tilespmem:s24+$0x410]  }
0x125: {  	v1 =	vadd.f32 v19, v1;
	v2 =	vadd.f32 v3, v2;
	v3 =	vmul.f32 v22, v22;
	v19 =	vld [tilespmem:s24+$0xC60]  }
0x126: {  	v15 =	vmul.f32 v15, v5;
	v20 =	vmul.f32 v20, v20;
	v22 =	vld [tilespmem:s24+$0xC30]  }
0x127: {  	v10 =	vmul.f32 v10, v10;
	v2 =	vadd.f32 v3, v2;
	v3 =	vmul.f32 v17, v17;
	v17 =	vld [tilespmem:s24+$0xC40]  }
0x128: {  	v24 =	vmul.f32 v11, v5;
	v8 =	vsub.f32 v8, v7;
	v1 =	vadd.f32 v20, v1;
	v20 =	vld [tilespmem:s24+$0xC10]  }
0x129: {  	v15 =	vadd.f32 v15, v6;
	v58 =	vmul.f32 v28, v5;
	v59 =	vmul.f32 v52, v5;
	v7 =	vld [tilespmem:$0x1FF90]  }
0x12a: {  	v48 =	vmul.f32 v8, v8;
	v8 =	vld [tilespmem:s24+$0x820];
	v0 =	vadd.f32 v0, v1;
	v43 =	vadd.f32 v3, v2  }
0x12b: {  	v36 =	vadd.f32 v58, v6;
	v56 =	vmul.f32 v25, v5;
	v3 =	vld [tilespmem:s24+$0xC20];
	v19 =	vmul.f32 v19, v5  }
0x12c: {  	v22 =	vmul.f32 v22, v5;
	v0 =	vadd.f32 v16, v0;
	v1 =	vadd.f32 v44, v43;
	v16 =	vld [tilespmem:s24+$0x850]  }
0x12d: {  	v35 =	vadd.f32 v59, v6;
	v50 =	vmul.f32 v20, v5;
	v51 =	vmul.f32 v17, v5;
	v17 =	vld [tilespmem:s24+$0x460]  }
0x12e: {  	v20 =	vmul.f32 v13, v5;
	v13 =	vld [tilespmem:s24+$0x430];
	v0 =	vadd.f32 v14, v0;
	v1 =	vadd.f32 v45, v1  }
0x12f: {  	v34 =	vadd.f32 v56, v6;
	v29 =	vmul.f32 v8, v5;
	v8 =	vadd.f32 v19, v6;
	v14 =	vld [tilespmem:$0x1FFA0]  }
0x130: {  	v26 =	vmul.f32 v9, v5;
	v19 =	vld [tilespmem:s24+$0x50];
	v0 =	vadd.f32 v12, v0;
	v1 =	vadd.f32 v46, v1  }
0x131: {  	v49 =	vld [tilespmem:s24+$0x800];
	v11 =	vadd.f32 v22, v6;
	v3 =	vmul.f32 v3, v5;
	v12 =	vmul.f32 v18, v5  }
0x132: {  	v16 =	vmul.f32 v16, v5;
	v0 =	vadd.f32 v10, v0;
	v1 =	vadd.f32 v47, v1  }
0x133: {  	v18 =	vld [tilespmem:s24+$0x810];
	v10 =	vmul.f32 v21, v5;
	v53 =	vmul.f32 v13, v5;
	v13 =	vadd.f32 v50, v6  }
0x134: {  	v21 =	vld [tilespmem:s24+$0x470];
	v31 =	vmul.f32 v17, v5;
	v7 =	vsub.f32 v14, v7;
	v17 =	vadd.f32 v16, v6  }
0x135: {  	v19 =	vmul.f32 v19, v5;
	v14 =	vld [tilespmem:s24+$0x830];
	v16 =	vadd.f32 v24, v6;
	v63 =	vadd.f32 v48, v0  }
0x136: {  	v55 =	vld [tilespmem:s24+$0x60];
	v0 =	vmul.f32 v49, v5;
	v9 =	vadd.f32 v10, v6;
	v10 =	vadd.f32 v51, v6  }
0x137: {  	v24 =	vld [tilespmem:s24+$0x0];
	v32 =	vadd.f32 v53, v6;
	v39 =	vadd.f32 v19, v6;
	v7 =	vmul.f32 v7, v7  }
0x138: {  	v18 =	vmul.f32 v18, v5;
	v45 =	vsel vm0, v15, v16;
	v53 =	vsel vm0, v16, v17  }
0x139: {  	v41 =	vsel vm0, v10, v11;
	v46 =	vsel vm0, v8, v9;
	v27 =	vmul.f32 v21, v5  }
0x13a: {  	v7 =	vnsel vm1, $0x0, v7;
	v21 =	vld [tilespmem:s24+$0x420];
	v25 =	vadd.f32 v18, v6;
	v23 =	vmul.f32 v14, v5  }
0x13b: {  	v18 =	vld [tilespmem:s24+$0x10];
	v62 =	vadd.f32 v7, v1;
	v1 =	vmul.f32 v55, v5;
	v28 =	vadd.f32 v27, v6  }
0x13c: {  	v7 =	vld [tilespmem:s24+$0x450];
	v61 =	vmul.f32 v24, v5;
	v27 =	vadd.f32 v0, v6;
	v22 =	vadd.f32 v23, v6  }
0x13d: {  	v14 =	vld [tilespmem:s24+$0x440];
	v0 =	vsel vm0, v9, v10;
	v23 =	vadd.f32 v29, v6;
	v29 =	vadd.f32 v31, v6  }
0x13e: {  	v37 =	vadd.f32 v1, v6;
	v49 =	vadd.f32 v61, v6;
	v0 =	vperm.xlane v0, v4  }
0x13f: {  	v51 =	vsel vm0, v27, v28;
	v57 =	vmul.f32 v21, v5;
	v21 =	vadd.f32 v26, v6  }
0x140: {  	v26 =	vld [tilespmem:s24+$0x20];
	v18 =	vmul.f32 v18, v5;
	v58 =	vsel vm0, v22, v23;
	v52 =	vsel vm0, v28, v29  }
0x141: {  	v30 =	vmul.f32 v7, v5;
	v7 =	vadd.f32 v12, v6;
	v12 =	vadd.f32 v3, v6;
	v3 =	vld [tilespmem:s24+$0x30]  }
0x142: {  	v55 =	vsel vm0, v23, v25;
	v54 =	vmul.f32 v14, v5;
	v14 =	vadd.f32 v20, v6;
	v20 =	vld [tilespmem:s24+$0x40]  }
0x143: {  	v33 =	vadd.f32 v57, v6;
	v50 =	vadd.f32 v18, v6;
	v47 =	vsel vm0, v17, v21  }
0x144: {  	p1 =	sne.s32 s22, $0x7E00;
	v57 =	vsel vm0, v21, v22;
	v30 =	vadd.f32 v30, v6;
	v31 =	vadd.f32 v54, v6  }
.Ltmp3:
0x145: {  	v1 =	vsel vm0, v7, v8;
	v61 =	vperm.xlane v7, v4;
	v38 =	vsel vm0, v11, v12;
	(pc) =	sbr.rel @p1 .LBB2_9-.Ltmp3, $4  }
0x146: {  	v44 =	vsel vm0, v13, v14;
	v59 =	vsel vm0, v14, v15;
	v19 =	vmul.f32 v26, v5  }
0x147: {  	v54 =	vsel vm0, v25, v27;
	v60 =	vmul.f32 v3, v5;
	v3 =	vmul.f32 v20, v5  }
0x148: {  	v56 =	vsel vm0, v30, v31;
	v26 =	vperm.xlane v1, v4;
	v48 =	vadd.f32 v19, v6  }
0x149: {  	s22 =	sadd.s32 $0x200, s22;
	[tilespmem:$0x1FFB0] =	vst v0;
	v42 =	vadd.f32 v60, v6;
	v43 =	vadd.f32 v3, v6;
	v60 =	vsel vm0, v12, v13  }
0x14a: {  	v0 =	vperm.xlane v38, v4  }
0x14b: {  	v1 =	vsel vm0, v50, v49;
	v38 =	vperm.xlane v46, v4;
	v24 =	vperm.xlane v44, v4  }
0x14c: {  	v2 =	vsel vm0, v48, v50;
	v40 =	vperm.xlane v41, v4;
	v41 =	vperm.xlane v45, v4  }
0x14d: {  	v20 =	vsel vm0, v37, v39;
	v44 =	vperm.xlane v47, v4;
	v45 =	vperm.xlane v59, v4  }
0x14e: {  	v47 =	vperm.xlane v58, v4;
	v57 =	vperm.xlane v57, v4;
	v59 =	vsel vm0, v34, v35  }
0x14f: {  	v52 =	vperm.xlane v52, v4;
	v51 =	vperm.xlane v51, v4;
	v8 =	vsub.f32 v8, v26  }
0x150: {  	v1 =	vperm.xlane v1, v4;
	v2 =	vperm.xlane v2, v4;
	v3 =	vsel vm0, v42, v48  }
0x151: {  	v18 =	vsel vm0, v43, v42;
	v19 =	vsel vm0, v39, v43;
	v28 =	vsub.f32 v28, v51  }
0x152: {  	v20 =	vperm.xlane v20, v4;
	v22 =	vsub.f32 v22, v57;
	v21 =	vsub.f32 v21, v44  }
0x153: {  	v3 =	vperm.xlane v3, v4;
	v16 =	vsub.f32 v16, v41;
	v14 =	vsub.f32 v14, v24  }
0x154: {  	v18 =	vperm.xlane v18, v4;
	v0 =	vsub.f32 v12, v0;
	v11 =	vsub.f32 v11, v40  }
0x155: {  	v19 =	vperm.xlane v19, v4;
	v1 =	vsub.f32 v49, v1;
	v2 =	vsub.f32 v50, v2  }
0x156: {  	v49 =	vperm.xlane v54, v4;
	v18 =	vsub.f32 v42, v18;
	v42 =	vperm.xlane v60, v4  }
0x157: {  	v3 =	vsub.f32 v48, v3;
	v48 =	vperm.xlane v53, v4;
	v21 =	vmul.f32 v21, v21  }
0x158: {  	v20 =	vsub.f32 v39, v20;
	v16 =	vmul.f32 v16, v16;
	v14 =	vmul.f32 v14, v14  }
0x159: {  	v19 =	vsub.f32 v43, v19;
	v0 =	vmul.f32 v0, v0;
	v11 =	vmul.f32 v11, v11  }
0x15a: {  	v60 =	vsel vm0, v36, v37;
	v1 =	vmul.f32 v1, v1;
	v2 =	vmul.f32 v2, v2  }
0x15b: {  	v43 =	vsel vm0, v29, v30;
	v39 =	vperm.xlane v60, v4;
	v60 =	vperm.xlane v55, v4  }
0x15c: {  	v15 =	vsub.f32 v15, v45;
	v43 =	vperm.xlane v43, v4;
	v20 =	vmul.f32 v20, v20  }
0x15d: {  	v9 =	vsub.f32 v9, v38;
	v3 =	vmul.f32 v3, v3;
	v18 =	vmul.f32 v18, v18  }
0x15e: {  	v19 =	vmul.f32 v19, v19;
	v17 =	vsub.f32 v17, v48;
	v1 =	vadd.f32 v1, v63  }
0x15f: {  	v2 =	vadd.f32 v2, v62;
	v62 =	vsel vm0, v35, v36;
	v37 =	vsub.f32 v37, v39  }
0x160: {  	v63 =	vsel vm0, v32, v33;
	v46 =	vperm.xlane v62, v4;
	v62 =	vperm.xlane v56, v4  }
0x161: {  	v1 =	vadd.f32 v3, v1;
	v3 =	vsel vm0, v33, v34;
	v2 =	vadd.f32 v18, v2  }
0x162: {  	v18 =	vsel vm0, v31, v32;
	v58 =	vsub.f32 v36, v46;
	v3 =	vperm.xlane v3, v4  }
0x163: {  	s21 =	sor.u32 s4, s21;
	v46 =	vperm.xlane v59, v4;
	v18 =	vperm.xlane v18, v4;
	v1 =	vadd.f32 v19, v1  }
0x164: {  	s21 =	sxor.u32 $0x2000, s21;
	v2 =	vadd.f32 v20, v2;
	v3 =	vsub.f32 v34, v3;
	v19 =	vmul.f32 v58, v58  }
0x165: {  	s22 =	sadd.s32 s0, s21;
	s21 =	simm.s32 $0x0;
	v39 =	vperm.xlane v63, v4;
	v37 =	vmul.f32 v37, v37;
	v63 =	vsub.f32 v35, v46  }
0x166: {  	[tilespmem:s21], [sflag:$0x1] =	stream.linear.gather [hbm4b:s22+s21], $0x8000, $0x38;
	v18 =	vsub.f32 v32, v18;
	v2 =	vadd.f32 v19, v2;
	v3 =	vmul.f32 v3, v3;
	[tilespmem:$0x10120] =	vst v63  }
0x167: {  	_ =	swait.ge [sflag:s15], $0x8000;
	v20 =	vsub.f32 v33, v39;
	v1 =	vadd.f32 v37, v1;
	v39 =	vmul.f32 v63, v63  }
0x168: {  	s31 =	sand.u32 $0x7000, s21;
	s23 =	sand.u32 $0x380, s21;
	[sflag:s15] =	ssyncset.done $0x0;
	v30 =	vsub.f32 v30, v43;
	v2 =	vadd.f32 v3, v2;
	v3 =	vmul.f32 v18, v18  }
0x169: {  	s22 =	sor.u32 s23, s31;
	v24 =	vld [tilespmem:$0x1FFB0];
	[sflag:s15] =	ssyncadd.s32 $0xFFFF8000;
	v20 =	vmul.f32 v20, v20;
	v19 =	vsub.f32 v31, v62;
	v1 =	vadd.f32 v39, v1  }
0x16a: {  	v13 =	vsub.f32 v13, v42;
	v12 =	vld [tilespmem:s22+$0x8C00];
	v2 =	vadd.f32 v3, v2;
	v3 =	vmul.f32 v30, v30  }
0x16b: {  	v18 =	vsub.f32 v29, v52;
	v19 =	vmul.f32 v19, v19;
	v1 =	vadd.f32 v20, v1  }
0x16c: {  	v25 =	vsub.f32 v25, v60;
	v26 =	vld [tilespmem:s22+$0x8830];
	v2 =	vadd.f32 v3, v2;
	v3 =	vmul.f32 v28, v28  }
0x16d: {  	v45 =	vld [tilespmem:s22+$0x8800];
	v20 =	vsub.f32 v27, v49;
	v18 =	vmul.f32 v18, v18;
	v1 =	vadd.f32 v19, v1  }
0x16e: {  	v10 =	vsub.f32 v10, v24;
	v24 =	vld [tilespmem:s22+$0x8860];
	v2 =	vadd.f32 v3, v2;
	v3 =	vmul.f32 v25, v25  }
0x16f: {  	v20 =	vmul.f32 v20, v20;
	v28 =	vmul.f32 v12, v5;
	v12 =	vld [tilespmem:s22+$0x8430];
	v1 =	vadd.f32 v18, v1  }
0x170: {  	v19 =	vsub.f32 v23, v47;
	v18 =	vld [tilespmem:s22+$0x8C50];
	v2 =	vadd.f32 v3, v2;
	v3 =	vmul.f32 v22, v22  }
0x171: {  	v9 =	vmul.f32 v9, v9;
	v13 =	vmul.f32 v13, v13;
	v1 =	vadd.f32 v20, v1;
	v20 =	vld [tilespmem:s22+$0x8C30]  }
0x172: {  	v19 =	vmul.f32 v19, v19;
	v22 =	vld [tilespmem:s22+$0x8C40];
	v2 =	vadd.f32 v3, v2;
	v3 =	vmul.f32 v17, v17  }
0x173: {  	v10 =	vmul.f32 v10, v10;
	v26 =	vmul.f32 v26, v5;
	v23 =	vld [tilespmem:s22+$0x8C70]  }
0x174: {  	v1 =	vadd.f32 v19, v1;
	v19 =	vld [tilespmem:s22+$0x8C10];
	v2 =	vadd.f32 v3, v2;
	v3 =	vmul.f32 v15, v15  }
0x175: {  	v7 =	vsub.f32 v7, v61;
	v29 =	vmul.f32 v24, v5;
	v50 =	vmul.f32 v12, v5;
	v17 =	vld [tilespmem:s22+$0x8C20]  }
0x176: {  	v25 =	vld [tilespmem:s22+$0x8C60];
	v18 =	vmul.f32 v18, v5;
	v1 =	vadd.f32 v21, v1;
	v2 =	vadd.f32 v3, v2  }
0x177: {  	v21 =	vld [tilespmem:s22+$0x8870];
	v20 =	vmul.f32 v20, v5;
	v22 =	vmul.f32 v22, v5  }
0x178: {  	v15 =	vld [tilespmem:s22+$0x8850];
	v1 =	vadd.f32 v16, v1;
	v3 =	vmul.f32 v7, v7;
	v2 =	vadd.f32 v13, v2  }
0x179: {  	v46 =	vld [tilespmem:s22+$0x8410];
	v32 =	vadd.f32 v50, v6;
	v7 =	vmul.f32 v8, v8;
	v19 =	vmul.f32 v19, v5  }
0x17a: {  	v8 =	vld [tilespmem:s22+$0x8810];
	v17 =	vmul.f32 v17, v5;
	v1 =	vadd.f32 v14, v1;
	v2 =	vadd.f32 v11, v2  }
0x17b: {  	v16 =	vld [tilespmem:s22+$0x8840];
	v14 =	vmul.f32 v23, v5;
	v13 =	vmul.f32 v25, v5;
	v3 =	vnsel vm1, $0x0, v3  }
0x17c: {  	v25 =	vld [tilespmem:s22+$0x8470];
	v21 =	vmul.f32 v21, v5;
	v12 =	vadd.f32 v17, v6;
	v2 =	vadd.f32 v9, v2  }
0x17d: {  	v23 =	vld [tilespmem:s22+$0x8820];
	v27 =	vmul.f32 v15, v5;
	v0 =	vadd.f32 v0, v1;
	v60 =	vadd.f32 v14, v6  }
0x17e: {  	v15 =	vld [tilespmem:s22+$0x8440];
	v1 =	vmul.f32 v45, v5;
	v14 =	vadd.f32 v28, v6;
	v2 =	vadd.f32 v3, v2  }
0x17f: {  	v11 =	vld [tilespmem:s22+$0x8450];
	v30 =	vmul.f32 v8, v5;
	v8 =	vadd.f32 v13, v6;
	v13 =	vadd.f32 v19, v6  }
0x180: {  	v31 =	vmul.f32 v16, v5;
	v17 =	vadd.f32 v27, v6;
	v0 =	vadd.f32 v10, v0;
	v10 =	vld [tilespmem:s22+$0x8460];
	[tilespmem:$0x1FF60] =	vst v2  }
0x181: {  	v9 =	vadd.f32 v18, v6;
	v27 =	vadd.f32 v1, v6;
	v47 =	vmul.f32 v25, v5;
	v2 =	vld [tilespmem:s22+$0x8420]  }
0x182: {  	v48 =	vmul.f32 v23, v5;
	v23 =	vadd.f32 v30, v6;
	v19 =	vadd.f32 v31, v6;
	v16 =	vld [tilespmem:s22+$0x8070]  }
0x183: {  	v1 =	vsel vm0, v60, v8;
	v43 =	vsel vm0, v13, v14;
	v42 =	vsel vm0, v12, v13;
	v18 =	vld [tilespmem:s22+$0x8400]  }
0x184: {  	v63 =	vadd.f32 v7, v0;
	v52 =	vmul.f32 v15, v5;
	v0 =	vmul.f32 v46, v5;
	v51 =	vld [tilespmem:s22+$0x8050]  }
0x185: {  	v15 =	vadd.f32 v21, v6;
	v3 =	vmul.f32 v11, v5;
	v11 =	vadd.f32 v20, v6;
	v53 =	vld [tilespmem:s22+$0x8060]  }
0x186: {  	v37 =	vsel vm0, v8, v9;
	v20 =	vadd.f32 v26, v6;
	v28 =	vadd.f32 v47, v6;
	v21 =	vld [tilespmem:s22+$0x8030]  }
0x187: {  	v34 =	vadd.f32 v0, v6;
	v31 =	vadd.f32 v52, v6;
	v47 =	vsel vm0, v14, v15;
	v54 =	vld [tilespmem:s22+$0x8040]  }
0x188: {  	v49 =	vmul.f32 v10, v5;
	v10 =	vadd.f32 v22, v6;
	v26 =	vld [tilespmem:s22+$0x8000];
	v22 =	vadd.f32 v48, v6  }
0x189: {  	v56 =	vld [tilespmem:s22+$0x8010];
	v30 =	vadd.f32 v3, v6;
	v39 =	vsel vm0, v11, v12;
	v52 =	vsel vm0, v19, v20  }
0x18a: {  	v0 =	vsel vm0, v9, v10;
	v2 =	vmul.f32 v2, v5;
	v55 =	vmul.f32 v16, v5  }
0x18b: {  	v41 =	vsel vm0, v10, v11;
	v18 =	vmul.f32 v18, v5;
	v57 =	vmul.f32 v51, v5  }
0x18c: {  	v16 =	vadd.f32 v29, v6;
	v38 =	vmul.f32 v53, v5;
	v59 =	vmul.f32 v21, v5  }
0x18d: {  	v58 =	vld [tilespmem:s22+$0x8020];
	v29 =	vadd.f32 v49, v6;
	v3 =	vmul.f32 v54, v5;
	v61 =	vmul.f32 v26, v5  }
0x18e: {  	v62 =	vmul.f32 v56, v5;
	v49 =	vsel vm0, v17, v19;
	v36 =	vadd.f32 v55, v6  }
0x18f: {  	v54 =	vsel vm0, v20, v22;
	v33 =	vadd.f32 v2, v6;
	v40 =	vadd.f32 v57, v6  }
0x190: {  	v56 =	vsel vm0, v22, v23;
	v35 =	vadd.f32 v18, v6;
	v44 =	vadd.f32 v59, v6  }
0x191: {  	v26 =	vperm.xlane v0, v4;
	v38 =	vadd.f32 v38, v6;
	v51 =	vadd.f32 v61, v6  }
0x192: {  	v18 =	vmul.f32 v58, v5;
	v45 =	vadd.f32 v3, v6;
	v53 =	vadd.f32 v62, v6  }
0x193: {  	v61 =	vperm.xlane v60, v4;
	v46 =	vsel vm0, v15, v16;
	v48 =	vsel vm0, v16, v17  }
0x194: {  	v55 =	vsel vm0, v23, v27;
	v58 =	vsel vm0, v28, v29;
	v57 =	vsel vm0, v27, v28  }
0x195: {  	s22 =	simm.s32 $0x200;
	v59 =	vsel vm0, v30, v31;
	v62 =	vperm.xlane v1, v4;
	v50 =	vadd.f32 v18, v6  }
.LBB2_11:
0x196: {  	v1 =	vperm.xlane v39, v4  }
0x197: {  	v43 =	vperm.xlane v43, v4;
	v41 =	vperm.xlane v41, v4  }
0x198: {  	v46 =	vperm.xlane v46, v4;
	v42 =	vperm.xlane v42, v4  }
0x199: {  	v49 =	vperm.xlane v49, v4;
	v47 =	vperm.xlane v47, v4  }
0x19a: {  	v54 =	vperm.xlane v54, v4;
	v48 =	vperm.xlane v48, v4  }
0x19b: {  	v55 =	vperm.xlane v55, v4;
	v52 =	vperm.xlane v52, v4  }
0x19c: {  	v58 =	vperm.xlane v58, v4;
	v56 =	vperm.xlane v56, v4  }
0x19d: {  	v0 =	vsel vm0, v29, v30;
	v59 =	vperm.xlane v59, v4;
	v57 =	vperm.xlane v57, v4  }
0x19e: {  	[tilespmem:$0x1FF50] =	vst v61;
	v61 =	vperm.xlane v37, v4;
	v2 =	vsel vm0, v31, v32;
	v3 =	vsel vm0, v34, v35  }
0x19f: {  	[tilespmem:$0x1FF40] =	vst v60;
	v60 =	vsel vm0, v33, v34;
	v39 =	vmovc v62;
	v62 =	vsel vm0, v35, v36;
	v37 =	vmov v8  }
0x1a0: {  	v8 =	vmovc v63;
	v63 =	vsel vm0, v40, v45;
	v18 =	vsel vm0, v38, v40;
	v0 =	vperm.xlane v0, v4  }
0x1a1: {  	v21 =	vsel vm0, v53, v51;
	v7 =	vsel vm0, v50, v53;
	v24 =	vsel vm0, v44, v50  }
0x1a2: {  	v25 =	vsel vm0, v45, v44;
	v3 =	vperm.xlane v3, v4;
	v2 =	vperm.xlane v2, v4  }
0x1a3: {  	v10 =	vsub.f32 v10, v26;
	v60 =	vperm.xlane v60, v4;
	v21 =	vperm.xlane v21, v4  }
0x1a4: {  	[tilespmem:$0x1FF20] =	vst v1;
	v1 =	vsel vm0, v32, v33;
	v7 =	vperm.xlane v7, v4;
	v24 =	vperm.xlane v24, v4  }
0x1a5: {  	v62 =	vperm.xlane v62, v4;
	v20 =	vsub.f32 v20, v52;
	v19 =	vsub.f32 v19, v49  }
0x1a6: {  	v25 =	vperm.xlane v25, v4;
	v17 =	vsub.f32 v17, v48;
	v16 =	vsub.f32 v16, v46  }
0x1a7: {  	v63 =	vperm.xlane v63, v4;
	v15 =	vsub.f32 v15, v47;
	v14 =	vsub.f32 v14, v43  }
0x1a8: {  	v18 =	vperm.xlane v18, v4;
	v13 =	vsub.f32 v13, v42;
	v21 =	vsub.f32 v51, v21  }
0x1a9: {  	v11 =	vsub.f32 v11, v41;
	[tilespmem:$0x1FF30] =	vst v61;
	v61 =	vsel vm0, v36, v38;
	v1 =	vperm.xlane v1, v4  }
0x1aa: {  	v0 =	vsub.f32 v30, v0;
	v7 =	vsub.f32 v53, v7;
	v21 =	vmul.f32 v21, v21  }
0x1ab: {  	v10 =	vmul.f32 v10, v10;
	v24 =	vsub.f32 v50, v24;
	v25 =	vsub.f32 v44, v25  }
0x1ac: {  	v61 =	vperm.xlane v61, v4;
	v51 =	vsub.f32 v45, v63;
	v21 =	vadd.f32 v21, v8;
	v8 =	vld [tilespmem:$0x1FF60]  }
0x1ad: {  	v18 =	vsub.f32 v40, v18;
	v63 =	vsub.f32 v36, v62;
	v40 =	vmul.f32 v20, v20  }
0x1ae: {  	v3 =	vsub.f32 v35, v3;
	v19 =	vmul.f32 v19, v19;
	v24 =	vmul.f32 v24, v24  }
0x1af: {  	v2 =	vsub.f32 v32, v2;
	v44 =	vmul.f32 v17, v17;
	v7 =	vmul.f32 v7, v7  }
0x1b0: {  	s21 =	sadd.s32 $0x80, s21;
	v53 =	vmul.f32 v51, v51;
	v61 =	vsub.f32 v38, v61;
	v21 =	vadd.f32 v24, v21  }
0x1b1: {  	s23 =	sand.u32 $0x7000, s22;
	s24 =	sand.u32 $0x380, s21;
	v16 =	vmul.f32 v16, v16;
	v25 =	vmul.f32 v25, v25;
	v7 =	vadd.f32 v7, v8  }
0x1b2: {  	s23 =	sor.u32 s24, s23;
	v45 =	vmul.f32 v15, v15;
	v24 =	vmul.f32 v61, v61;
	v21 =	vadd.f32 v53, v21  }
0x1b3: {  	v30 =	vld [tilespmem:s23+$0x8070];
	v14 =	vmul.f32 v14, v14;
	v18 =	vmul.f32 v18, v18;
	v7 =	vadd.f32 v25, v7  }
0x1b4: {  	v20 =	vld [tilespmem:s23+$0x8C30];
	v1 =	vsub.f32 v33, v1;
	v3 =	vmul.f32 v3, v3;
	v21 =	vadd.f32 v24, v21  }
0x1b5: {  	v8 =	vld [tilespmem:$0x1FF20];
	v25 =	vsub.f32 v34, v60;
	v7 =	vadd.f32 v18, v7;
	v18 =	vmul.f32 v63, v63  }
0x1b6: {  	v17 =	vld [tilespmem:s23+$0x8C40];
	v46 =	vmul.f32 v13, v13;
	v1 =	vmul.f32 v1, v1;
	v3 =	vadd.f32 v3, v21  }
0x1b7: {  	v15 =	vld [tilespmem:s23+$0x8C20];
	v21 =	vsub.f32 v29, v58;
	v7 =	vadd.f32 v18, v7;
	v18 =	vmul.f32 v25, v25  }
0x1b8: {  	v13 =	vld [tilespmem:s23+$0x8C00];
	v47 =	vmul.f32 v11, v11;
	v2 =	vmul.f32 v2, v2;
	v24 =	vsub.f32 v31, v59  }
0x1b9: {  	v11 =	vld [tilespmem:s23+$0x8860];
	v1 =	vadd.f32 v1, v3;
	v3 =	vmul.f32 v21, v21;
	v7 =	vadd.f32 v18, v7  }
0x1ba: {  	v59 =	vld [tilespmem:s23+$0x8000];
	v21 =	vsub.f32 v23, v56;
	v12 =	vsub.f32 v12, v8;
	v18 =	vmul.f32 v24, v24  }
0x1bb: {  	v0 =	vmul.f32 v0, v0;
	v8 =	vld [tilespmem:$0x1FF30];
	v24 =	vsub.f32 v28, v57;
	v2 =	vadd.f32 v2, v7  }
0x1bc: {  	v38 =	vmul.f32 v21, v21;
	v21 =	vld [tilespmem:s23+$0x8C50];
	v7 =	vsub.f32 v27, v55;
	v1 =	vadd.f32 v18, v1  }
0x1bd: {  	v20 =	vmul.f32 v20, v5;
	v28 =	vld [tilespmem:s23+$0x8420];
	v36 =	vmul.f32 v24, v24;
	v18 =	vsub.f32 v22, v54  }
0x1be: {  	v0 =	vadd.f32 v0, v2;
	v7 =	vmul.f32 v7, v7;
	v1 =	vadd.f32 v3, v1;
	v3 =	vld [tilespmem:s23+$0x8C70]  }
0x1bf: {  	v52 =	vmul.f32 v17, v5;
	v58 =	vmul.f32 v30, v5;
	v22 =	vld [tilespmem:$0x1FF50]  }
0x1c0: {  	v24 =	vld [tilespmem:s23+$0x8440];
	v18 =	vmul.f32 v18, v18;
	v0 =	vadd.f32 v36, v0;
	v1 =	vadd.f32 v7, v1  }
0x1c1: {  	v23 =	vmul.f32 v11, v5;
	v9 =	vsub.f32 v9, v8;
	v8 =	vsub.f32 v37, v39;
	v7 =	vld [tilespmem:s23+$0x8C60]  }
0x1c2: {  	v62 =	vmul.f32 v59, v5;
	v0 =	vadd.f32 v38, v0;
	v1 =	vadd.f32 v18, v1;
	v18 =	vld [tilespmem:s23+$0x8C10]  }
0x1c3: {  	v11 =	vadd.f32 v20, v6;
	v48 =	vmul.f32 v9, v9;
	v9 =	vld [tilespmem:s23+$0x8840];
	v3 =	vmul.f32 v3, v5  }
0x1c4: {  	v49 =	vmul.f32 v8, v8;
	v8 =	vld [tilespmem:s23+$0x8820];
	v0 =	vadd.f32 v40, v0;
	v1 =	vadd.f32 v19, v1  }
0x1c5: {  	v12 =	vmul.f32 v12, v12;
	v56 =	vmul.f32 v28, v5;
	v19 =	vld [tilespmem:s23+$0x8870];
	v60 =	vadd.f32 v3, v6  }
0x1c6: {  	v24 =	vmul.f32 v24, v5;
	v3 =	vld [tilespmem:s23+$0x8400];
	v0 =	vadd.f32 v44, v0;
	v1 =	vadd.f32 v16, v1  }
0x1c7: {  	v36 =	vadd.f32 v58, v6;
	v7 =	vmul.f32 v7, v5;
	v16 =	vld [tilespmem:s23+$0x8850];
	v51 =	vmul.f32 v18, v5  }
0x1c8: {  	v18 =	vmul.f32 v15, v5;
	v15 =	vld [tilespmem:s23+$0x8460];
	v0 =	vadd.f32 v45, v0;
	v1 =	vadd.f32 v14, v1  }
0x1c9: {  	v26 =	vmul.f32 v9, v5;
	v27 =	vmul.f32 v8, v5;
	v8 =	vadd.f32 v7, v6;
	v14 =	vld [tilespmem:$0x1FF40]  }
0x1ca: {  	v7 =	vld [tilespmem:s23+$0x8050];
	v17 =	vmul.f32 v19, v5;
	v0 =	vadd.f32 v46, v0;
	v1 =	vadd.f32 v12, v1  }
0x1cb: {  	v33 =	vadd.f32 v56, v6;
	v19 =	vmul.f32 v13, v5;
	v13 =	vld [tilespmem:s23+$0x8430];
	v3 =	vmul.f32 v3, v5  }
0x1cc: {  	v16 =	vmul.f32 v16, v5;
	v0 =	vadd.f32 v47, v0;
	v1 =	vadd.f32 v10, v1  }
0x1cd: {  	v54 =	vld [tilespmem:s23+$0x8060];
	v31 =	vmul.f32 v15, v5;
	v15 =	vadd.f32 v17, v6;
	v35 =	vadd.f32 v3, v6  }
0x1ce: {  	v10 =	vmul.f32 v21, v5;
	v21 =	vld [tilespmem:s23+$0x8470];
	v14 =	vsub.f32 v14, v22;
	v17 =	vadd.f32 v16, v6  }
0x1cf: {  	v7 =	vmul.f32 v7, v5;
	v16 =	vadd.f32 v23, v6;
	v0 =	vadd.f32 v48, v0  }
0x1d0: {  	v22 =	vld [tilespmem:s23+$0x8830];
	v63 =	vadd.f32 v49, v1;
	v9 =	vadd.f32 v10, v6;
	v53 =	vmul.f32 v13, v5  }
0x1d1: {  	v13 =	vadd.f32 v51, v6;
	v10 =	vadd.f32 v52, v6;
	v12 =	vmul.f32 v14, v14;
	v14 =	vld [tilespmem:s23+$0x8810]  }
0x1d2: {  	v50 =	vld [tilespmem:s23+$0x8800];
	v1 =	vmul.f32 v54, v5;
	v40 =	vadd.f32 v7, v6;
	v51 =	vadd.f32 v62, v6  }
0x1d3: {  	v46 =	vsel vm0, v15, v16;
	v12 =	vnsel vm1, $0x0, v12;
	v21 =	vmul.f32 v21, v5  }
0x1d4: {  	v48 =	vsel vm0, v16, v17;
	v32 =	vadd.f32 v53, v6;
	v0 =	vadd.f32 v12, v0;
	v12 =	vld [tilespmem:s23+$0x8450]  }
0x1d5: {  	v38 =	vadd.f32 v1, v6;
	v22 =	vmul.f32 v22, v5;
	v28 =	vadd.f32 v21, v6;
	v21 =	vld [tilespmem:s23+$0x8020]  }
0x1d6: {  	v1 =	vsel vm0, v60, v8;
	v41 =	vsel vm0, v10, v11;
	v25 =	vmul.f32 v14, v5;
	v14 =	vld [tilespmem:s23+$0x8410]  }
0x1d7: {  	[tilespmem:$0x1FF60] =	vst v0;
	v0 =	vmul.f32 v50, v5;
	v20 =	vadd.f32 v22, v6;
	v22 =	vadd.f32 v27, v6  }
0x1d8: {  	v37 =	vsel vm0, v8, v9;
	v62 =	vperm.xlane v1, v4;
	v23 =	vadd.f32 v25, v6  }
0x1d9: {  	v27 =	vadd.f32 v0, v6;
	v0 =	vsel vm0, v9, v10;
	v54 =	vsel vm0, v20, v22  }
0x1da: {  	v25 =	vld [tilespmem:s23+$0x8010];
	v29 =	vmul.f32 v12, v5;
	v12 =	vadd.f32 v18, v6;
	v3 =	vmul.f32 v21, v5  }
0x1db: {  	v57 =	vld [tilespmem:s23+$0x8040];
	v55 =	vmul.f32 v14, v5;
	v14 =	vadd.f32 v19, v6;
	v19 =	vadd.f32 v26, v6  }
0x1dc: {  	v18 =	vld [tilespmem:s23+$0x8030];
	v56 =	vsel vm0, v22, v23;
	v30 =	vadd.f32 v29, v6;
	v29 =	vadd.f32 v31, v6  }
0x1dd: {  	v31 =	vadd.f32 v24, v6;
	v39 =	vsel vm0, v11, v12;
	v42 =	vsel vm0, v12, v13  }
0x1de: {  	p1 =	sne.s32 s22, $0x7E00;
	v26 =	vperm.xlane v0, v4;
	v50 =	vadd.f32 v3, v6;
	v34 =	vadd.f32 v55, v6  }
.Ltmp4:
0x1df: {  	v24 =	vmul.f32 v25, v5;
	v43 =	vsel vm0, v13, v14;
	v49 =	vsel vm0, v17, v19;
	(pc) =	sbr.rel @p1 .LBB2_11-.Ltmp4, $4  }
0x1e0: {  	v47 =	vsel vm0, v14, v15;
	v55 =	vsel vm0, v23, v27;
	v52 =	vsel vm0, v19, v20  }
0x1e1: {  	v58 =	vsel vm0, v28, v29;
	v61 =	vmul.f32 v18, v5;
	v18 =	vmul.f32 v57, v5  }
0x1e2: {  	v59 =	vsel vm0, v30, v31;
	v57 =	vsel vm0, v27, v28;
	v53 =	vadd.f32 v24, v6  }
0x1e3: {  	s22 =	sadd.s32 $0x200, s22;
	v44 =	vadd.f32 v61, v6;
	v45 =	vadd.f32 v18, v6;
	v61 =	vperm.xlane v60, v4  }
0x1e4: {  	v0 =	vsel vm0, v53, v51  }
0x1e5: {  	v1 =	vsel vm0, v50, v53;
	v18 =	vsel vm0, v38, v40;
	v21 =	vsel vm0, v36, v38  }
0x1e6: {  	v24 =	vsel vm0, v35, v36;
	v48 =	vperm.xlane v48, v4;
	v10 =	vsub.f32 v10, v26  }
0x1e7: {  	v0 =	vperm.xlane v0, v4;
	v1 =	vperm.xlane v1, v4;
	v2 =	vsel vm0, v44, v50  }
0x1e8: {  	v3 =	vsel vm0, v40, v45;
	v18 =	vperm.xlane v18, v4;
	v21 =	vperm.xlane v21, v4  }
0x1e9: {  	v7 =	vsel vm0, v45, v44;
	v24 =	vperm.xlane v24, v4;
	v2 =	vperm.xlane v2, v4  }
0x1ea: {  	v7 =	vperm.xlane v7, v4;
	v17 =	vsub.f32 v17, v48;
	v0 =	vsub.f32 v51, v0  }
0x1eb: {  	v3 =	vperm.xlane v3, v4;
	v1 =	vsub.f32 v53, v1;
	v18 =	vsub.f32 v40, v18  }
0x1ec: {  	v21 =	vsub.f32 v38, v21;
	v24 =	vsub.f32 v36, v24;
	v38 =	vsel vm0, v33, v34  }
0x1ed: {  	v40 =	vsel vm0, v32, v33;
	v51 =	vperm.xlane v59, v4;
	v36 =	vperm.xlane v55, v4  }
0x1ee: {  	v55 =	vperm.xlane v39, v4;
	v2 =	vsub.f32 v50, v2;
	v0 =	vmul.f32 v0, v0  }
0x1ef: {  	v25 =	vld [tilespmem:$0x1FF60];
	v7 =	vsub.f32 v44, v7;
	v1 =	vmul.f32 v1, v1;
	v18 =	vmul.f32 v18, v18  }
0x1f0: {  	v50 =	vsel vm0, v29, v30;
	v21 =	vmul.f32 v21, v21;
	v24 =	vmul.f32 v24, v24  }
0x1f1: {  	v3 =	vsub.f32 v45, v3;
	v53 =	vperm.xlane v50, v4;
	v50 =	vperm.xlane v46, v4  }
0x1f2: {  	v59 =	vsub.f32 v31, v51;
	v51 =	vperm.xlane v47, v4;
	v2 =	vmul.f32 v2, v2  }
0x1f3: {  	v44 =	vsel vm0, v31, v32;
	v7 =	vmul.f32 v7, v7;
	v3 =	vmul.f32 v3, v3  }
0x1f4: {  	v0 =	vadd.f32 v0, v63;
	v1 =	vadd.f32 v1, v25;
	v63 =	vsel vm0, v34, v35  }
0x1f5: {  	v15 =	vsub.f32 v15, v51;
	v25 =	vperm.xlane v63, v4;
	v63 =	vperm.xlane v58, v4  }
0x1f6: {  	v58 =	vperm.xlane v37, v4;
	v0 =	vadd.f32 v2, v0;
	v1 =	vadd.f32 v7, v1  }
0x1f7: {  	v2 =	vperm.xlane v38, v4;
	v38 =	vperm.xlane v56, v4;
	v7 =	vsub.f32 v35, v25  }
0x1f8: {  	v25 =	vperm.xlane v40, v4;
	v0 =	vadd.f32 v3, v0;
	v3 =	vperm.xlane v44, v4  }
0x1f9: {  	v56 =	vperm.xlane v41, v4;
	v2 =	vsub.f32 v34, v2;
	v1 =	vadd.f32 v18, v1  }
0x1fa: {  	v45 =	vsub.f32 v33, v25;
	v7 =	vmul.f32 v7, v7;
	v3 =	vsub.f32 v32, v3  }
0x1fb: {  	v0 =	vadd.f32 v21, v0;
	v1 =	vadd.f32 v24, v1;
	v2 =	vmul.f32 v2, v2  }
0x1fc: {  	v40 =	vperm.xlane v54, v4;
	v23 =	vsub.f32 v23, v38;
	v34 =	vmul.f32 v45, v45  }
0x1fd: {  	v0 =	vadd.f32 v7, v0;
	v1 =	vadd.f32 v2, v1;
	v3 =	vmul.f32 v3, v3  }
0x1fe: {  	v33 =	vperm.xlane v57, v4;
	v21 =	vsub.f32 v30, v53;
	v7 =	vsub.f32 v29, v63  }
0x1ff: {  	v0 =	vadd.f32 v34, v0;
	v1 =	vadd.f32 v3, v1;
	v3 =	vmul.f32 v59, v59  }
0x200: {  	v44 =	vsub.f32 v22, v40;
	v35 =	vsub.f32 v28, v33;
	v21 =	vmul.f32 v21, v21  }
0x201: {  	v2 =	vsub.f32 v27, v36;
	v7 =	vmul.f32 v7, v7;
	v0 =	vadd.f32 v3, v0  }
0x202: {  	v18 =	vmul.f32 v35, v35;
	v1 =	vadd.f32 v21, v1;
	v3 =	vperm.xlane v52, v4  }
0x203: {  	v45 =	vperm.xlane v49, v4;
	v2 =	vmul.f32 v2, v2;
	v0 =	vadd.f32 v7, v0  }
0x204: {  	v49 =	vmul.f32 v23, v23;
	v3 =	vsub.f32 v20, v3;
	v1 =	vadd.f32 v18, v1  }
0x205: {  	v52 =	vmul.f32 v44, v44;
	v7 =	vsub.f32 v19, v45;
	v0 =	vadd.f32 v2, v0  }
0x206: {  	v53 =	vperm.xlane v43, v4;
	v1 =	vadd.f32 v49, v1;
	v3 =	vmul.f32 v3, v3  }
0x207: {  	v2 =	vsub.f32 v16, v50;
	v7 =	vmul.f32 v7, v7;
	v0 =	vadd.f32 v52, v0  }
0x208: {  	v54 =	vmul.f32 v17, v17;
	v1 =	vadd.f32 v3, v1;
	v3 =	vperm.xlane v42, v4  }
0x209: {  	v14 =	vsub.f32 v14, v53;
	v2 =	vmul.f32 v2, v2;
	v0 =	vadd.f32 v7, v0  }
0x20a: {  	v57 =	vmul.f32 v15, v15;
	v3 =	vsub.f32 v13, v3;
	v1 =	vadd.f32 v54, v1  }
0x20b: {  	v59 =	vmul.f32 v14, v14;
	v7 =	vsub.f32 v12, v55;
	v0 =	vadd.f32 v2, v0  }
0x20c: {  	v11 =	vsub.f32 v11, v56;
	v1 =	vadd.f32 v57, v1;
	v3 =	vmul.f32 v3, v3  }
0x20d: {  	v2 =	vsub.f32 v9, v58;
	v7 =	vmul.f32 v7, v7;
	v0 =	vadd.f32 v59, v0  }
0x20e: {  	v1 =	vadd.f32 v3, v1;
	v3 =	vsub.f32 v8, v62;
	v8 =	vmul.f32 v11, v11  }
0x20f: {  	v62 =	vsub.f32 v60, v61;
	v2 =	vmul.f32 v2, v2  }
.Ltmp5:
0x210: {  	v0 =	vadd.f32 v7, v0;
	v1 =	vadd.f32 v8, v1;
	v7 =	vmul.f32 v10, v10;
	(pc) =	sbr.rel @p0 .LBB2_8-.Ltmp5, $4  }
0x211: {  	v8 =	vmul.f32 v62, v62  }
0x212: {  	v63 =	vmul.f32 v3, v3;
	v0 =	vadd.f32 v7, v0;
	v1 =	vadd.f32 v2, v1  }
0x213: {  	v3 =	vnsel vm1, $0x0, v8  }
0x214: {  	s21 =	simm.s32 $0x2000;
	p1 =	por $0x0, $0x0;
	v63 =	vadd.f32 v63, v0;
	v62 =	vadd.f32 v3, v1  }
0x215: {  	_ =	swait.ge [sflag:s14], $0x8000  }
0x216: {  	s19 =	sadd.s32 $0x1, s19;
	[sflag:s14] =	ssyncset.done $0x0;
	v0 =	vadd.f32 v62, v63  }
0x217: {  	p0 =	sne.s32 s19, s11;
	[sflag:s14] =	ssyncadd.s32 $0xFFFF8000  }
.Ltmp6:
0x218: {  	[tilespmem:$0x100A0] =	vst v0;
	(pc) =	sbr.rel @p0 .LBB2_1-.Ltmp6, $4  }
0x219: {  	[hbm4b:s10+s2] =	stream.linear.scatter [tilespmem:s18], [sflag:$0x3], $0x10, $0x38;
	[tilespmem:$0x10120] =	vst v63  }
0x21a: {  	_ =	swait.ge [sflag:s17], $0x10  }
0x21b: {  	[sflag:s17] =	ssyncset.done $0x0  }
0x21c: {  	[sflag:s17] =	ssyncadd.s32 $0xFFFFFFF0  }
0x21d: {  	_ =	sfence.sel $0x180000  }
0x21e: {  	[bflag:$0x0] =	sbarrier.arrive $0xFFFF  }
0x21f: {  	p0 =	sne.s32 s3, $0x0;
	_ =	strace $0x90000047  }
0x220: {  	s0 =	sadd.s32 @!p0 $0x100000, s1;
	[bflag:$0x2] =	sbarrier.arrive $0xFFFF  }
0x221: {  	[sflag:s0] =	ssyncadd.tile.s32 @!p0 $0x1;
	_ =	shalt  }
.Lfunc_end2:
_tile_overlayer_lowered:
.L_overlay_start_2:
0x222: {  	(tag) =	ssettag $0x2  }
0x223: {  	s0 =	rddreg [dreg:$0x0];
	s2 =	stileid.u32  }
0x224: {  	s1 =	rddreg [dreg:$0x1];
	p0 =	sne.s32 s2, $0x0  }
0x225: {  	s3 =	rddreg [dreg:$0x2];
	[bflag:$0x3] =	sbarrier.arrive $0xFFFF;
	s2 =	simm.s32 @!p0 $0x1C03  }
0x226: {  	[timem:s3], [sflag:s2] =	dma.local @!p0 [hbm:s0], s1  }
0x227: {  	s0 =	simm.s32 @!p0 $0x3  }
0x228: {  	_ =	swait.ge @!p0 [sflag:s0], s1  }
0x229: {  	s1 =	ssub.s32 @!p0 $0x0, s1;
	[sflag:s0] =	ssyncset.done @!p0 $0x0  }
0x22a: {  	[sflag:s0] =	ssyncadd.s32 @!p0 s1  }
0x22b: {  	[bflag:$0x3] =	sbarrier.arrive $0xFFFF  }
0x22c: {  	_ =	shalt  }

</sc_bundles>
